<compile_context>
chip_gen: v7x
topology: tpu7x:2x2x1
jax: 0.10.2.dev20260603
libtpu: 0.0.44.dev20260713+nightly
codegen_flags: <defaults>
</compile_context>

<pallas_src>
import functools

import jax
import jax.numpy as jnp
from jax import lax
from jax.experimental import pallas as pl
from jax.experimental.pallas import tpu as pltpu
from jax.experimental.pallas import tpu_sc as plsc

H = 2048
I = 1408
E = 7
NK = 2
N = 4096
TM = 256
INB = 128
NI = I // INB
CR = 10240
P = CR + N
NBLK = P // TM
MR = CR // TM
TB = 512
NW = 32
RR = CR // NW
TPW = N // NW
CH = 16
NCH = RR // CH
CH2 = 8


def _router_body(x_ref, wc_ref, wg_ref, sb_ref, idx_ref, w_ref):
    xb = x_ref[...]
    c = jnp.dot(xb, wc_ref[...], preferred_element_type=jnp.float32)
    g = jnp.dot(xb, wg_ref[...], preferred_element_type=jnp.float32)
    s = jnp.abs(c * (g * jax.nn.sigmoid(g)))
    lanes = lax.broadcasted_iota(jnp.int32, (TB, 128), 1)
    valid = lanes < E
    neg = jnp.float32(-jnp.inf)
    s = jnp.where(valid, s, neg)
    mx = jnp.max(s, axis=1, keepdims=True)
    ex = jnp.where(valid, jnp.exp(s - mx), 0.0)
    sm = ex / jnp.sum(ex, axis=1, keepdims=True)
    scale_row = sb_ref[0:1, :]
    bias_row = sb_ref[1:2, :]
    biased = jnp.where(valid, sm + bias_row, neg)
    v0 = jnp.max(biased, axis=1, keepdims=True)
    i0 = jnp.min(jnp.where(biased == v0, lanes, 128), axis=1, keepdims=True)
    b2 = jnp.where(lanes == i0, neg, biased)
    v1 = jnp.max(b2, axis=1, keepdims=True)
    i1 = jnp.min(jnp.where(b2 == v1, lanes, 128), axis=1, keepdims=True)
    scaled = 1.0 + sm * scale_row
    w0 = jnp.sum(jnp.where(lanes == i0, scaled, 0.0), axis=1, keepdims=True)
    w1 = jnp.sum(jnp.where(lanes == i1, scaled, 0.0), axis=1, keepdims=True)
    idx_ref[...] = jnp.concatenate([i0, i1], axis=1)
    w_ref[...] = jnp.concatenate([w0, w1], axis=1)


def _router(xf, wc_pad, wg_pad, sb):
    return pl.pallas_call(
        _router_body,
        grid=(N // TB,),
        in_specs=[
            pl.BlockSpec((TB, H), lambda t: (t, 0)),
            pl.BlockSpec((H, 128), lambda t: (0, 0)),
            pl.BlockSpec((H, 128), lambda t: (0, 0)),
            pl.BlockSpec((8, 128), lambda t: (0, 0)),
        ],
        out_specs=[
            pl.BlockSpec((TB, 2), lambda t: (t, 0)),
            pl.BlockSpec((TB, 2), lambda t: (t, 0)),
        ],
        out_shape=[
            jax.ShapeDtypeStruct((N, 2), jnp.int32),
            jax.ShapeDtypeStruct((N, 2), jnp.float32),
        ],
    )(xf, wc_pad, wg_pad, sb)


def _meta_body(idx_ref, pos_ref, gid_ref):
    MB = 512
    rows = lax.broadcasted_iota(jnp.int32, (MB, MB), 0)
    cols = lax.broadcasted_iota(jnp.int32, (MB, MB), 1)
    tril = jnp.where(rows >= cols, 1.0, 0.0).astype(jnp.float32)
    lanes = lax.broadcasted_iota(jnp.int32, (MB, 128), 1)

    cnt = jnp.zeros((1, 128), jnp.float32)
    for k in range(NK):
        for blk in range(N // MB):
            e = idx_ref[pl.ds(blk * MB, MB), k:k + 1]
            oh = (e == lanes).astype(jnp.float32)
            cnt = cnt + jnp.sum(oh, axis=0, keepdims=True)
    cnti = cnt.astype(jnp.int32)
    padded = ((cnti + TM - 1) // TM) * TM
    r128 = lax.broadcasted_iota(jnp.int32, (128, 128), 0)
    c128 = lax.broadcasted_iota(jnp.int32, (128, 128), 1)
    sut = jnp.where(r128 < c128, 1.0, 0.0).astype(jnp.float32)
    off = jnp.dot(padded.astype(jnp.float32), sut,
                  preferred_element_type=jnp.float32)

    run = jnp.zeros((1, 128), jnp.float32)
    for k in range(NK):
        for blk in range(N // MB):
            e = idx_ref[pl.ds(blk * MB, MB), k:k + 1]
            oh = (e == lanes).astype(jnp.float32)
            csum = jnp.dot(tril, oh, preferred_element_type=jnp.float32) + run
            rank = jnp.sum(csum * oh, axis=1, keepdims=True) - 1.0
            base = jnp.sum(oh * off, axis=1, keepdims=True)
            pos_ref[pl.ds(blk * MB, MB), k:k + 1] = (rank + base).astype(jnp.int32)
            run = csum[MB - 1:MB, :]

    offi = off.astype(jnp.int32)
    mcol = lax.broadcasted_iota(jnp.int32, (64, 1), 0) * TM
    lanes64 = lax.broadcasted_iota(jnp.int32, (64, 128), 1)
    lm = jnp.logical_and(lanes64 >= 1, lanes64 < E)
    a = jnp.logical_and(mcol >= offi, lm).astype(jnp.int32)
    gid = jnp.sum(a, axis=1, keepdims=True) + (mcol >= CR).astype(jnp.int32)
    gid_ref[...] = gid


def _metadata(idx):
    return pl.pallas_call(
        _meta_body,
        grid=(1,),
        in_specs=[pl.BlockSpec((N, 2), lambda _: (0, 0))],
        out_specs=[
            pl.BlockSpec((N, 2), lambda _: (0, 0)),
            pl.BlockSpec((64, 1), lambda _: (0, 0)),
        ],
        out_shape=[
            jax.ShapeDtypeStruct((N, 2), jnp.int32),
            jax.ShapeDtypeStruct((64, 1), jnp.int32),
        ],
    )(idx)


def _dispatch_body(x_hbm, pos_hbm, wp_hbm, xs_hbm, wsl_hbm,
                   tokv, wv, posv, wpv, rows0, rows1, sem0, sem1):
    core = lax.axis_index("c")
    sub = lax.axis_index("s")
    wid = sub * 2 + core
    pltpu.sync_copy(pos_hbm, posv)
    pltpu.sync_copy(wp_hbm, wpv)

    lane = lax.broadcasted_iota(jnp.int32, (16,), 0)
    zero_i = jnp.zeros((16,), jnp.int32)
    zero_f = jnp.zeros((16,), jnp.float32)

    def init_body(i, _):
        for u in range(4):
            tokv[pl.ds((i * 4 + u) * 16, 16)] = zero_i
            wv[pl.ds((i * 4 + u) * 16, 16)] = zero_f
        return 0

    lax.fori_loop(0, CR // 64, init_body, 0)

    def sc_body(i, _):
        for u in range(4):
            j = i * 4 + u
            pv = posv[pl.ds(j * 16, 16)]
            tv = lax.shift_right_logical(j * 16 + lane, 1)
            wvv = wpv[pl.ds(j * 16, 16)]
            plsc.store_scatter(tokv, [pv], tv)
            plsc.store_scatter(wv, [pv], wvv)
        return 0

    lax.fori_loop(0, (N * NK) // 64, sc_body, 0)

    base = wid * RR
    pltpu.sync_copy(wv.at[pl.ds(base, RR)], wsl_hbm.at[pl.ds(base, RR)])

    bufs = (rows0, rows1)
    sems = (sem0, sem1)
    cp0 = pltpu.async_copy(x_hbm.at[tokv.at[pl.ds(base, CH)]], rows0, sem0)

    def g_body(c, _):
        for u in range(2):
            cc = c * 2 + u
            b = bufs[u]
            s = sems[u]
            nb = bufs[1 - u]
            ns = sems[1 - u]
            pltpu.make_async_copy(x_hbm.at[tokv.at[pl.ds(base, CH)]], b, s).wait()

            @pl.when(cc + 1 < NCH)
            def _():
                start_n = base + (cc + 1) * CH
                pltpu.async_copy(x_hbm.at[tokv.at[pl.ds(start_n, CH)]], nb, ns)

            pltpu.sync_copy(b, xs_hbm.at[pl.ds(base + cc * CH, CH)])
        return 0

    lax.fori_loop(0, NCH // 2, g_body, 0)


def _dispatch(xf, pos2, wp2):
    mesh = plsc.VectorSubcoreMesh(core_axis_name="c", subcore_axis_name="s")
    f = pl.kernel(
        _dispatch_body,
        out_type=[
            jax.ShapeDtypeStruct((CR, H), jnp.float32),
            jax.ShapeDtypeStruct((CR,), jnp.float32),
        ],
        mesh=mesh,
        scratch_types=[
            pltpu.VMEM((CR,), jnp.int32),
            pltpu.VMEM((CR,), jnp.float32),
            pltpu.VMEM((N * NK,), jnp.int32),
            pltpu.VMEM((N * NK,), jnp.float32),
            pltpu.VMEM((CH, H), jnp.float32),
            pltpu.VMEM((CH, H), jnp.float32),
            pltpu.SemaphoreType.DMA,
            pltpu.SemaphoreType.DMA,
        ],
        compiler_params=pltpu.CompilerParams(needs_layout_passes=False),
    )
    return f(xf, pos2, wp2)


def _stack_cast_body(exp_ref, sh_ref, out_ref):
    e = pl.program_id(0)

    @pl.when(e < E)
    def _():
        out_ref[...] = exp_ref[...].astype(jnp.bfloat16)

    @pl.when(e == E)
    def _():
        out_ref[...] = sh_ref[...].astype(jnp.bfloat16)


def _stack_cast(exp, sh):
    _, d0, d1 = exp.shape
    hb = d0 // 2
    return pl.pallas_call(
        _stack_cast_body,
        grid=(E + 1, 2),
        in_specs=[
            pl.BlockSpec((1, hb, d1), lambda e, h: (jnp.minimum(e, E - 1), h, 0)),
            pl.BlockSpec((1, hb, d1), lambda e, h: (0, jnp.where(e == E, h, 0), 0)),
        ],
        out_specs=pl.BlockSpec((1, hb, d1), lambda e, h: (e, h, 0)),
        out_shape=jax.ShapeDtypeStruct((E + 1, d0, d1), jnp.bfloat16),
        compiler_params=pltpu.CompilerParams(
            dimension_semantics=("arbitrary", "arbitrary"),
        ),
    )(exp, sh)


def _gmm_body(gid_ref, xs_ref, xf_ref, wg_ref, wu_ref, wd_ref, wsl_ref, out_ref):
    m = pl.program_id(0)
    is_sh = gid_ref[m] == E
    xb = jnp.where(is_sh, xf_ref[...], xs_ref[...]).astype(jnp.bfloat16)
    g = jnp.dot(xb, wg_ref[0], preferred_element_type=jnp.float32)
    u = jnp.dot(xb, wu_ref[0], preferred_element_type=jnp.float32)
    h = (g * jax.nn.sigmoid(g) * u).astype(jnp.bfloat16)
    part = jnp.dot(h, wd_ref[0], preferred_element_type=jnp.float32)
    scale = jnp.where(is_sh, 1.0, wsl_ref[...])
    out_ref[...] = part * scale


def _gmm(gid1d, xs, xf, wg_all, wu_all, wd_all, wsl2):
    grid_spec = pltpu.PrefetchScalarGridSpec(
        num_scalar_prefetch=1,
        grid=(NBLK,),
        in_specs=[
            pl.BlockSpec((TM, H), lambda m, gid: (jnp.minimum(m, MR - 1), 0)),
            pl.BlockSpec((TM, H), lambda m, gid: (jnp.maximum(m - MR, 0), 0)),
            pl.BlockSpec((1, H, I), lambda m, gid: (gid[m], 0, 0)),
            pl.BlockSpec((1, H, I), lambda m, gid: (gid[m], 0, 0)),
            pl.BlockSpec((1, I, H), lambda m, gid: (gid[m], 0, 0)),
            pl.BlockSpec((TM, 1), lambda m, gid: (jnp.minimum(m, MR - 1), 0)),
        ],
        out_specs=pl.BlockSpec((TM, H), lambda m, gid: (m, 0)),
    )
    return pl.pallas_call(
        _gmm_body,
        grid_spec=grid_spec,
        out_shape=jax.ShapeDtypeStruct((P, H), jnp.float32),
        compiler_params=pltpu.CompilerParams(
            dimension_semantics=("arbitrary",),
            vmem_limit_bytes=116 * 1024 * 1024,
        ),
    )(gid1d, xs, xf, wg_all, wu_all, wd_all, wsl2)


def _combine_body(eo_hbm, p0_hbm, p1_hbm, out_hbm,
                  i0v, i1v, bufa0, bufb0, bufc0, bufa1, bufb1, bufc1,
                  sem0, sem1):
    core = lax.axis_index("c")
    sub = lax.axis_index("s")
    wid = sub * 2 + core
    tb = wid * TPW
    pltpu.sync_copy(p0_hbm.at[pl.ds(tb, TPW)], i0v)
    pltpu.sync_copy(p1_hbm.at[pl.ds(tb, TPW)], i1v)

    bas = (bufa0, bufa1)
    bbs = (bufb0, bufb1)
    bcs = (bufc0, bufc1)
    sems = (sem0, sem1)
    NCC = TPW // CH2

    def issue(c, k):
        pltpu.async_copy(eo_hbm.at[i0v.at[pl.ds(c * CH2, CH2)]], bas[k], sems[k])
        pltpu.async_copy(eo_hbm.at[i1v.at[pl.ds(c * CH2, CH2)]], bbs[k], sems[k])
        pltpu.async_copy(eo_hbm.at[pl.ds(CR + tb + c * CH2, CH2)], bcs[k], sems[k])

    issue(0, 0)

    def chunk(c, _):
        for k in range(2):
            cc = c * 2 + k
            ba, bb, bc, sm = bas[k], bbs[k], bcs[k], sems[k]
            pltpu.make_async_copy(eo_hbm.at[pl.ds(0, CH2)], ba, sm).wait()
            pltpu.make_async_copy(eo_hbm.at[pl.ds(0, CH2)], bb, sm).wait()
            pltpu.make_async_copy(eo_hbm.at[pl.ds(0, CH2)], bc, sm).wait()

            @pl.when(cc + 1 < NCC)
            def _():
                issue(cc + 1, 1 - k)

            def row(r, _):
                def seg(cb, _):
                    for u in range(4):
                        d = pl.ds((cb * 4 + u) * 16, 16)
                        ba[r, d] = ba[r, d] + bb[r, d] + bc[r, d]
                    return 0
                lax.fori_loop(0, H // 64, seg, 0)
                return 0

            lax.fori_loop(0, CH2, row, 0)
            pltpu.sync_copy(ba, out_hbm.at[pl.ds(tb + cc * CH2, CH2)])
        return 0

    lax.fori_loop(0, NCC // 2, chunk, 0)


def _combine(eo, p0, p1):
    mesh = plsc.VectorSubcoreMesh(core_axis_name="c", subcore_axis_name="s")
    f = pl.kernel(
        _combine_body,
        out_type=jax.ShapeDtypeStruct((N, H), jnp.float32),
        mesh=mesh,
        scratch_types=[
            pltpu.VMEM((TPW,), jnp.int32),
            pltpu.VMEM((TPW,), jnp.int32),
            pltpu.VMEM((CH2, H), jnp.float32),
            pltpu.VMEM((CH2, H), jnp.float32),
            pltpu.VMEM((CH2, H), jnp.float32),
            pltpu.VMEM((CH2, H), jnp.float32),
            pltpu.VMEM((CH2, H), jnp.float32),
            pltpu.VMEM((CH2, H), jnp.float32),
            pltpu.SemaphoreType.DMA,
            pltpu.SemaphoreType.DMA,
        ],
        compiler_params=pltpu.CompilerParams(needs_layout_passes=False),
    )
    return f(eo, p0, p1)


def kernel(x, router_gate_W, router_cls_W, extra_scale, extra_bias,
           expert_Wg, expert_Wu, expert_Wd, shared_Wg, shared_Wu, shared_Wd):
    xf = x.reshape(-1, H)
    wc_pad = jnp.pad(router_cls_W, ((0, 0), (0, 128 - E)))
    wg_pad = jnp.pad(router_gate_W, ((0, 0), (0, 128 - E)))
    sb = jnp.pad(jnp.stack([extra_scale, extra_bias]),
                 ((0, 6), (0, 128 - E)))
    idx, w = _router(xf, wc_pad, wg_pad, sb)
    pos, gid = _metadata(idx)
    gid1d = gid[:, 0]
    pos2 = pos.reshape(-1)
    wp2 = w.reshape(-1)
    xs, wsl = _dispatch(xf, pos2, wp2)
    wg_all = _stack_cast(expert_Wg, shared_Wg[None])
    wu_all = _stack_cast(expert_Wu, shared_Wu[None])
    wd_all = _stack_cast(expert_Wd, shared_Wd[None])
    eo = _gmm(gid1d, xs, xf, wg_all, wu_all, wd_all, wsl.reshape(CR, 1))
    out = _combine(eo, pos[:, 0], pos[:, 1])
    return out.reshape(x.shape)

# --- scband reference (transcript-rebuilt; emitter-appended) ---
"""Pipeline reference for scband-mo-e-69123203661943 (READ-ONLY COPY).

The authoritative reference and input builder live on the scoring server;
editing this copy changes nothing except your own understanding.
"""

import jax, jax.numpy as jnp
import numpy as np

HIDDEN = 2048
INTER = 1408
N_EXPERTS = 8
N_SHARED = 1
N_ROUTED = N_EXPERTS - N_SHARED  # 7
TOPK = 2
B = 2
S = 2048


def setup_inputs(seed: int = 0) -> dict:
    key = jax.random.key(seed)
    ks = jax.random.split(key, 12)
    scale = 0.02
    x = jax.random.normal(ks[0], (B, S, HIDDEN), dtype=jnp.float32)
    router_gate_W = jax.random.normal(ks[1], (HIDDEN, N_ROUTED), dtype=jnp.float32) * scale
    router_cls_W = jax.random.normal(ks[2], (HIDDEN, N_ROUTED), dtype=jnp.float32) * scale
    extra_scale = jnp.zeros((N_ROUTED,), dtype=jnp.float32)
    extra_bias = jnp.zeros((N_ROUTED,), dtype=jnp.float32)
    expert_Wg = jax.random.normal(ks[3], (N_ROUTED, HIDDEN, INTER), dtype=jnp.float32) * scale
    expert_Wu = jax.random.normal(ks[4], (N_ROUTED, HIDDEN, INTER), dtype=jnp.float32) * scale
    expert_Wd = jax.random.normal(ks[5], (N_ROUTED, INTER, HIDDEN), dtype=jnp.float32) * scale
    shared_Wg = jax.random.normal(ks[6], (HIDDEN, N_SHARED * INTER), dtype=jnp.float32) * scale
    shared_Wu = jax.random.normal(ks[7], (HIDDEN, N_SHARED * INTER), dtype=jnp.float32) * scale
    shared_Wd = jax.random.normal(ks[8], (N_SHARED * INTER, HIDDEN), dtype=jnp.float32) * scale
    return {
        "x": x,
        "router_gate_W": router_gate_W,
        "router_cls_W": router_cls_W,
        "extra_scale": extra_scale,
        "extra_bias": extra_bias,
        "expert_Wg": expert_Wg,
        "expert_Wu": expert_Wu,
        "expert_Wd": expert_Wd,
        "shared_Wg": shared_Wg,
        "shared_Wu": shared_Wu,
        "shared_Wd": shared_Wd,
    }


def reference(x, router_gate_W, router_cls_W, extra_scale, extra_bias,
              expert_Wg, expert_Wu, expert_Wd, shared_Wg, shared_Wu, shared_Wd):
    shape = x.shape
    xf = x.reshape(-1, HIDDEN)
    # Router: scores = |classifier(x) * silu(gate(x))| -> softmax(float32)
    scores = jnp.abs((xf @ router_cls_W) * jax.nn.silu(xf @ router_gate_W))
    scores = jax.nn.softmax(scores.astype(jnp.float32), axis=-1)
    original_scores = scores
    biased = scores + extra_bias[None, :]
    _, indices = jax.lax.top_k(biased, TOPK)  # [N, TOPK]
    original_scores = 1.0 + original_scores * extra_scale[None, :]
    weights = jnp.take_along_axis(original_scores, indices, axis=1).astype(x.dtype)  # [N, TOPK]
    # Expert dispatch: dense-equivalent formulation. For each routed expert i,
    # per-token weight is sum of routing weights where indices == i (0 if not selected),
    # which reproduces y[idx] += expert(x[idx]) * weights[idx, top] exactly.
    y = jnp.zeros_like(xf)
    for i in range(N_ROUTED):
        mask = (indices == i).astype(x.dtype)  # [N, TOPK]
        w_i = jnp.sum(weights * mask, axis=1)  # [N]
        gate = jax.nn.silu(xf @ expert_Wg[i])
        up = xf @ expert_Wu[i]
        out = (gate * up) @ expert_Wd[i]
        y = y + out * w_i[:, None]
    # Shared experts (always-on LlamaMLP with n_shared * inter dim)
    z = (jax.nn.silu(xf @ shared_Wg) * (xf @ shared_Wu)) @ shared_Wd
    return (y + z).reshape(shape)

if __name__ == "__main__":
    import jax
    _d = setup_inputs()
    print(jax.jit(kernel)(*tuple(_d.values())))

</pallas_src>

<mosaic_0001>
#map = affine_map<(d0, d1) -> (0, 0)>
#map1 = affine_map<(d0, d1) -> (0)>
module attributes {stable_mosaic.version = 14 : i64} {
  func.func @_combine_body(%arg0: i32, %arg1: i32, %arg2: memref<14336x2048xf32, #tpu.memory_space<hbm>>, %arg3: memref<4096xi32, #tpu.memory_space<hbm>>, %arg4: memref<4096xi32, #tpu.memory_space<hbm>>, %arg5: memref<4096x2048xf32, #tpu.memory_space<hbm>>, %arg6: memref<128xi32, #tpu.memory_space<vmem>>, %arg7: memref<128xi32, #tpu.memory_space<vmem>>, %arg8: memref<8x2048xf32, #tpu.memory_space<vmem>>, %arg9: memref<8x2048xf32, #tpu.memory_space<vmem>>, %arg10: memref<8x2048xf32, #tpu.memory_space<vmem>>, %arg11: memref<8x2048xf32, #tpu.memory_space<vmem>>, %arg12: memref<8x2048xf32, #tpu.memory_space<vmem>>, %arg13: memref<8x2048xf32, #tpu.memory_space<vmem>>, %arg14: memref<!tpu.dma_semaphore, #tpu.memory_space<semaphore_mem>>, %arg15: memref<!tpu.dma_semaphore, #tpu.memory_space<semaphore_mem>>) attributes {dimension_semantics = [#tpu.dimension_semantics<core_parallel>, #tpu.dimension_semantics<subcore_parallel>], iteration_bounds = array<i64: 2, 16>, scalar_prefetch = 0 : i64, scratch_operands = 10 : i64, tpu.core_type = #tpu.core_type<sc_vector_subcore>, window_params = [{transform_indices = #map}, {transform_indices = #map1}, {transform_indices = #map1}, {transform_indices = #map}]} {
    %mul3A = arith.constant 2 : i32
    %mul3A_0 = arith.muli %arg1, %mul3A : i32
    %add3A = arith.addi %mul3A_0, %arg0 : i32
    %mul3A_1 = arith.constant 128 : i32
    %mul3A_2 = arith.muli %add3A, %mul3A_1 : i32
    "tpu.region"() ({
      %run_scoped3A = tpu.sem_alloc : memref<!tpu.dma_semaphore, #tpu.memory_space<semaphore_mem>>
      %dma_start3A_26 = tpu.memref_slice %arg3[%mul3A_2] : memref<4096xi32, #tpu.memory_space<hbm>> -> memref<128xi32, #tpu.memory_space<hbm>>
      %dma_start3A_27 = tpu.memref_slice %arg3[%mul3A_2] : memref<4096xi32, #tpu.memory_space<hbm>> -> memref<128xi32, #tpu.memory_space<hbm>>
      tpu.enqueue_dma source(%dma_start3A_27 : memref<128xi32, #tpu.memory_space<hbm>>) target(%arg6 : memref<128xi32, #tpu.memory_space<vmem>>) target_semaphore(%run_scoped3A : memref<!tpu.dma_semaphore, #tpu.memory_space<semaphore_mem>>)
      %dma_wait3A = tpu.memref_slice %arg3[%mul3A_2] : memref<4096xi32, #tpu.memory_space<hbm>> -> memref<128xi32, #tpu.memory_space<hbm>>
      %dma_wait3A_28 = tpu.memref_slice %arg3[%mul3A_2] : memref<4096xi32, #tpu.memory_space<hbm>> -> memref<128xi32, #tpu.memory_space<hbm>>
      tpu.wait_dma2 semaphore(%run_scoped3A : memref<!tpu.dma_semaphore, #tpu.memory_space<semaphore_mem>>) src(%dma_wait3A_28 : memref<128xi32, #tpu.memory_space<hbm>>) dst(%arg6 : memref<128xi32, #tpu.memory_space<vmem>>)
      tpu.yield
    }) : () -> ()
    "tpu.region"() ({
      %run_scoped3A = tpu.sem_alloc : memref<!tpu.dma_semaphore, #tpu.memory_space<semaphore_mem>>
      %dma_start3A_26 = tpu.memref_slice %arg4[%mul3A_2] : memref<4096xi32, #tpu.memory_space<hbm>> -> memref<128xi32, #tpu.memory_space<hbm>>
      %dma_start3A_27 = tpu.memref_slice %arg4[%mul3A_2] : memref<4096xi32, #tpu.memory_space<hbm>> -> memref<128xi32, #tpu.memory_space<hbm>>
      tpu.enqueue_dma source(%dma_start3A_27 : memref<128xi32, #tpu.memory_space<hbm>>) target(%arg7 : memref<128xi32, #tpu.memory_space<vmem>>) target_semaphore(%run_scoped3A : memref<!tpu.dma_semaphore, #tpu.memory_space<semaphore_mem>>)
      %dma_wait3A = tpu.memref_slice %arg4[%mul3A_2] : memref<4096xi32, #tpu.memory_space<hbm>> -> memref<128xi32, #tpu.memory_space<hbm>>
      %dma_wait3A_28 = tpu.memref_slice %arg4[%mul3A_2] : memref<4096xi32, #tpu.memory_space<hbm>> -> memref<128xi32, #tpu.memory_space<hbm>>
      tpu.wait_dma2 semaphore(%run_scoped3A : memref<!tpu.dma_semaphore, #tpu.memory_space<semaphore_mem>>) src(%dma_wait3A_28 : memref<128xi32, #tpu.memory_space<hbm>>) dst(%arg7 : memref<128xi32, #tpu.memory_space<vmem>>)
      tpu.yield
    }) : () -> ()
    %dma_start3A = arith.constant 0 : i32
    %dma_start3A_3 = tpu.memref_slice %arg6[%dma_start3A] : memref<128xi32, #tpu.memory_space<vmem>> -> memref<8xi32, #tpu.memory_space<vmem>>
    %dma_start3A_4 = arith.constant 0 : i32
    %dma_start3A_5 = arith.constant 0 : i32
    %dma_start3A_6 = tpu.memref_slice %arg2[%dma_start3A_4, %dma_start3A_5] : memref<14336x2048xf32, #tpu.memory_space<hbm>> -> memref<14336x2048xf32, #tpu.memory_space<hbm>>
    tpu.enqueue_indirect_dma source(%dma_start3A_6 : memref<14336x2048xf32, #tpu.memory_space<hbm>>) target(%arg8 : memref<8x2048xf32, #tpu.memory_space<vmem>>) offsets(%dma_start3A_3 : memref<8xi32, #tpu.memory_space<vmem>>) semaphore(%arg14 : memref<!tpu.dma_semaphore, #tpu.memory_space<semaphore_mem>>)
    %dma_start3A_7 = arith.constant 0 : i32
    %dma_start3A_8 = tpu.memref_slice %arg7[%dma_start3A_7] : memref<128xi32, #tpu.memory_space<vmem>> -> memref<8xi32, #tpu.memory_space<vmem>>
    %dma_start3A_9 = arith.constant 0 : i32
    %dma_start3A_10 = arith.constant 0 : i32
    %dma_start3A_11 = tpu.memref_slice %arg2[%dma_start3A_9, %dma_start3A_10] : memref<14336x2048xf32, #tpu.memory_space<hbm>> -> memref<14336x2048xf32, #tpu.memory_space<hbm>>
    tpu.enqueue_indirect_dma source(%dma_start3A_11 : memref<14336x2048xf32, #tpu.memory_space<hbm>>) target(%arg9 : memref<8x2048xf32, #tpu.memory_space<vmem>>) offsets(%dma_start3A_8 : memref<8xi32, #tpu.memory_space<vmem>>) semaphore(%arg14 : memref<!tpu.dma_semaphore, #tpu.memory_space<semaphore_mem>>)
    %add3A_12 = arith.constant 10240 : i32
    %add3A_13 = arith.addi %add3A_12, %mul3A_2 : i32
    %add3A_14 = arith.constant 0 : i32
    %add3A_15 = arith.addi %add3A_13, %add3A_14 : i32
    %dma_start3A_16 = arith.constant 0 : i32
    %dma_start3A_17 = tpu.memref_slice %arg2[%add3A_15, %dma_start3A_16] : memref<14336x2048xf32, #tpu.memory_space<hbm>> -> memref<8x2048xf32, #tpu.memory_space<hbm>>
    %dma_start3A_18 = arith.constant 0 : i32
    %dma_start3A_19 = tpu.memref_slice %arg2[%add3A_15, %dma_start3A_18] : memref<14336x2048xf32, #tpu.memory_space<hbm>> -> memref<8x2048xf32, #tpu.memory_space<hbm>>
    tpu.enqueue_dma source(%dma_start3A_19 : memref<8x2048xf32, #tpu.memory_space<hbm>>) target(%arg10 : memref<8x2048xf32, #tpu.memory_space<vmem>>) target_semaphore(%arg14 : memref<!tpu.dma_semaphore, #tpu.memory_space<semaphore_mem>>)
    %scan3A = arith.constant 0 : i32
    %scan3A_20 = arith.constant 0 : i32
    %scan3A_21 = arith.constant 8 : i32
    %scan3A_22 = arith.addi %scan3A_20, %scan3A_21 : i32
    %scan3A_23 = arith.constant 1 : i32
    %scan3A_24 = scf.for %scan3A_26 = %scan3A_20 to %scan3A_22 step %scan3A_23 iter_args(%scan3A_27 = %scan3A) -> (i32)  : i32 {
      %mul3A_28 = arith.constant 2 : i32
      %mul3A_29 = arith.muli %scan3A_26, %mul3A_28 : i32
      %add3A_30 = arith.constant 0 : i32
      %add3A_31 = arith.addi %mul3A_29, %add3A_30 : i32
      %dma_wait3A = arith.constant 0 : i32
      %dma_wait3A_32 = arith.constant 0 : i32
      %dma_wait3A_33 = tpu.memref_slice %arg2[%dma_wait3A, %dma_wait3A_32] : memref<14336x2048xf32, #tpu.memory_space<hbm>> -> memref<8x2048xf32, #tpu.memory_space<hbm>>
      %dma_wait3A_34 = arith.constant 0 : i32
      %dma_wait3A_35 = arith.constant 0 : i32
      %dma_wait3A_36 = tpu.memref_slice %arg2[%dma_wait3A_34, %dma_wait3A_35] : memref<14336x2048xf32, #tpu.memory_space<hbm>> -> memref<8x2048xf32, #tpu.memory_space<hbm>>
      tpu.wait_dma2 semaphore(%arg14 : memref<!tpu.dma_semaphore, #tpu.memory_space<semaphore_mem>>) src(%dma_wait3A_36 : memref<8x2048xf32, #tpu.memory_space<hbm>>) dst(%arg8 : memref<8x2048xf32, #tpu.memory_space<vmem>>)
      %dma_wait3A_37 = arith.constant 0 : i32
      %dma_wait3A_38 = arith.constant 0 : i32
      %dma_wait3A_39 = tpu.memref_slice %arg2[%dma_wait3A_37, %dma_wait3A_38] : memref<14336x2048xf32, #tpu.memory_space<hbm>> -> memref<8x2048xf32, #tpu.memory_space<hbm>>
      %dma_wait3A_40 = arith.constant 0 : i32
      %dma_wait3A_41 = arith.constant 0 : i32
      %dma_wait3A_42 = tpu.memref_slice %arg2[%dma_wait3A_40, %dma_wait3A_41] : memref<14336x2048xf32, #tpu.memory_space<hbm>> -> memref<8x2048xf32, #tpu.memory_space<hbm>>
      tpu.wait_dma2 semaphore(%arg14 : memref<!tpu.dma_semaphore, #tpu.memory_space<semaphore_mem>>) src(%dma_wait3A_42 : memref<8x2048xf32, #tpu.memory_space<hbm>>) dst(%arg9 : memref<8x2048xf32, #tpu.memory_space<vmem>>)
      %dma_wait3A_43 = arith.constant 0 : i32
      %dma_wait3A_44 = arith.constant 0 : i32
      %dma_wait3A_45 = tpu.memref_slice %arg2[%dma_wait3A_43, %dma_wait3A_44] : memref<14336x2048xf32, #tpu.memory_space<hbm>> -> memref<8x2048xf32, #tpu.memory_space<hbm>>
      %dma_wait3A_46 = arith.constant 0 : i32
      %dma_wait3A_47 = arith.constant 0 : i32
      %dma_wait3A_48 = tpu.memref_slice %arg2[%dma_wait3A_46, %dma_wait3A_47] : memref<14336x2048xf32, #tpu.memory_space<hbm>> -> memref<8x2048xf32, #tpu.memory_space<hbm>>
      tpu.wait_dma2 semaphore(%arg14 : memref<!tpu.dma_semaphore, #tpu.memory_space<semaphore_mem>>) src(%dma_wait3A_48 : memref<8x2048xf32, #tpu.memory_space<hbm>>) dst(%arg10 : memref<8x2048xf32, #tpu.memory_space<vmem>>)
      %add3A_49 = arith.constant 1 : i32
      %add3A_50 = arith.addi %add3A_31, %add3A_49 : i32
      %lt3A = arith.constant 16 : i32
      %lt3A_51 = arith.cmpi slt, %add3A_50, %lt3A : i32
      %convert_element_type3A = arith.extui %lt3A_51 : i1 to i32
      %cond3A = arith.constant 0 : i32
      %cond3A_52 = arith.cmpi ne, %convert_element_type3A, %cond3A : i32
      scf.if %cond3A_52 {
        %add3A_103 = arith.constant 1 : i32
        %add3A_104 = arith.addi %add3A_31, %add3A_103 : i32
        %mul3A_105 = arith.constant 8 : i32
        %mul3A_106 = arith.muli %add3A_104, %mul3A_105 : i32
        %dma_start3A_107 = tpu.memref_slice %arg6[%mul3A_106] : memref<128xi32, #tpu.memory_space<vmem>> -> memref<8xi32, #tpu.memory_space<vmem>>
        %dma_start3A_108 = arith.constant 0 : i32
        %dma_start3A_109 = arith.constant 0 : i32
        %dma_start3A_110 = tpu.memref_slice %arg2[%dma_start3A_108, %dma_start3A_109] : memref<14336x2048xf32, #tpu.memory_space<hbm>> -> memref<14336x2048xf32, #tpu.memory_space<hbm>>
        tpu.enqueue_indirect_dma source(%dma_start3A_110 : memref<14336x2048xf32, #tpu.memory_space<hbm>>) target(%arg11 : memref<8x2048xf32, #tpu.memory_space<vmem>>) offsets(%dma_start3A_107 : memref<8xi32, #tpu.memory_space<vmem>>) semaphore(%arg15 : memref<!tpu.dma_semaphore, #tpu.memory_space<semaphore_mem>>)
        %mul3A_111 = arith.constant 8 : i32
        %mul3A_112 = arith.muli %add3A_104, %mul3A_111 : i32
        %dma_start3A_113 = tpu.memref_slice %arg7[%mul3A_112] : memref<128xi32, #tpu.memory_space<vmem>> -> memref<8xi32, #tpu.memory_space<vmem>>
        %dma_start3A_114 = arith.constant 0 : i32
        %dma_start3A_115 = arith.constant 0 : i32
        %dma_start3A_116 = tpu.memref_slice %arg2[%dma_start3A_114, %dma_start3A_115] : memref<14336x2048xf32, #tpu.memory_space<hbm>> -> memref<14336x2048xf32, #tpu.memory_space<hbm>>
        tpu.enqueue_indirect_dma source(%dma_start3A_116 : memref<14336x2048xf32, #tpu.memory_space<hbm>>) target(%arg12 : memref<8x2048xf32, #tpu.memory_space<vmem>>) offsets(%dma_start3A_113 : memref<8xi32, #tpu.memory_space<vmem>>) semaphore(%arg15 : memref<!tpu.dma_semaphore, #tpu.memory_space<semaphore_mem>>)
        %add3A_117 = arith.constant 10240 : i32
        %add3A_118 = arith.addi %add3A_117, %mul3A_2 : i32
        %mul3A_119 = arith.constant 8 : i32
        %mul3A_120 = arith.muli %add3A_104, %mul3A_119 : i32
        %add3A_121 = arith.addi %add3A_118, %mul3A_120 : i32
        %dma_start3A_122 = arith.constant 0 : i32
        %dma_start3A_123 = tpu.memref_slice %arg2[%add3A_121, %dma_start3A_122] : memref<14336x2048xf32, #tpu.memory_space<hbm>> -> memref<8x2048xf32, #tpu.memory_space<hbm>>
        %dma_start3A_124 = arith.constant 0 : i32
        %dma_start3A_125 = tpu.memref_slice %arg2[%add3A_121, %dma_start3A_124] : memref<14336x2048xf32, #tpu.memory_space<hbm>> -> memref<8x2048xf32, #tpu.memory_space<hbm>>
        tpu.enqueue_dma source(%dma_start3A_125 : memref<8x2048xf32, #tpu.memory_space<hbm>>) target(%arg13 : memref<8x2048xf32, #tpu.memory_space<vmem>>) target_semaphore(%arg15 : memref<!tpu.dma_semaphore, #tpu.memory_space<semaphore_mem>>)
      } else {
      }
      %scan3A_53 = arith.constant 0 : i32
      %scan3A_54 = arith.constant 0 : i32
      %scan3A_55 = arith.constant 8 : i32
      %scan3A_56 = arith.addi %scan3A_54, %scan3A_55 : i32
      %scan3A_57 = arith.constant 1 : i32
      %scan3A_58 = scf.for %scan3A_103 = %scan3A_54 to %scan3A_56 step %scan3A_57 iter_args(%scan3A_104 = %scan3A_53) -> (i32)  : i32 {
        %scan3A_105 = arith.constant 0 : i32
        %scan3A_106 = arith.constant 0 : i32
        %scan3A_107 = arith.constant 32 : i32
        %scan3A_108 = arith.addi %scan3A_106, %scan3A_107 : i32
        %scan3A_109 = arith.constant 1 : i32
        %scan3A_110 = scf.for %scan3A_113 = %scan3A_106 to %scan3A_108 step %scan3A_109 iter_args(%scan3A_114 = %scan3A_105) -> (i32)  : i32 {
          %mul3A_115 = arith.constant 4 : i32
          %mul3A_116 = arith.muli %scan3A_113, %mul3A_115 : i32
          %add3A_117 = arith.constant 0 : i32
          %add3A_118 = arith.addi %mul3A_116, %add3A_117 : i32
          %mul3A_119 = arith.constant 16 : i32
          %mul3A_120 = arith.muli %add3A_118, %mul3A_119 : i32
          %get3A = arith.index_cast %scan3A_103 : i32 to index
          %get3A_121 = arith.index_cast %mul3A_120 : i32 to index
          %get3A_122 = tpu.vector_load %arg8[%get3A, %get3A_121] {strides = array<i32>} : memref<8x2048xf32, #tpu.memory_space<vmem>>, vector<16xf32>,
          %get3A_123 = arith.index_cast %scan3A_103 : i32 to index
          %get3A_124 = arith.index_cast %mul3A_120 : i32 to index
          %get3A_125 = tpu.vector_load %arg9[%get3A_123, %get3A_124] {strides = array<i32>} : memref<8x2048xf32, #tpu.memory_space<vmem>>, vector<16xf32>,
          %add3A_126 = arith.addf %get3A_122, %get3A_125 : vector<16xf32>
          %get3A_127 = arith.index_cast %scan3A_103 : i32 to index
          %get3A_128 = arith.index_cast %mul3A_120 : i32 to index
          %get3A_129 = tpu.vector_load %arg10[%get3A_127, %get3A_128] {strides = array<i32>} : memref<8x2048xf32, #tpu.memory_space<vmem>>, vector<16xf32>,
          %add3A_130 = arith.addf %add3A_126, %get3A_129 : vector<16xf32>
          %swap3A = arith.index_cast %scan3A_103 : i32 to index
          %swap3A_131 = arith.index_cast %mul3A_120 : i32 to index
          %swap3A_132 = tpu.vector_load %arg8[%swap3A, %swap3A_131] {strides = array<i32>} : memref<8x2048xf32, #tpu.memory_space<vmem>>, vector<16xf32>,
          tpu.vector_store %arg8[%swap3A, %swap3A_131], %add3A_130 {strides = array<i32>} : memref<8x2048xf32, #tpu.memory_space<vmem>>, vector<16xf32>,
          %mul3A_133 = arith.constant 4 : i32
          %mul3A_134 = arith.muli %scan3A_113, %mul3A_133 : i32
          %add3A_135 = arith.constant 1 : i32
          %add3A_136 = arith.addi %mul3A_134, %add3A_135 : i32
          %mul3A_137 = arith.constant 16 : i32
          %mul3A_138 = arith.muli %add3A_136, %mul3A_137 : i32
          %get3A_139 = arith.index_cast %scan3A_103 : i32 to index
          %get3A_140 = arith.index_cast %mul3A_138 : i32 to index
          %get3A_141 = tpu.vector_load %arg8[%get3A_139, %get3A_140] {strides = array<i32>} : memref<8x2048xf32, #tpu.memory_space<vmem>>, vector<16xf32>,
          %get3A_142 = arith.index_cast %scan3A_103 : i32 to index
          %get3A_143 = arith.index_cast %mul3A_138 : i32 to index
          %get3A_144 = tpu.vector_load %arg9[%get3A_142, %get3A_143] {strides = array<i32>} : memref<8x2048xf32, #tpu.memory_space<vmem>>, vector<16xf32>,
          %add3A_145 = arith.addf %get3A_141, %get3A_144 : vector<16xf32>
          %get3A_146 = arith.index_cast %scan3A_103 : i32 to index
          %get3A_147 = arith.index_cast %mul3A_138 : i32 to index
          %get3A_148 = tpu.vector_load %arg10[%get3A_146, %get3A_147] {strides = array<i32>} : memref<8x2048xf32, #tpu.memory_space<vmem>>, vector<16xf32>,
          %add3A_149 = arith.addf %add3A_145, %get3A_148 : vector<16xf32>
          %swap3A_150 = arith.index_cast %scan3A_103 : i32 to index
          %swap3A_151 = arith.index_cast %mul3A_138 : i32 to index
          %swap3A_152 = tpu.vector_load %arg8[%swap3A_150, %swap3A_151] {strides = array<i32>} : memref<8x2048xf32, #tpu.memory_space<vmem>>, vector<16xf32>,
          tpu.vector_store %arg8[%swap3A_150, %swap3A_151], %add3A_149 {strides = array<i32>} : memref<8x2048xf32, #tpu.memory_space<vmem>>, vector<16xf32>,
          %mul3A_153 = arith.constant 4 : i32
          %mul3A_154 = arith.muli %scan3A_113, %mul3A_153 : i32
          %add3A_155 = arith.constant 2 : i32
          %add3A_156 = arith.addi %mul3A_154, %add3A_155 : i32
          %mul3A_157 = arith.constant 16 : i32
          %mul3A_158 = arith.muli %add3A_156, %mul3A_157 : i32
          %get3A_159 = arith.index_cast %scan3A_103 : i32 to index
          %get3A_160 = arith.index_cast %mul3A_158 : i32 to index
          %get3A_161 = tpu.vector_load %arg8[%get3A_159, %get3A_160] {strides = array<i32>} : memref<8x2048xf32, #tpu.memory_space<vmem>>, vector<16xf32>,
          %get3A_162 = arith.index_cast %scan3A_103 : i32 to index
          %get3A_163 = arith.index_cast %mul3A_158 : i32 to index
          %get3A_164 = tpu.vector_load %arg9[%get3A_162, %get3A_163] {strides = array<i32>} : memref<8x2048xf32, #tpu.memory_space<vmem>>, vector<16xf32>,
          %add3A_165 = arith.addf %get3A_161, %get3A_164 : vector<16xf32>
          %get3A_166 = arith.index_cast %scan3A_103 : i32 to index
          %get3A_167 = arith.index_cast %mul3A_158 : i32 to index
          %get3A_168 = tpu.vector_load %arg10[%get3A_166, %get3A_167] {strides = array<i32>} : memref<8x2048xf32, #tpu.memory_space<vmem>>, vector<16xf32>,
          %add3A_169 = arith.addf %add3A_165, %get3A_168 : vector<16xf32>
          %swap3A_170 = arith.index_cast %scan3A_103 : i32 to index
          %swap3A_171 = arith.index_cast %mul3A_158 : i32 to index
          %swap3A_172 = tpu.vector_load %arg8[%swap3A_170, %swap3A_171] {strides = array<i32>} : memref<8x2048xf32, #tpu.memory_space<vmem>>, vector<16xf32>,
          tpu.vector_store %arg8[%swap3A_170, %swap3A_171], %add3A_169 {strides = array<i32>} : memref<8x2048xf32, #tpu.memory_space<vmem>>, vector<16xf32>,
          %mul3A_173 = arith.constant 4 : i32
          %mul3A_174 = arith.muli %scan3A_113, %mul3A_173 : i32
          %add3A_175 = arith.constant 3 : i32
          %add3A_176 = arith.addi %mul3A_174, %add3A_175 : i32
          %mul3A_177 = arith.constant 16 : i32
          %mul3A_178 = arith.muli %add3A_176, %mul3A_177 : i32
          %get3A_179 = arith.index_cast %scan3A_103 : i32 to index
          %get3A_180 = arith.index_cast %mul3A_178 : i32 to index
          %get3A_181 = tpu.vector_load %arg8[%get3A_179, %get3A_180] {strides = array<i32>} : memref<8x2048xf32, #tpu.memory_space<vmem>>, vector<16xf32>,
          %get3A_182 = arith.index_cast %scan3A_103 : i32 to index
          %get3A_183 = arith.index_cast %mul3A_178 : i32 to index
          %get3A_184 = tpu.vector_load %arg9[%get3A_182, %get3A_183] {strides = array<i32>} : memref<8x2048xf32, #tpu.memory_space<vmem>>, vector<16xf32>,
          %add3A_185 = arith.addf %get3A_181, %get3A_184 : vector<16xf32>
          %get3A_186 = arith.index_cast %scan3A_103 : i32 to index
          %get3A_187 = arith.index_cast %mul3A_178 : i32 to index
          %get3A_188 = tpu.vector_load %arg10[%get3A_186, %get3A_187] {strides = array<i32>} : memref<8x2048xf32, #tpu.memory_space<vmem>>, vector<16xf32>,
          %add3A_189 = arith.addf %add3A_185, %get3A_188 : vector<16xf32>
          %swap3A_190 = arith.index_cast %scan3A_103 : i32 to index
          %swap3A_191 = arith.index_cast %mul3A_178 : i32 to index
          %swap3A_192 = tpu.vector_load %arg8[%swap3A_190, %swap3A_191] {strides = array<i32>} : memref<8x2048xf32, #tpu.memory_space<vmem>>, vector<16xf32>,
          tpu.vector_store %arg8[%swap3A_190, %swap3A_191], %add3A_189 {strides = array<i32>} : memref<8x2048xf32, #tpu.memory_space<vmem>>, vector<16xf32>,
          %scan3A_193 = arith.constant 0 : i32
          scf.yield %scan3A_193 : i32
        }
        %scan3A_111 = arith.constant 32 : i32
        %scan3A_112 = arith.constant 0 : i32
        scf.yield %scan3A_112 : i32
      }
      %scan3A_59 = arith.constant 8 : i32
      %mul3A_60 = arith.constant 8 : i32
      %mul3A_61 = arith.muli %add3A_31, %mul3A_60 : i32
      %add3A_62 = arith.addi %mul3A_2, %mul3A_61 : i32
      "tpu.region"() ({
        %run_scoped3A = tpu.sem_alloc : memref<!tpu.dma_semaphore, #tpu.memory_space<semaphore_mem>>
        %dma_start3A_103 = arith.constant 0 : i32
        %dma_start3A_104 = tpu.memref_slice %arg5[%add3A_62, %dma_start3A_103] : memref<4096x2048xf32, #tpu.memory_space<hbm>> -> memref<8x2048xf32, #tpu.memory_space<hbm>>
        %dma_start3A_105 = arith.constant 0 : i32
        %dma_start3A_106 = tpu.memref_slice %arg5[%add3A_62, %dma_start3A_105] : memref<4096x2048xf32, #tpu.memory_space<hbm>> -> memref<8x2048xf32, #tpu.memory_space<hbm>>
        tpu.enqueue_dma source(%arg8 : memref<8x2048xf32, #tpu.memory_space<vmem>>) target(%dma_start3A_106 : memref<8x2048xf32, #tpu.memory_space<hbm>>) target_semaphore(%run_scoped3A : memref<!tpu.dma_semaphore, #tpu.memory_space<semaphore_mem>>)
        %dma_wait3A_107 = arith.constant 0 : i32
        %dma_wait3A_108 = tpu.memref_slice %arg5[%add3A_62, %dma_wait3A_107] : memref<4096x2048xf32, #tpu.memory_space<hbm>> -> memref<8x2048xf32, #tpu.memory_space<hbm>>
        %dma_wait3A_109 = arith.constant 0 : i32
        %dma_wait3A_110 = tpu.memref_slice %arg5[%add3A_62, %dma_wait3A_109] : memref<4096x2048xf32, #tpu.memory_space<hbm>> -> memref<8x2048xf32, #tpu.memory_space<hbm>>
        tpu.wait_dma2 semaphore(%run_scoped3A : memref<!tpu.dma_semaphore, #tpu.memory_space<semaphore_mem>>) src(%arg8 : memref<8x2048xf32, #tpu.memory_space<vmem>>) dst(%dma_wait3A_110 : memref<8x2048xf32, #tpu.memory_space<hbm>>)
        tpu.yield
      }) : () -> ()
      %mul3A_63 = arith.constant 2 : i32
      %mul3A_64 = arith.muli %scan3A_26, %mul3A_63 : i32
      %add3A_65 = arith.constant 1 : i32
      %add3A_66 = arith.addi %mul3A_64, %add3A_65 : i32
      %dma_wait3A_67 = arith.constant 0 : i32
      %dma_wait3A_68 = arith.constant 0 : i32
      %dma_wait3A_69 = tpu.memref_slice %arg2[%dma_wait3A_67, %dma_wait3A_68] : memref<14336x2048xf32, #tpu.memory_space<hbm>> -> memref<8x2048xf32, #tpu.memory_space<hbm>>
      %dma_wait3A_70 = arith.constant 0 : i32
      %dma_wait3A_71 = arith.constant 0 : i32
      %dma_wait3A_72 = tpu.memref_slice %arg2[%dma_wait3A_70, %dma_wait3A_71] : memref<14336x2048xf32, #tpu.memory_space<hbm>> -> memref<8x2048xf32, #tpu.memory_space<hbm>>
      tpu.wait_dma2 semaphore(%arg15 : memref<!tpu.dma_semaphore, #tpu.memory_space<semaphore_mem>>) src(%dma_wait3A_72 : memref<8x2048xf32, #tpu.memory_space<hbm>>) dst(%arg11 : memref<8x2048xf32, #tpu.memory_space<vmem>>)
      %dma_wait3A_73 = arith.constant 0 : i32
      %dma_wait3A_74 = arith.constant 0 : i32
      %dma_wait3A_75 = tpu.memref_slice %arg2[%dma_wait3A_73, %dma_wait3A_74] : memref<14336x2048xf32, #tpu.memory_space<hbm>> -> memref<8x2048xf32, #tpu.memory_space<hbm>>
      %dma_wait3A_76 = arith.constant 0 : i32
      %dma_wait3A_77 = arith.constant 0 : i32
      %dma_wait3A_78 = tpu.memref_slice %arg2[%dma_wait3A_76, %dma_wait3A_77] : memref<14336x2048xf32, #tpu.memory_space<hbm>> -> memref<8x2048xf32, #tpu.memory_space<hbm>>
      tpu.wait_dma2 semaphore(%arg15 : memref<!tpu.dma_semaphore, #tpu.memory_space<semaphore_mem>>) src(%dma_wait3A_78 : memref<8x2048xf32, #tpu.memory_space<hbm>>) dst(%arg12 : memref<8x2048xf32, #tpu.memory_space<vmem>>)
      %dma_wait3A_79 = arith.constant 0 : i32
      %dma_wait3A_80 = arith.constant 0 : i32
      %dma_wait3A_81 = tpu.memref_slice %arg2[%dma_wait3A_79, %dma_wait3A_80] : memref<14336x2048xf32, #tpu.memory_space<hbm>> -> memref<8x2048xf32, #tpu.memory_space<hbm>>
      %dma_wait3A_82 = arith.constant 0 : i32
      %dma_wait3A_83 = arith.constant 0 : i32
      %dma_wait3A_84 = tpu.memref_slice %arg2[%dma_wait3A_82, %dma_wait3A_83] : memref<14336x2048xf32, #tpu.memory_space<hbm>> -> memref<8x2048xf32, #tpu.memory_space<hbm>>
      tpu.wait_dma2 semaphore(%arg15 : memref<!tpu.dma_semaphore, #tpu.memory_space<semaphore_mem>>) src(%dma_wait3A_84 : memref<8x2048xf32, #tpu.memory_space<hbm>>) dst(%arg13 : memref<8x2048xf32, #tpu.memory_space<vmem>>)
      %add3A_85 = arith.constant 1 : i32
      %add3A_86 = arith.addi %add3A_66, %add3A_85 : i32
      %lt3A_87 = arith.constant 16 : i32
      %lt3A_88 = arith.cmpi slt, %add3A_86, %lt3A_87 : i32
      %convert_element_type3A_89 = arith.extui %lt3A_88 : i1 to i32
      %cond3A_90 = arith.constant 0 : i32
      %cond3A_91 = arith.cmpi ne, %convert_element_type3A_89, %cond3A_90 : i32
      scf.if %cond3A_91 {
        %add3A_103 = arith.constant 1 : i32
        %add3A_104 = arith.addi %add3A_66, %add3A_103 : i32
        %mul3A_105 = arith.constant 8 : i32
        %mul3A_106 = arith.muli %add3A_104, %mul3A_105 : i32
        %dma_start3A_107 = tpu.memref_slice %arg6[%mul3A_106] : memref<128xi32, #tpu.memory_space<vmem>> -> memref<8xi32, #tpu.memory_space<vmem>>
        %dma_start3A_108 = arith.constant 0 : i32
        %dma_start3A_109 = arith.constant 0 : i32
        %dma_start3A_110 = tpu.memref_slice %arg2[%dma_start3A_108, %dma_start3A_109] : memref<14336x2048xf32, #tpu.memory_space<hbm>> -> memref<14336x2048xf32, #tpu.memory_space<hbm>>
        tpu.enqueue_indirect_dma source(%dma_start3A_110 : memref<14336x2048xf32, #tpu.memory_space<hbm>>) target(%arg8 : memref<8x2048xf32, #tpu.memory_space<vmem>>) offsets(%dma_start3A_107 : memref<8xi32, #tpu.memory_space<vmem>>) semaphore(%arg14 : memref<!tpu.dma_semaphore, #tpu.memory_space<semaphore_mem>>)
        %mul3A_111 = arith.constant 8 : i32
        %mul3A_112 = arith.muli %add3A_104, %mul3A_111 : i32
        %dma_start3A_113 = tpu.memref_slice %arg7[%mul3A_112] : memref<128xi32, #tpu.memory_space<vmem>> -> memref<8xi32, #tpu.memory_space<vmem>>
        %dma_start3A_114 = arith.constant 0 : i32
        %dma_start3A_115 = arith.constant 0 : i32
        %dma_start3A_116 = tpu.memref_slice %arg2[%dma_start3A_114, %dma_start3A_115] : memref<14336x2048xf32, #tpu.memory_space<hbm>> -> memref<14336x2048xf32, #tpu.memory_space<hbm>>
        tpu.enqueue_indirect_dma source(%dma_start3A_116 : memref<14336x2048xf32, #tpu.memory_space<hbm>>) target(%arg9 : memref<8x2048xf32, #tpu.memory_space<vmem>>) offsets(%dma_start3A_113 : memref<8xi32, #tpu.memory_space<vmem>>) semaphore(%arg14 : memref<!tpu.dma_semaphore, #tpu.memory_space<semaphore_mem>>)
        %add3A_117 = arith.constant 10240 : i32
        %add3A_118 = arith.addi %add3A_117, %mul3A_2 : i32
        %mul3A_119 = arith.constant 8 : i32
        %mul3A_120 = arith.muli %add3A_104, %mul3A_119 : i32
        %add3A_121 = arith.addi %add3A_118, %mul3A_120 : i32
        %dma_start3A_122 = arith.constant 0 : i32
        %dma_start3A_123 = tpu.memref_slice %arg2[%add3A_121, %dma_start3A_122] : memref<14336x2048xf32, #tpu.memory_space<hbm>> -> memref<8x2048xf32, #tpu.memory_space<hbm>>
        %dma_start3A_124 = arith.constant 0 : i32
        %dma_start3A_125 = tpu.memref_slice %arg2[%add3A_121, %dma_start3A_124] : memref<14336x2048xf32, #tpu.memory_space<hbm>> -> memref<8x2048xf32, #tpu.memory_space<hbm>>
        tpu.enqueue_dma source(%dma_start3A_125 : memref<8x2048xf32, #tpu.memory_space<hbm>>) target(%arg10 : memref<8x2048xf32, #tpu.memory_space<vmem>>) target_semaphore(%arg14 : memref<!tpu.dma_semaphore, #tpu.memory_space<semaphore_mem>>)
      } else {
      }
      %scan3A_92 = arith.constant 0 : i32
      %scan3A_93 = arith.constant 0 : i32
      %scan3A_94 = arith.constant 8 : i32
      %scan3A_95 = arith.addi %scan3A_93, %scan3A_94 : i32
      %scan3A_96 = arith.constant 1 : i32
      %scan3A_97 = scf.for %scan3A_103 = %scan3A_93 to %scan3A_95 step %scan3A_96 iter_args(%scan3A_104 = %scan3A_92) -> (i32)  : i32 {
        %scan3A_105 = arith.constant 0 : i32
        %scan3A_106 = arith.constant 0 : i32
        %scan3A_107 = arith.constant 32 : i32
        %scan3A_108 = arith.addi %scan3A_106, %scan3A_107 : i32
        %scan3A_109 = arith.constant 1 : i32
        %scan3A_110 = scf.for %scan3A_113 = %scan3A_106 to %scan3A_108 step %scan3A_109 iter_args(%scan3A_114 = %scan3A_105) -> (i32)  : i32 {
          %mul3A_115 = arith.constant 4 : i32
          %mul3A_116 = arith.muli %scan3A_113, %mul3A_115 : i32
          %add3A_117 = arith.constant 0 : i32
          %add3A_118 = arith.addi %mul3A_116, %add3A_117 : i32
          %mul3A_119 = arith.constant 16 : i32
          %mul3A_120 = arith.muli %add3A_118, %mul3A_119 : i32
          %get3A = arith.index_cast %scan3A_103 : i32 to index
          %get3A_121 = arith.index_cast %mul3A_120 : i32 to index
          %get3A_122 = tpu.vector_load %arg11[%get3A, %get3A_121] {strides = array<i32>} : memref<8x2048xf32, #tpu.memory_space<vmem>>, vector<16xf32>,
          %get3A_123 = arith.index_cast %scan3A_103 : i32 to index
          %get3A_124 = arith.index_cast %mul3A_120 : i32 to index
          %get3A_125 = tpu.vector_load %arg12[%get3A_123, %get3A_124] {strides = array<i32>} : memref<8x2048xf32, #tpu.memory_space<vmem>>, vector<16xf32>,
          %add3A_126 = arith.addf %get3A_122, %get3A_125 : vector<16xf32>
          %get3A_127 = arith.index_cast %scan3A_103 : i32 to index
          %get3A_128 = arith.index_cast %mul3A_120 : i32 to index
          %get3A_129 = tpu.vector_load %arg13[%get3A_127, %get3A_128] {strides = array<i32>} : memref<8x2048xf32, #tpu.memory_space<vmem>>, vector<16xf32>,
          %add3A_130 = arith.addf %add3A_126, %get3A_129 : vector<16xf32>
          %swap3A = arith.index_cast %scan3A_103 : i32 to index
          %swap3A_131 = arith.index_cast %mul3A_120 : i32 to index
          %swap3A_132 = tpu.vector_load %arg11[%swap3A, %swap3A_131] {strides = array<i32>} : memref<8x2048xf32, #tpu.memory_space<vmem>>, vector<16xf32>,
          tpu.vector_store %arg11[%swap3A, %swap3A_131], %add3A_130 {strides = array<i32>} : memref<8x2048xf32, #tpu.memory_space<vmem>>, vector<16xf32>,
          %mul3A_133 = arith.constant 4 : i32
          %mul3A_134 = arith.muli %scan3A_113, %mul3A_133 : i32
          %add3A_135 = arith.constant 1 : i32
          %add3A_136 = arith.addi %mul3A_134, %add3A_135 : i32
          %mul3A_137 = arith.constant 16 : i32
          %mul3A_138 = arith.muli %add3A_136, %mul3A_137 : i32
          %get3A_139 = arith.index_cast %scan3A_103 : i32 to index
          %get3A_140 = arith.index_cast %mul3A_138 : i32 to index
          %get3A_141 = tpu.vector_load %arg11[%get3A_139, %get3A_140] {strides = array<i32>} : memref<8x2048xf32, #tpu.memory_space<vmem>>, vector<16xf32>,
          %get3A_142 = arith.index_cast %scan3A_103 : i32 to index
          %get3A_143 = arith.index_cast %mul3A_138 : i32 to index
          %get3A_144 = tpu.vector_load %arg12[%get3A_142, %get3A_143] {strides = array<i32>} : memref<8x2048xf32, #tpu.memory_space<vmem>>, vector<16xf32>,
          %add3A_145 = arith.addf %get3A_141, %get3A_144 : vector<16xf32>
          %get3A_146 = arith.index_cast %scan3A_103 : i32 to index
          %get3A_147 = arith.index_cast %mul3A_138 : i32 to index
          %get3A_148 = tpu.vector_load %arg13[%get3A_146, %get3A_147] {strides = array<i32>} : memref<8x2048xf32, #tpu.memory_space<vmem>>, vector<16xf32>,
          %add3A_149 = arith.addf %add3A_145, %get3A_148 : vector<16xf32>
          %swap3A_150 = arith.index_cast %scan3A_103 : i32 to index
          %swap3A_151 = arith.index_cast %mul3A_138 : i32 to index
          %swap3A_152 = tpu.vector_load %arg11[%swap3A_150, %swap3A_151] {strides = array<i32>} : memref<8x2048xf32, #tpu.memory_space<vmem>>, vector<16xf32>,
          tpu.vector_store %arg11[%swap3A_150, %swap3A_151], %add3A_149 {strides = array<i32>} : memref<8x2048xf32, #tpu.memory_space<vmem>>, vector<16xf32>,
          %mul3A_153 = arith.constant 4 : i32
          %mul3A_154 = arith.muli %scan3A_113, %mul3A_153 : i32
          %add3A_155 = arith.constant 2 : i32
          %add3A_156 = arith.addi %mul3A_154, %add3A_155 : i32
          %mul3A_157 = arith.constant 16 : i32
          %mul3A_158 = arith.muli %add3A_156, %mul3A_157 : i32
          %get3A_159 = arith.index_cast %scan3A_103 : i32 to index
          %get3A_160 = arith.index_cast %mul3A_158 : i32 to index
          %get3A_161 = tpu.vector_load %arg11[%get3A_159, %get3A_160] {strides = array<i32>} : memref<8x2048xf32, #tpu.memory_space<vmem>>, vector<16xf32>,
          %get3A_162 = arith.index_cast %scan3A_103 : i32 to index
          %get3A_163 = arith.index_cast %mul3A_158 : i32 to index
          %get3A_164 = tpu.vector_load %arg12[%get3A_162, %get3A_163] {strides = array<i32>} : memref<8x2048xf32, #tpu.memory_space<vmem>>, vector<16xf32>,
          %add3A_165 = arith.addf %get3A_161, %get3A_164 : vector<16xf32>
          %get3A_166 = arith.index_cast %scan3A_103 : i32 to index
          %get3A_167 = arith.index_cast %mul3A_158 : i32 to index
          %get3A_168 = tpu.vector_load %arg13[%get3A_166, %get3A_167] {strides = array<i32>} : memref<8x2048xf32, #tpu.memory_space<vmem>>, vector<16xf32>,
          %add3A_169 = arith.addf %add3A_165, %get3A_168 : vector<16xf32>
          %swap3A_170 = arith.index_cast %scan3A_103 : i32 to index
          %swap3A_171 = arith.index_cast %mul3A_158 : i32 to index
          %swap3A_172 = tpu.vector_load %arg11[%swap3A_170, %swap3A_171] {strides = array<i32>} : memref<8x2048xf32, #tpu.memory_space<vmem>>, vector<16xf32>,
          tpu.vector_store %arg11[%swap3A_170, %swap3A_171], %add3A_169 {strides = array<i32>} : memref<8x2048xf32, #tpu.memory_space<vmem>>, vector<16xf32>,
          %mul3A_173 = arith.constant 4 : i32
          %mul3A_174 = arith.muli %scan3A_113, %mul3A_173 : i32
          %add3A_175 = arith.constant 3 : i32
          %add3A_176 = arith.addi %mul3A_174, %add3A_175 : i32
          %mul3A_177 = arith.constant 16 : i32
          %mul3A_178 = arith.muli %add3A_176, %mul3A_177 : i32
          %get3A_179 = arith.index_cast %scan3A_103 : i32 to index
          %get3A_180 = arith.index_cast %mul3A_178 : i32 to index
          %get3A_181 = tpu.vector_load %arg11[%get3A_179, %get3A_180] {strides = array<i32>} : memref<8x2048xf32, #tpu.memory_space<vmem>>, vector<16xf32>,
          %get3A_182 = arith.index_cast %scan3A_103 : i32 to index
          %get3A_183 = arith.index_cast %mul3A_178 : i32 to index
          %get3A_184 = tpu.vector_load %arg12[%get3A_182, %get3A_183] {strides = array<i32>} : memref<8x2048xf32, #tpu.memory_space<vmem>>, vector<16xf32>,
          %add3A_185 = arith.addf %get3A_181, %get3A_184 : vector<16xf32>
          %get3A_186 = arith.index_cast %scan3A_103 : i32 to index
          %get3A_187 = arith.index_cast %mul3A_178 : i32 to index
          %get3A_188 = tpu.vector_load %arg13[%get3A_186, %get3A_187] {strides = array<i32>} : memref<8x2048xf32, #tpu.memory_space<vmem>>, vector<16xf32>,
          %add3A_189 = arith.addf %add3A_185, %get3A_188 : vector<16xf32>
          %swap3A_190 = arith.index_cast %scan3A_103 : i32 to index
          %swap3A_191 = arith.index_cast %mul3A_178 : i32 to index
          %swap3A_192 = tpu.vector_load %arg11[%swap3A_190, %swap3A_191] {strides = array<i32>} : memref<8x2048xf32, #tpu.memory_space<vmem>>, vector<16xf32>,
          tpu.vector_store %arg11[%swap3A_190, %swap3A_191], %add3A_189 {strides = array<i32>} : memref<8x2048xf32, #tpu.memory_space<vmem>>, vector<16xf32>,
          %scan3A_193 = arith.constant 0 : i32
          scf.yield %scan3A_193 : i32
        }
        %scan3A_111 = arith.constant 32 : i32
        %scan3A_112 = arith.constant 0 : i32
        scf.yield %scan3A_112 : i32
      }
      %scan3A_98 = arith.constant 8 : i32
      %mul3A_99 = arith.constant 8 : i32
      %mul3A_100 = arith.muli %add3A_66, %mul3A_99 : i32
      %add3A_101 = arith.addi %mul3A_2, %mul3A_100 : i32
      "tpu.region"() ({
        %run_scoped3A = tpu.sem_alloc : memref<!tpu.dma_semaphore, #tpu.memory_space<semaphore_mem>>
        %dma_start3A_103 = arith.constant 0 : i32
        %dma_start3A_104 = tpu.memref_slice %arg5[%add3A_101, %dma_start3A_103] : memref<4096x2048xf32, #tpu.memory_space<hbm>> -> memref<8x2048xf32, #tpu.memory_space<hbm>>
        %dma_start3A_105 = arith.constant 0 : i32
        %dma_start3A_106 = tpu.memref_slice %arg5[%add3A_101, %dma_start3A_105] : memref<4096x2048xf32, #tpu.memory_space<hbm>> -> memref<8x2048xf32, #tpu.memory_space<hbm>>
        tpu.enqueue_dma source(%arg11 : memref<8x2048xf32, #tpu.memory_space<vmem>>) target(%dma_start3A_106 : memref<8x2048xf32, #tpu.memory_space<hbm>>) target_semaphore(%run_scoped3A : memref<!tpu.dma_semaphore, #tpu.memory_space<semaphore_mem>>)
        %dma_wait3A_107 = arith.constant 0 : i32
        %dma_wait3A_108 = tpu.memref_slice %arg5[%add3A_101, %dma_wait3A_107] : memref<4096x2048xf32, #tpu.memory_space<hbm>> -> memref<8x2048xf32, #tpu.memory_space<hbm>>
        %dma_wait3A_109 = arith.constant 0 : i32
        %dma_wait3A_110 = tpu.memref_slice %arg5[%add3A_101, %dma_wait3A_109] : memref<4096x2048xf32, #tpu.memory_space<hbm>> -> memref<8x2048xf32, #tpu.memory_space<hbm>>
        tpu.wait_dma2 semaphore(%run_scoped3A : memref<!tpu.dma_semaphore, #tpu.memory_space<semaphore_mem>>) src(%arg11 : memref<8x2048xf32, #tpu.memory_space<vmem>>) dst(%dma_wait3A_110 : memref<8x2048xf32, #tpu.memory_space<hbm>>)
        tpu.yield
      }) : () -> ()
      %scan3A_102 = arith.constant 0 : i32
      scf.yield %scan3A_102 : i32
    }
    %scan3A_25 = arith.constant 8 : i32
    return
  }
}

#map = affine_map<(d0, d1) -> (0, 0)>
#map1 = affine_map<(d0, d1) -> (0)>
module attributes {stable_mosaic.version = 14 : i64} {
  func.func @_dispatch_body(%arg0: i32, %arg1: i32, %arg2: memref<4096x2048xf32, #tpu.memory_space<hbm>>, %arg3: memref<8192xi32, #tpu.memory_space<hbm>>, %arg4: memref<8192xf32, #tpu.memory_space<hbm>>, %arg5: memref<10240x2048xf32, #tpu.memory_space<hbm>>, %arg6: memref<10240xf32, #tpu.memory_space<hbm>>, %arg7: memref<10240xi32, #tpu.memory_space<vmem>>, %arg8: memref<10240xf32, #tpu.memory_space<vmem>>, %arg9: memref<8192xi32, #tpu.memory_space<vmem>>, %arg10: memref<8192xf32, #tpu.memory_space<vmem>>, %arg11: memref<16x2048xf32, #tpu.memory_space<vmem>>, %arg12: memref<16x2048xf32, #tpu.memory_space<vmem>>, %arg13: memref<!tpu.dma_semaphore, #tpu.memory_space<semaphore_mem>>, %arg14: memref<!tpu.dma_semaphore, #tpu.memory_space<semaphore_mem>>) attributes {dimension_semantics = [#tpu.dimension_semantics<core_parallel>, #tpu.dimension_semantics<subcore_parallel>], iteration_bounds = array<i64: 2, 16>, scalar_prefetch = 0 : i64, scratch_operands = 8 : i64, tpu.core_type = #tpu.core_type<sc_vector_subcore>, window_params = [{transform_indices = #map}, {transform_indices = #map1}, {transform_indices = #map1}, {transform_indices = #map}, {transform_indices = #map1}]} {
    %mul3A = arith.constant 2 : i32
    %mul3A_0 = arith.muli %arg1, %mul3A : i32
    %add3A = arith.addi %mul3A_0, %arg0 : i32
    "tpu.region"() ({
      %run_scoped3A = tpu.sem_alloc : memref<!tpu.dma_semaphore, #tpu.memory_space<semaphore_mem>>
      tpu.enqueue_dma source(%arg3 : memref<8192xi32, #tpu.memory_space<hbm>>) target(%arg9 : memref<8192xi32, #tpu.memory_space<vmem>>) target_semaphore(%run_scoped3A : memref<!tpu.dma_semaphore, #tpu.memory_space<semaphore_mem>>)
      tpu.wait_dma2 semaphore(%run_scoped3A : memref<!tpu.dma_semaphore, #tpu.memory_space<semaphore_mem>>) src(%arg3 : memref<8192xi32, #tpu.memory_space<hbm>>) dst(%arg9 : memref<8192xi32, #tpu.memory_space<vmem>>)
      tpu.yield
    }) : () -> ()
    "tpu.region"() ({
      %run_scoped3A = tpu.sem_alloc : memref<!tpu.dma_semaphore, #tpu.memory_space<semaphore_mem>>
      tpu.enqueue_dma source(%arg4 : memref<8192xf32, #tpu.memory_space<hbm>>) target(%arg10 : memref<8192xf32, #tpu.memory_space<vmem>>) target_semaphore(%run_scoped3A : memref<!tpu.dma_semaphore, #tpu.memory_space<semaphore_mem>>)
      tpu.wait_dma2 semaphore(%run_scoped3A : memref<!tpu.dma_semaphore, #tpu.memory_space<semaphore_mem>>) src(%arg4 : memref<8192xf32, #tpu.memory_space<hbm>>) dst(%arg10 : memref<8192xf32, #tpu.memory_space<vmem>>)
      tpu.yield
    }) : () -> ()
    %iota3A = tpu.iota {dimensions = array<i32: 0>} : vector<16xi32>
    %broadcast_in_dim3A = arith.constant 0 : i32
    %broadcast_in_dim3A_1 = vector.broadcast %broadcast_in_dim3A : i32 to vector<16xi32>
    %broadcast_in_dim3A_2 = arith.constant 0.000000e+00 : f32
    %broadcast_in_dim3A_3 = vector.broadcast %broadcast_in_dim3A_2 : f32 to vector<16xf32>
    %scan3A = arith.constant 0 : i32
    %scan3A_4 = arith.constant 0 : i32
    %scan3A_5 = arith.constant 160 : i32
    %scan3A_6 = arith.addi %scan3A_4, %scan3A_5 : i32
    %scan3A_7 = arith.constant 1 : i32
    %scan3A_8 = scf.for %scan3A_29 = %scan3A_4 to %scan3A_6 step %scan3A_7 iter_args(%scan3A_30 = %scan3A) -> (i32)  : i32 {
      %mul3A_31 = arith.constant 4 : i32
      %mul3A_32 = arith.muli %scan3A_29, %mul3A_31 : i32
      %add3A_33 = arith.constant 0 : i32
      %add3A_34 = arith.addi %mul3A_32, %add3A_33 : i32
      %mul3A_35 = arith.constant 16 : i32
      %mul3A_36 = arith.muli %add3A_34, %mul3A_35 : i32
      %swap3A = arith.index_cast %mul3A_36 : i32 to index
      %swap3A_37 = tpu.vector_load %arg7[%swap3A] {strides = array<i32>} : memref<10240xi32, #tpu.memory_space<vmem>>, vector<16xi32>,
      tpu.vector_store %arg7[%swap3A], %broadcast_in_dim3A_1 {strides = array<i32>} : memref<10240xi32, #tpu.memory_space<vmem>>, vector<16xi32>,
      %mul3A_38 = arith.constant 4 : i32
      %mul3A_39 = arith.muli %scan3A_29, %mul3A_38 : i32
      %add3A_40 = arith.constant 0 : i32
      %add3A_41 = arith.addi %mul3A_39, %add3A_40 : i32
      %mul3A_42 = arith.constant 16 : i32
      %mul3A_43 = arith.muli %add3A_41, %mul3A_42 : i32
      %swap3A_44 = arith.index_cast %mul3A_43 : i32 to index
      %swap3A_45 = tpu.vector_load %arg8[%swap3A_44] {strides = array<i32>} : memref<10240xf32, #tpu.memory_space<vmem>>, vector<16xf32>,
      tpu.vector_store %arg8[%swap3A_44], %broadcast_in_dim3A_3 {strides = array<i32>} : memref<10240xf32, #tpu.memory_space<vmem>>, vector<16xf32>,
      %mul3A_46 = arith.constant 4 : i32
      %mul3A_47 = arith.muli %scan3A_29, %mul3A_46 : i32
      %add3A_48 = arith.constant 1 : i32
      %add3A_49 = arith.addi %mul3A_47, %add3A_48 : i32
      %mul3A_50 = arith.constant 16 : i32
      %mul3A_51 = arith.muli %add3A_49, %mul3A_50 : i32
      %swap3A_52 = arith.index_cast %mul3A_51 : i32 to index
      %swap3A_53 = tpu.vector_load %arg7[%swap3A_52] {strides = array<i32>} : memref<10240xi32, #tpu.memory_space<vmem>>, vector<16xi32>,
      tpu.vector_store %arg7[%swap3A_52], %broadcast_in_dim3A_1 {strides = array<i32>} : memref<10240xi32, #tpu.memory_space<vmem>>, vector<16xi32>,
      %mul3A_54 = arith.constant 4 : i32
      %mul3A_55 = arith.muli %scan3A_29, %mul3A_54 : i32
      %add3A_56 = arith.constant 1 : i32
      %add3A_57 = arith.addi %mul3A_55, %add3A_56 : i32
      %mul3A_58 = arith.constant 16 : i32
      %mul3A_59 = arith.muli %add3A_57, %mul3A_58 : i32
      %swap3A_60 = arith.index_cast %mul3A_59 : i32 to index
      %swap3A_61 = tpu.vector_load %arg8[%swap3A_60] {strides = array<i32>} : memref<10240xf32, #tpu.memory_space<vmem>>, vector<16xf32>,
      tpu.vector_store %arg8[%swap3A_60], %broadcast_in_dim3A_3 {strides = array<i32>} : memref<10240xf32, #tpu.memory_space<vmem>>, vector<16xf32>,
      %mul3A_62 = arith.constant 4 : i32
      %mul3A_63 = arith.muli %scan3A_29, %mul3A_62 : i32
      %add3A_64 = arith.constant 2 : i32
      %add3A_65 = arith.addi %mul3A_63, %add3A_64 : i32
      %mul3A_66 = arith.constant 16 : i32
      %mul3A_67 = arith.muli %add3A_65, %mul3A_66 : i32
      %swap3A_68 = arith.index_cast %mul3A_67 : i32 to index
      %swap3A_69 = tpu.vector_load %arg7[%swap3A_68] {strides = array<i32>} : memref<10240xi32, #tpu.memory_space<vmem>>, vector<16xi32>,
      tpu.vector_store %arg7[%swap3A_68], %broadcast_in_dim3A_1 {strides = array<i32>} : memref<10240xi32, #tpu.memory_space<vmem>>, vector<16xi32>,
      %mul3A_70 = arith.constant 4 : i32
      %mul3A_71 = arith.muli %scan3A_29, %mul3A_70 : i32
      %add3A_72 = arith.constant 2 : i32
      %add3A_73 = arith.addi %mul3A_71, %add3A_72 : i32
      %mul3A_74 = arith.constant 16 : i32
      %mul3A_75 = arith.muli %add3A_73, %mul3A_74 : i32
      %swap3A_76 = arith.index_cast %mul3A_75 : i32 to index
      %swap3A_77 = tpu.vector_load %arg8[%swap3A_76] {strides = array<i32>} : memref<10240xf32, #tpu.memory_space<vmem>>, vector<16xf32>,
      tpu.vector_store %arg8[%swap3A_76], %broadcast_in_dim3A_3 {strides = array<i32>} : memref<10240xf32, #tpu.memory_space<vmem>>, vector<16xf32>,
      %mul3A_78 = arith.constant 4 : i32
      %mul3A_79 = arith.muli %scan3A_29, %mul3A_78 : i32
      %add3A_80 = arith.constant 3 : i32
      %add3A_81 = arith.addi %mul3A_79, %add3A_80 : i32
      %mul3A_82 = arith.constant 16 : i32
      %mul3A_83 = arith.muli %add3A_81, %mul3A_82 : i32
      %swap3A_84 = arith.index_cast %mul3A_83 : i32 to index
      %swap3A_85 = tpu.vector_load %arg7[%swap3A_84] {strides = array<i32>} : memref<10240xi32, #tpu.memory_space<vmem>>, vector<16xi32>,
      tpu.vector_store %arg7[%swap3A_84], %broadcast_in_dim3A_1 {strides = array<i32>} : memref<10240xi32, #tpu.memory_space<vmem>>, vector<16xi32>,
      %mul3A_86 = arith.constant 4 : i32
      %mul3A_87 = arith.muli %scan3A_29, %mul3A_86 : i32
      %add3A_88 = arith.constant 3 : i32
      %add3A_89 = arith.addi %mul3A_87, %add3A_88 : i32
      %mul3A_90 = arith.constant 16 : i32
      %mul3A_91 = arith.muli %add3A_89, %mul3A_90 : i32
      %swap3A_92 = arith.index_cast %mul3A_91 : i32 to index
      %swap3A_93 = tpu.vector_load %arg8[%swap3A_92] {strides = array<i32>} : memref<10240xf32, #tpu.memory_space<vmem>>, vector<16xf32>,
      tpu.vector_store %arg8[%swap3A_92], %broadcast_in_dim3A_3 {strides = array<i32>} : memref<10240xf32, #tpu.memory_space<vmem>>, vector<16xf32>,
      %scan3A_94 = arith.constant 0 : i32
      scf.yield %scan3A_94 : i32
    }
    %scan3A_9 = arith.constant 160 : i32
    %scan3A_10 = arith.constant 0 : i32
    %scan3A_11 = arith.constant 0 : i32
    %scan3A_12 = arith.constant 128 : i32
    %scan3A_13 = arith.addi %scan3A_11, %scan3A_12 : i32
    %scan3A_14 = arith.constant 1 : i32
    %scan3A_15 = scf.for %scan3A_29 = %scan3A_11 to %scan3A_13 step %scan3A_14 iter_args(%scan3A_30 = %scan3A_10) -> (i32)  : i32 {
      %mul3A_31 = arith.constant 4 : i32
      %mul3A_32 = arith.muli %scan3A_29, %mul3A_31 : i32
      %add3A_33 = arith.constant 0 : i32
      %add3A_34 = arith.addi %mul3A_32, %add3A_33 : i32
      %mul3A_35 = arith.constant 16 : i32
      %mul3A_36 = arith.muli %add3A_34, %mul3A_35 : i32
      %get3A = arith.index_cast %mul3A_36 : i32 to index
      %get3A_37 = tpu.vector_load %arg9[%get3A] {strides = array<i32>} : memref<8192xi32, #tpu.memory_space<vmem>>, vector<16xi32>,
      %mul3A_38 = arith.constant 16 : i32
      %mul3A_39 = arith.muli %add3A_34, %mul3A_38 : i32
      %add3A_40 = vector.broadcast %mul3A_39 : i32 to vector<16xi32>
      %add3A_41 = arith.addi %add3A_40, %iota3A : vector<16xi32>
      %shift_right_logical3A = arith.constant 1 : i32
      %shift_right_logical3A_42 = vector.broadcast %shift_right_logical3A : i32 to vector<16xi32>
      %shift_right_logical3A_43 = arith.shrui %add3A_41, %shift_right_logical3A_42 : vector<16xi32>
      %mul3A_44 = arith.constant 16 : i32
      %mul3A_45 = arith.muli %add3A_34, %mul3A_44 : i32
      %get3A_46 = arith.index_cast %mul3A_45 : i32 to index
      %get3A_47 = tpu.vector_load %arg10[%get3A_46] {strides = array<i32>} : memref<8192xf32, #tpu.memory_space<vmem>>, vector<16xf32>,
      tpu.vector_store_idx %arg7[%get3A_37], %shift_right_logical3A_43 : memref<10240xi32, #tpu.memory_space<vmem>>[vector<16xi32>], vector<16xi32>,
      tpu.vector_store_idx %arg8[%get3A_37], %get3A_47 : memref<10240xf32, #tpu.memory_space<vmem>>[vector<16xi32>], vector<16xf32>,
      %mul3A_48 = arith.constant 4 : i32
      %mul3A_49 = arith.muli %scan3A_29, %mul3A_48 : i32
      %add3A_50 = arith.constant 1 : i32
      %add3A_51 = arith.addi %mul3A_49, %add3A_50 : i32
      %mul3A_52 = arith.constant 16 : i32
      %mul3A_53 = arith.muli %add3A_51, %mul3A_52 : i32
      %get3A_54 = arith.index_cast %mul3A_53 : i32 to index
      %get3A_55 = tpu.vector_load %arg9[%get3A_54] {strides = array<i32>} : memref<8192xi32, #tpu.memory_space<vmem>>, vector<16xi32>,
      %mul3A_56 = arith.constant 16 : i32
      %mul3A_57 = arith.muli %add3A_51, %mul3A_56 : i32
      %add3A_58 = vector.broadcast %mul3A_57 : i32 to vector<16xi32>
      %add3A_59 = arith.addi %add3A_58, %iota3A : vector<16xi32>
      %shift_right_logical3A_60 = arith.constant 1 : i32
      %shift_right_logical3A_61 = vector.broadcast %shift_right_logical3A_60 : i32 to vector<16xi32>
      %shift_right_logical3A_62 = arith.shrui %add3A_59, %shift_right_logical3A_61 : vector<16xi32>
      %mul3A_63 = arith.constant 16 : i32
      %mul3A_64 = arith.muli %add3A_51, %mul3A_63 : i32
      %get3A_65 = arith.index_cast %mul3A_64 : i32 to index
      %get3A_66 = tpu.vector_load %arg10[%get3A_65] {strides = array<i32>} : memref<8192xf32, #tpu.memory_space<vmem>>, vector<16xf32>,
      tpu.vector_store_idx %arg7[%get3A_55], %shift_right_logical3A_62 : memref<10240xi32, #tpu.memory_space<vmem>>[vector<16xi32>], vector<16xi32>,
      tpu.vector_store_idx %arg8[%get3A_55], %get3A_66 : memref<10240xf32, #tpu.memory_space<vmem>>[vector<16xi32>], vector<16xf32>,
      %mul3A_67 = arith.constant 4 : i32
      %mul3A_68 = arith.muli %scan3A_29, %mul3A_67 : i32
      %add3A_69 = arith.constant 2 : i32
      %add3A_70 = arith.addi %mul3A_68, %add3A_69 : i32
      %mul3A_71 = arith.constant 16 : i32
      %mul3A_72 = arith.muli %add3A_70, %mul3A_71 : i32
      %get3A_73 = arith.index_cast %mul3A_72 : i32 to index
      %get3A_74 = tpu.vector_load %arg9[%get3A_73] {strides = array<i32>} : memref<8192xi32, #tpu.memory_space<vmem>>, vector<16xi32>,
      %mul3A_75 = arith.constant 16 : i32
      %mul3A_76 = arith.muli %add3A_70, %mul3A_75 : i32
      %add3A_77 = vector.broadcast %mul3A_76 : i32 to vector<16xi32>
      %add3A_78 = arith.addi %add3A_77, %iota3A : vector<16xi32>
      %shift_right_logical3A_79 = arith.constant 1 : i32
      %shift_right_logical3A_80 = vector.broadcast %shift_right_logical3A_79 : i32 to vector<16xi32>
      %shift_right_logical3A_81 = arith.shrui %add3A_78, %shift_right_logical3A_80 : vector<16xi32>
      %mul3A_82 = arith.constant 16 : i32
      %mul3A_83 = arith.muli %add3A_70, %mul3A_82 : i32
      %get3A_84 = arith.index_cast %mul3A_83 : i32 to index
      %get3A_85 = tpu.vector_load %arg10[%get3A_84] {strides = array<i32>} : memref<8192xf32, #tpu.memory_space<vmem>>, vector<16xf32>,
      tpu.vector_store_idx %arg7[%get3A_74], %shift_right_logical3A_81 : memref<10240xi32, #tpu.memory_space<vmem>>[vector<16xi32>], vector<16xi32>,
      tpu.vector_store_idx %arg8[%get3A_74], %get3A_85 : memref<10240xf32, #tpu.memory_space<vmem>>[vector<16xi32>], vector<16xf32>,
      %mul3A_86 = arith.constant 4 : i32
      %mul3A_87 = arith.muli %scan3A_29, %mul3A_86 : i32
      %add3A_88 = arith.constant 3 : i32
      %add3A_89 = arith.addi %mul3A_87, %add3A_88 : i32
      %mul3A_90 = arith.constant 16 : i32
      %mul3A_91 = arith.muli %add3A_89, %mul3A_90 : i32
      %get3A_92 = arith.index_cast %mul3A_91 : i32 to index
      %get3A_93 = tpu.vector_load %arg9[%get3A_92] {strides = array<i32>} : memref<8192xi32, #tpu.memory_space<vmem>>, vector<16xi32>,
      %mul3A_94 = arith.constant 16 : i32
      %mul3A_95 = arith.muli %add3A_89, %mul3A_94 : i32
      %add3A_96 = vector.broadcast %mul3A_95 : i32 to vector<16xi32>
      %add3A_97 = arith.addi %add3A_96, %iota3A : vector<16xi32>
      %shift_right_logical3A_98 = arith.constant 1 : i32
      %shift_right_logical3A_99 = vector.broadcast %shift_right_logical3A_98 : i32 to vector<16xi32>
      %shift_right_logical3A_100 = arith.shrui %add3A_97, %shift_right_logical3A_99 : vector<16xi32>
      %mul3A_101 = arith.constant 16 : i32
      %mul3A_102 = arith.muli %add3A_89, %mul3A_101 : i32
      %get3A_103 = arith.index_cast %mul3A_102 : i32 to index
      %get3A_104 = tpu.vector_load %arg10[%get3A_103] {strides = array<i32>} : memref<8192xf32, #tpu.memory_space<vmem>>, vector<16xf32>,
      tpu.vector_store_idx %arg7[%get3A_93], %shift_right_logical3A_100 : memref<10240xi32, #tpu.memory_space<vmem>>[vector<16xi32>], vector<16xi32>,
      tpu.vector_store_idx %arg8[%get3A_93], %get3A_104 : memref<10240xf32, #tpu.memory_space<vmem>>[vector<16xi32>], vector<16xf32>,
      %scan3A_105 = arith.constant 0 : i32
      scf.yield %scan3A_105 : i32
    }
    %scan3A_16 = arith.constant 128 : i32
    %mul3A_17 = arith.constant 320 : i32
    %mul3A_18 = arith.muli %add3A, %mul3A_17 : i32
    "tpu.region"() ({
      %run_scoped3A = tpu.sem_alloc : memref<!tpu.dma_semaphore, #tpu.memory_space<semaphore_mem>>
      %dma_start3A_29 = tpu.memref_slice %arg8[%mul3A_18] : memref<10240xf32, #tpu.memory_space<vmem>> -> memref<320xf32, #tpu.memory_space<vmem>>
      %dma_start3A_30 = tpu.memref_slice %arg6[%mul3A_18] : memref<10240xf32, #tpu.memory_space<hbm>> -> memref<320xf32, #tpu.memory_space<hbm>>
      %dma_start3A_31 = tpu.memref_slice %arg6[%mul3A_18] : memref<10240xf32, #tpu.memory_space<hbm>> -> memref<320xf32, #tpu.memory_space<hbm>>
      %dma_start3A_32 = tpu.memref_slice %arg8[%mul3A_18] : memref<10240xf32, #tpu.memory_space<vmem>> -> memref<320xf32, #tpu.memory_space<vmem>>
      tpu.enqueue_dma source(%dma_start3A_32 : memref<320xf32, #tpu.memory_space<vmem>>) target(%dma_start3A_31 : memref<320xf32, #tpu.memory_space<hbm>>) target_semaphore(%run_scoped3A : memref<!tpu.dma_semaphore, #tpu.memory_space<semaphore_mem>>)
      %dma_wait3A = tpu.memref_slice %arg8[%mul3A_18] : memref<10240xf32, #tpu.memory_space<vmem>> -> memref<320xf32, #tpu.memory_space<vmem>>
      %dma_wait3A_33 = tpu.memref_slice %arg6[%mul3A_18] : memref<10240xf32, #tpu.memory_space<hbm>> -> memref<320xf32, #tpu.memory_space<hbm>>
      %dma_wait3A_34 = tpu.memref_slice %arg6[%mul3A_18] : memref<10240xf32, #tpu.memory_space<hbm>> -> memref<320xf32, #tpu.memory_space<hbm>>
      %dma_wait3A_35 = tpu.memref_slice %arg8[%mul3A_18] : memref<10240xf32, #tpu.memory_space<vmem>> -> memref<320xf32, #tpu.memory_space<vmem>>
      tpu.wait_dma2 semaphore(%run_scoped3A : memref<!tpu.dma_semaphore, #tpu.memory_space<semaphore_mem>>) src(%dma_wait3A_35 : memref<320xf32, #tpu.memory_space<vmem>>) dst(%dma_wait3A_34 : memref<320xf32, #tpu.memory_space<hbm>>)
      tpu.yield
    }) : () -> ()
    %dma_start3A = tpu.memref_slice %arg7[%mul3A_18] : memref<10240xi32, #tpu.memory_space<vmem>> -> memref<16xi32, #tpu.memory_space<vmem>>
    %dma_start3A_19 = arith.constant 0 : i32
    %dma_start3A_20 = arith.constant 0 : i32
    %dma_start3A_21 = tpu.memref_slice %arg2[%dma_start3A_19, %dma_start3A_20] : memref<4096x2048xf32, #tpu.memory_space<hbm>> -> memref<4096x2048xf32, #tpu.memory_space<hbm>>
    tpu.enqueue_indirect_dma source(%dma_start3A_21 : memref<4096x2048xf32, #tpu.memory_space<hbm>>) target(%arg11 : memref<16x2048xf32, #tpu.memory_space<vmem>>) offsets(%dma_start3A : memref<16xi32, #tpu.memory_space<vmem>>) semaphore(%arg13 : memref<!tpu.dma_semaphore, #tpu.memory_space<semaphore_mem>>)
    %scan3A_22 = arith.constant 0 : i32
    %scan3A_23 = arith.constant 0 : i32
    %scan3A_24 = arith.constant 10 : i32
    %scan3A_25 = arith.addi %scan3A_23, %scan3A_24 : i32
    %scan3A_26 = arith.constant 1 : i32
    %scan3A_27 = scf.for %scan3A_29 = %scan3A_23 to %scan3A_25 step %scan3A_26 iter_args(%scan3A_30 = %scan3A_22) -> (i32)  : i32 {
      %mul3A_31 = arith.constant 2 : i32
      %mul3A_32 = arith.muli %scan3A_29, %mul3A_31 : i32
      %add3A_33 = arith.constant 0 : i32
      %add3A_34 = arith.addi %mul3A_32, %add3A_33 : i32
      %dma_wait3A = tpu.memref_slice %arg7[%mul3A_18] : memref<10240xi32, #tpu.memory_space<vmem>> -> memref<16xi32, #tpu.memory_space<vmem>>
      %dma_wait3A_35 = arith.constant 0 : i32
      %dma_wait3A_36 = arith.constant 0 : i32
      %dma_wait3A_37 = tpu.memref_slice %arg2[%dma_wait3A_35, %dma_wait3A_36] : memref<4096x2048xf32, #tpu.memory_space<hbm>> -> memref<4096x2048xf32, #tpu.memory_space<hbm>>
      tpu.wait_indirect_dma semaphore(%arg13 : memref<!tpu.dma_semaphore, #tpu.memory_space<semaphore_mem>>) src(%dma_wait3A_37 : memref<4096x2048xf32, #tpu.memory_space<hbm>>) dst(%arg11 : memref<16x2048xf32, #tpu.memory_space<vmem>>)
      %add3A_38 = arith.constant 1 : i32
      %add3A_39 = arith.addi %add3A_34, %add3A_38 : i32
      %lt3A = arith.constant 20 : i32
      %lt3A_40 = arith.cmpi slt, %add3A_39, %lt3A : i32
      %convert_element_type3A = arith.extui %lt3A_40 : i1 to i32
      %cond3A = arith.constant 0 : i32
      %cond3A_41 = arith.cmpi ne, %convert_element_type3A, %cond3A : i32
      scf.if %cond3A_41 {
        %add3A_64 = arith.constant 1 : i32
        %add3A_65 = arith.addi %add3A_34, %add3A_64 : i32
        %mul3A_66 = arith.constant 16 : i32
        %mul3A_67 = arith.muli %add3A_65, %mul3A_66 : i32
        %add3A_68 = arith.addi %mul3A_18, %mul3A_67 : i32
        %dma_start3A_69 = tpu.memref_slice %arg7[%add3A_68] : memref<10240xi32, #tpu.memory_space<vmem>> -> memref<16xi32, #tpu.memory_space<vmem>>
        %dma_start3A_70 = arith.constant 0 : i32
        %dma_start3A_71 = arith.constant 0 : i32
        %dma_start3A_72 = tpu.memref_slice %arg2[%dma_start3A_70, %dma_start3A_71] : memref<4096x2048xf32, #tpu.memory_space<hbm>> -> memref<4096x2048xf32, #tpu.memory_space<hbm>>
        tpu.enqueue_indirect_dma source(%dma_start3A_72 : memref<4096x2048xf32, #tpu.memory_space<hbm>>) target(%arg12 : memref<16x2048xf32, #tpu.memory_space<vmem>>) offsets(%dma_start3A_69 : memref<16xi32, #tpu.memory_space<vmem>>) semaphore(%arg14 : memref<!tpu.dma_semaphore, #tpu.memory_space<semaphore_mem>>)
      } else {
      }
      %mul3A_42 = arith.constant 16 : i32
      %mul3A_43 = arith.muli %add3A_34, %mul3A_42 : i32
      %add3A_44 = arith.addi %mul3A_18, %mul3A_43 : i32
      "tpu.region"() ({
        %run_scoped3A = tpu.sem_alloc : memref<!tpu.dma_semaphore, #tpu.memory_space<semaphore_mem>>
        %dma_start3A_64 = arith.constant 0 : i32
        %dma_start3A_65 = tpu.memref_slice %arg5[%add3A_44, %dma_start3A_64] : memref<10240x2048xf32, #tpu.memory_space<hbm>> -> memref<16x2048xf32, #tpu.memory_space<hbm>>
        %dma_start3A_66 = arith.constant 0 : i32
        %dma_start3A_67 = tpu.memref_slice %arg5[%add3A_44, %dma_start3A_66] : memref<10240x2048xf32, #tpu.memory_space<hbm>> -> memref<16x2048xf32, #tpu.memory_space<hbm>>
        tpu.enqueue_dma source(%arg11 : memref<16x2048xf32, #tpu.memory_space<vmem>>) target(%dma_start3A_67 : memref<16x2048xf32, #tpu.memory_space<hbm>>) target_semaphore(%run_scoped3A : memref<!tpu.dma_semaphore, #tpu.memory_space<semaphore_mem>>)
        %dma_wait3A_68 = arith.constant 0 : i32
        %dma_wait3A_69 = tpu.memref_slice %arg5[%add3A_44, %dma_wait3A_68] : memref<10240x2048xf32, #tpu.memory_space<hbm>> -> memref<16x2048xf32, #tpu.memory_space<hbm>>
        %dma_wait3A_70 = arith.constant 0 : i32
        %dma_wait3A_71 = tpu.memref_slice %arg5[%add3A_44, %dma_wait3A_70] : memref<10240x2048xf32, #tpu.memory_space<hbm>> -> memref<16x2048xf32, #tpu.memory_space<hbm>>
        tpu.wait_dma2 semaphore(%run_scoped3A : memref<!tpu.dma_semaphore, #tpu.memory_space<semaphore_mem>>) src(%arg11 : memref<16x2048xf32, #tpu.memory_space<vmem>>) dst(%dma_wait3A_71 : memref<16x2048xf32, #tpu.memory_space<hbm>>)
        tpu.yield
      }) : () -> ()
      %mul3A_45 = arith.constant 2 : i32
      %mul3A_46 = arith.muli %scan3A_29, %mul3A_45 : i32
      %add3A_47 = arith.constant 1 : i32
      %add3A_48 = arith.addi %mul3A_46, %add3A_47 : i32
      %dma_wait3A_49 = tpu.memref_slice %arg7[%mul3A_18] : memref<10240xi32, #tpu.memory_space<vmem>> -> memref<16xi32, #tpu.memory_space<vmem>>
      %dma_wait3A_50 = arith.constant 0 : i32
      %dma_wait3A_51 = arith.constant 0 : i32
      %dma_wait3A_52 = tpu.memref_slice %arg2[%dma_wait3A_50, %dma_wait3A_51] : memref<4096x2048xf32, #tpu.memory_space<hbm>> -> memref<4096x2048xf32, #tpu.memory_space<hbm>>
      tpu.wait_indirect_dma semaphore(%arg14 : memref<!tpu.dma_semaphore, #tpu.memory_space<semaphore_mem>>) src(%dma_wait3A_52 : memref<4096x2048xf32, #tpu.memory_space<hbm>>) dst(%arg12 : memref<16x2048xf32, #tpu.memory_space<vmem>>)
      %add3A_53 = arith.constant 1 : i32
      %add3A_54 = arith.addi %add3A_48, %add3A_53 : i32
      %lt3A_55 = arith.constant 20 : i32
      %lt3A_56 = arith.cmpi slt, %add3A_54, %lt3A_55 : i32
      %convert_element_type3A_57 = arith.extui %lt3A_56 : i1 to i32
      %cond3A_58 = arith.constant 0 : i32
      %cond3A_59 = arith.cmpi ne, %convert_element_type3A_57, %cond3A_58 : i32
      scf.if %cond3A_59 {
        %add3A_64 = arith.constant 1 : i32
        %add3A_65 = arith.addi %add3A_48, %add3A_64 : i32
        %mul3A_66 = arith.constant 16 : i32
        %mul3A_67 = arith.muli %add3A_65, %mul3A_66 : i32
        %add3A_68 = arith.addi %mul3A_18, %mul3A_67 : i32
        %dma_start3A_69 = tpu.memref_slice %arg7[%add3A_68] : memref<10240xi32, #tpu.memory_space<vmem>> -> memref<16xi32, #tpu.memory_space<vmem>>
        %dma_start3A_70 = arith.constant 0 : i32
        %dma_start3A_71 = arith.constant 0 : i32
        %dma_start3A_72 = tpu.memref_slice %arg2[%dma_start3A_70, %dma_start3A_71] : memref<4096x2048xf32, #tpu.memory_space<hbm>> -> memref<4096x2048xf32, #tpu.memory_space<hbm>>
        tpu.enqueue_indirect_dma source(%dma_start3A_72 : memref<4096x2048xf32, #tpu.memory_space<hbm>>) target(%arg11 : memref<16x2048xf32, #tpu.memory_space<vmem>>) offsets(%dma_start3A_69 : memref<16xi32, #tpu.memory_space<vmem>>) semaphore(%arg13 : memref<!tpu.dma_semaphore, #tpu.memory_space<semaphore_mem>>)
      } else {
      }
      %mul3A_60 = arith.constant 16 : i32
      %mul3A_61 = arith.muli %add3A_48, %mul3A_60 : i32
      %add3A_62 = arith.addi %mul3A_18, %mul3A_61 : i32
      "tpu.region"() ({
        %run_scoped3A = tpu.sem_alloc : memref<!tpu.dma_semaphore, #tpu.memory_space<semaphore_mem>>
        %dma_start3A_64 = arith.constant 0 : i32
        %dma_start3A_65 = tpu.memref_slice %arg5[%add3A_62, %dma_start3A_64] : memref<10240x2048xf32, #tpu.memory_space<hbm>> -> memref<16x2048xf32, #tpu.memory_space<hbm>>
        %dma_start3A_66 = arith.constant 0 : i32
        %dma_start3A_67 = tpu.memref_slice %arg5[%add3A_62, %dma_start3A_66] : memref<10240x2048xf32, #tpu.memory_space<hbm>> -> memref<16x2048xf32, #tpu.memory_space<hbm>>
        tpu.enqueue_dma source(%arg12 : memref<16x2048xf32, #tpu.memory_space<vmem>>) target(%dma_start3A_67 : memref<16x2048xf32, #tpu.memory_space<hbm>>) target_semaphore(%run_scoped3A : memref<!tpu.dma_semaphore, #tpu.memory_space<semaphore_mem>>)
        %dma_wait3A_68 = arith.constant 0 : i32
        %dma_wait3A_69 = tpu.memref_slice %arg5[%add3A_62, %dma_wait3A_68] : memref<10240x2048xf32, #tpu.memory_space<hbm>> -> memref<16x2048xf32, #tpu.memory_space<hbm>>
        %dma_wait3A_70 = arith.constant 0 : i32
        %dma_wait3A_71 = tpu.memref_slice %arg5[%add3A_62, %dma_wait3A_70] : memref<10240x2048xf32, #tpu.memory_space<hbm>> -> memref<16x2048xf32, #tpu.memory_space<hbm>>
        tpu.wait_dma2 semaphore(%run_scoped3A : memref<!tpu.dma_semaphore, #tpu.memory_space<semaphore_mem>>) src(%arg12 : memref<16x2048xf32, #tpu.memory_space<vmem>>) dst(%dma_wait3A_71 : memref<16x2048xf32, #tpu.memory_space<hbm>>)
        tpu.yield
      }) : () -> ()
      %scan3A_63 = arith.constant 0 : i32
      scf.yield %scan3A_63 : i32
    }
    %scan3A_28 = arith.constant 10 : i32
    return
  }
}

module attributes {stable_mosaic.version = 14 : i64} {
  func.func @_router_body(%arg0: i32, %arg1: memref<512x2048xf32, #tpu.memory_space<vmem>>, %arg2: memref<2048x128xf32, #tpu.memory_space<vmem>>, %arg3: memref<2048x128xf32, #tpu.memory_space<vmem>>, %arg4: memref<8x128xf32, #tpu.memory_space<vmem>>, %arg5: memref<512x2xi32, #tpu.memory_space<vmem>>, %arg6: memref<512x2xf32, #tpu.memory_space<vmem>>) attributes {dimension_semantics = [#tpu.dimension_semantics<arbitrary>], iteration_bounds = array<i64: 8>, scalar_prefetch = 0 : i64, scratch_operands = 0 : i64, tpu.core_type = #tpu.core_type<tc>, window_params = [{transform_indices = @transform_0, window_bounds = array<i64: 512, 2048>}, {pipeline_mode = #tpu.pipeline_mode<synchronous>, transform_indices = @transform_1, window_bounds = array<i64: 2048, 128>}, {pipeline_mode = #tpu.pipeline_mode<synchronous>, transform_indices = @transform_2, window_bounds = array<i64: 2048, 128>}, {pipeline_mode = #tpu.pipeline_mode<synchronous>, transform_indices = @transform_3, window_bounds = array<i64: 8, 128>}, {transform_indices = @transform_4, window_bounds = array<i64: 512, 2>}, {transform_indices = @transform_5, window_bounds = array<i64: 512, 2>}]} {
    %get3A = arith.constant 0 : index
    %get3A_0 = arith.constant 0 : index
    %get3A_1 = vector.load %arg1[%get3A, %get3A_0] : memref<512x2048xf32, #tpu.memory_space<vmem>>, vector<512x2048xf32>
    %get3A_2 = arith.constant 0 : index
    %get3A_3 = arith.constant 0 : index
    %get3A_4 = vector.load %arg2[%get3A_2, %get3A_3] : memref<2048x128xf32, #tpu.memory_space<vmem>>, vector<2048x128xf32>
    %dot_general3A = arith.constant dense<0.000000e+00> : vector<512x128xf32>
    %dot_general3A_5 = tpu.matmul %get3A_1, %get3A_4, %dot_general3A {dimension_numbers = #tpu.dot_dimension_numbers<[1], [0], [0], [1], [0, 0, 1, 1], [], []>, transpose_lhs_hint = false} : vector<512x2048xf32>, vector<2048x128xf32>, vector<512x128xf32> -> vector<512x128xf32>
    %get3A_6 = arith.constant 0 : index
    %get3A_7 = arith.constant 0 : index
    %get3A_8 = vector.load %arg3[%get3A_6, %get3A_7] : memref<2048x128xf32, #tpu.memory_space<vmem>>, vector<2048x128xf32>
    %dot_general3A_9 = arith.constant dense<0.000000e+00> : vector<512x128xf32>
    %dot_general3A_10 = tpu.matmul %get3A_1, %get3A_8, %dot_general3A_9 {dimension_numbers = #tpu.dot_dimension_numbers<[1], [0], [0], [1], [0, 0, 1, 1], [], []>, transpose_lhs_hint = false} : vector<512x2048xf32>, vector<2048x128xf32>, vector<512x128xf32> -> vector<512x128xf32>
    %logistic3A = arith.negf %dot_general3A_10 : vector<512x128xf32>
    %logistic3A_11 = math.exp %logistic3A : vector<512x128xf32>
    %logistic3A_12 = arith.constant 1.000000e+00 : f32
    %logistic3A_13 = vector.broadcast %logistic3A_12 : f32 to vector<512x128xf32>
    %logistic3A_14 = arith.addf %logistic3A_13, %logistic3A_11 : vector<512x128xf32>
    %logistic3A_15 = arith.divf %logistic3A_13, %logistic3A_14 : vector<512x128xf32>
    %mul3A = arith.mulf %dot_general3A_10, %logistic3A_15 : vector<512x128xf32>
    %mul3A_16 = arith.mulf %dot_general3A_5, %mul3A : vector<512x128xf32>
    %abs3A = math.absf %mul3A_16 : vector<512x128xf32>
    %iota3A = tpu.iota {dimensions = array<i32: 1>} : vector<512x128xi32>
    %lt3A = arith.constant 7 : i32
    %lt3A_17 = vector.broadcast %lt3A : i32 to vector<512x128xi32>
    %lt3A_18 = arith.cmpi slt, %iota3A, %lt3A_17 : vector<512x128xi32>
    %jit3A = arith.constant 0xFF800000 : f32
    %broadcast_in_dim3A = vector.broadcast %jit3A : f32 to vector<512x128xf32>
    %select_n3A = arith.select %lt3A_18, %abs3A, %broadcast_in_dim3A : vector<512x128xi1>, vector<512x128xf32>
    %reduce_max3A = arith.constant dense<0xFF800000> : vector<512xf32>
    %reduce_max3A_19 = vector.multi_reduction <maximumf>, %select_n3A, %reduce_max3A [1] : vector<512x128xf32> to vector<512xf32>
    %broadcast_in_dim3A_20 = vector.shape_cast %reduce_max3A_19 : vector<512xf32> to vector<512x1xf32>
    %sub3A = vector.broadcast %broadcast_in_dim3A_20 : vector<512x1xf32> to vector<512x128xf32>
    %sub3A_21 = arith.subf %select_n3A, %sub3A : vector<512x128xf32>
    %exp3A = math.exp %sub3A_21 : vector<512x128xf32>
    %jit3A_22 = arith.constant 0.000000e+00 : f32
    %broadcast_in_dim3A_23 = vector.broadcast %jit3A_22 : f32 to vector<512x128xf32>
    %select_n3A_24 = arith.select %lt3A_18, %exp3A, %broadcast_in_dim3A_23 : vector<512x128xi1>, vector<512x128xf32>
    %reduce_sum3A = arith.constant dense<0.000000e+00> : vector<512xf32>
    %reduce_sum3A_25 = vector.multi_reduction <add>, %select_n3A_24, %reduce_sum3A [1] : vector<512x128xf32> to vector<512xf32>
    %broadcast_in_dim3A_26 = vector.shape_cast %reduce_sum3A_25 : vector<512xf32> to vector<512x1xf32>
    %div3A = vector.broadcast %broadcast_in_dim3A_26 : vector<512x1xf32> to vector<512x128xf32>
    %div3A_27 = arith.divf %select_n3A_24, %div3A : vector<512x128xf32>
    %get3A_28 = arith.constant 0 : index
    %get3A_29 = arith.constant 0 : index
    %get3A_30 = vector.load %arg4[%get3A_28, %get3A_29] : memref<8x128xf32, #tpu.memory_space<vmem>>, vector<1x128xf32>
    %get3A_31 = arith.constant 1 : index
    %get3A_32 = arith.constant 0 : index
    %get3A_33 = vector.load %arg4[%get3A_31, %get3A_32] : memref<8x128xf32, #tpu.memory_space<vmem>>, vector<1x128xf32>
    %add3A = vector.broadcast %get3A_33 : vector<1x128xf32> to vector<512x128xf32>
    %add3A_34 = arith.addf %div3A_27, %add3A : vector<512x128xf32>
    %jit3A_35 = arith.constant 0xFF800000 : f32
    %broadcast_in_dim3A_36 = vector.broadcast %jit3A_35 : f32 to vector<512x128xf32>
    %select_n3A_37 = arith.select %lt3A_18, %add3A_34, %broadcast_in_dim3A_36 : vector<512x128xi1>, vector<512x128xf32>
    %reduce_max3A_38 = arith.constant dense<0xFF800000> : vector<512xf32>
    %reduce_max3A_39 = vector.multi_reduction <maximumf>, %select_n3A_37, %reduce_max3A_38 [1] : vector<512x128xf32> to vector<512xf32>
    %broadcast_in_dim3A_40 = vector.shape_cast %reduce_max3A_39 : vector<512xf32> to vector<512x1xf32>
    %eq3A = vector.broadcast %broadcast_in_dim3A_40 : vector<512x1xf32> to vector<512x128xf32>
    %eq3A_41 = arith.cmpf oeq, %select_n3A_37, %eq3A : vector<512x128xf32>
    %jit3A_42 = arith.constant 128 : i32
    %broadcast_in_dim3A_43 = vector.broadcast %jit3A_42 : i32 to vector<512x128xi32>
    %select_n3A_44 = arith.select %eq3A_41, %iota3A, %broadcast_in_dim3A_43 : vector<512x128xi1>, vector<512x128xi32>
    %reduce_min3A = arith.constant dense<2147483647> : vector<512xi32>
    %reduce_min3A_45 = vector.multi_reduction <minsi>, %select_n3A_44, %reduce_min3A [1] : vector<512x128xi32> to vector<512xi32>
    %broadcast_in_dim3A_46 = vector.shape_cast %reduce_min3A_45 : vector<512xi32> to vector<512x1xi32>
    %eq3A_47 = vector.broadcast %broadcast_in_dim3A_46 : vector<512x1xi32> to vector<512x128xi32>
    %eq3A_48 = arith.cmpi eq, %iota3A, %eq3A_47 : vector<512x128xi32>
    %jit3A_49 = arith.constant 0xFF800000 : f32
    %broadcast_in_dim3A_50 = vector.broadcast %jit3A_49 : f32 to vector<512x128xf32>
    %select_n3A_51 = arith.select %eq3A_48, %broadcast_in_dim3A_50, %select_n3A_37 : vector<512x128xi1>, vector<512x128xf32>
    %reduce_max3A_52 = arith.constant dense<0xFF800000> : vector<512xf32>
    %reduce_max3A_53 = vector.multi_reduction <maximumf>, %select_n3A_51, %reduce_max3A_52 [1] : vector<512x128xf32> to vector<512xf32>
    %broadcast_in_dim3A_54 = vector.shape_cast %reduce_max3A_53 : vector<512xf32> to vector<512x1xf32>
    %eq3A_55 = vector.broadcast %broadcast_in_dim3A_54 : vector<512x1xf32> to vector<512x128xf32>
    %eq3A_56 = arith.cmpf oeq, %select_n3A_51, %eq3A_55 : vector<512x128xf32>
    %jit3A_57 = arith.constant 128 : i32
    %broadcast_in_dim3A_58 = vector.broadcast %jit3A_57 : i32 to vector<512x128xi32>
    %select_n3A_59 = arith.select %eq3A_56, %iota3A, %broadcast_in_dim3A_58 : vector<512x128xi1>, vector<512x128xi32>
    %reduce_min3A_60 = arith.constant dense<2147483647> : vector<512xi32>
    %reduce_min3A_61 = vector.multi_reduction <minsi>, %select_n3A_59, %reduce_min3A_60 [1] : vector<512x128xi32> to vector<512xi32>
    %broadcast_in_dim3A_62 = vector.shape_cast %reduce_min3A_61 : vector<512xi32> to vector<512x1xi32>
    %mul3A_63 = vector.broadcast %get3A_30 : vector<1x128xf32> to vector<512x128xf32>
    %mul3A_64 = arith.mulf %div3A_27, %mul3A_63 : vector<512x128xf32>
    %add3A_65 = arith.constant 1.000000e+00 : f32
    %add3A_66 = vector.broadcast %add3A_65 : f32 to vector<512x128xf32>
    %add3A_67 = arith.addf %add3A_66, %mul3A_64 : vector<512x128xf32>
    %eq3A_68 = vector.broadcast %broadcast_in_dim3A_46 : vector<512x1xi32> to vector<512x128xi32>
    %eq3A_69 = arith.cmpi eq, %iota3A, %eq3A_68 : vector<512x128xi32>
    %jit3A_70 = arith.constant 0.000000e+00 : f32
    %broadcast_in_dim3A_71 = vector.broadcast %jit3A_70 : f32 to vector<512x128xf32>
    %select_n3A_72 = arith.select %eq3A_69, %add3A_67, %broadcast_in_dim3A_71 : vector<512x128xi1>, vector<512x128xf32>
    %reduce_sum3A_73 = arith.constant dense<0.000000e+00> : vector<512xf32>
    %reduce_sum3A_74 = vector.multi_reduction <add>, %select_n3A_72, %reduce_sum3A_73 [1] : vector<512x128xf32> to vector<512xf32>
    %broadcast_in_dim3A_75 = vector.shape_cast %reduce_sum3A_74 : vector<512xf32> to vector<512x1xf32>
    %eq3A_76 = vector.broadcast %broadcast_in_dim3A_62 : vector<512x1xi32> to vector<512x128xi32>
    %eq3A_77 = arith.cmpi eq, %iota3A, %eq3A_76 : vector<512x128xi32>
    %jit3A_78 = arith.constant 0.000000e+00 : f32
    %broadcast_in_dim3A_79 = vector.broadcast %jit3A_78 : f32 to vector<512x128xf32>
    %select_n3A_80 = arith.select %eq3A_77, %add3A_67, %broadcast_in_dim3A_79 : vector<512x128xi1>, vector<512x128xf32>
    %reduce_sum3A_81 = arith.constant dense<0.000000e+00> : vector<512xf32>
    %reduce_sum3A_82 = vector.multi_reduction <add>, %select_n3A_80, %reduce_sum3A_81 [1] : vector<512x128xf32> to vector<512xf32>
    %broadcast_in_dim3A_83 = vector.shape_cast %reduce_sum3A_82 : vector<512xf32> to vector<512x1xf32>
    %concatenate3A = tpu.concatenate %broadcast_in_dim3A_46, %broadcast_in_dim3A_62 in 1 : vector<512x1xi32>, vector<512x1xi32> -> vector<512x2xi32>
    %swap3A = arith.constant 0 : index
    %swap3A_84 = arith.constant 0 : index
    %swap3A_85 = vector.load %arg5[%swap3A, %swap3A_84] : memref<512x2xi32, #tpu.memory_space<vmem>>, vector<512x2xi32>
    tpu.vector_store %arg5[%swap3A, %swap3A_84], %concatenate3A {strides = array<i32>} : memref<512x2xi32, #tpu.memory_space<vmem>>, vector<512x2xi32>,
    %concatenate3A_86 = tpu.concatenate %broadcast_in_dim3A_75, %broadcast_in_dim3A_83 in 1 : vector<512x1xf32>, vector<512x1xf32> -> vector<512x2xf32>
    %swap3A_87 = arith.constant 0 : index
    %swap3A_88 = arith.constant 0 : index
    %swap3A_89 = vector.load %arg6[%swap3A_87, %swap3A_88] : memref<512x2xf32, #tpu.memory_space<vmem>>, vector<512x2xf32>
    tpu.vector_store %arg6[%swap3A_87, %swap3A_88], %concatenate3A_86 {strides = array<i32>} : memref<512x2xf32, #tpu.memory_space<vmem>>, vector<512x2xf32>,
    return
  }
  func.func @transform_0(%arg0: i32) -> (i32, i32) {
    %c0_i32 = arith.constant 0 : i32
    %c0_i32_0 = arith.constant 0 : i32
    return %arg0, %c0_i32 : i32, i32
  }
  func.func @transform_1(%arg0: i32) -> (i32, i32) {
    %c0_i32 = arith.constant 0 : i32
    %c0_i32_0 = arith.constant 0 : i32
    %c0_i32_1 = arith.constant 0 : i32
    return %c0_i32, %c0_i32_0 : i32, i32
  }
  func.func @transform_2(%arg0: i32) -> (i32, i32) {
    %c0_i32 = arith.constant 0 : i32
    %c0_i32_0 = arith.constant 0 : i32
    %c0_i32_1 = arith.constant 0 : i32
    return %c0_i32, %c0_i32_0 : i32, i32
  }
  func.func @transform_3(%arg0: i32) -> (i32, i32) {
    %c0_i32 = arith.constant 0 : i32
    %c0_i32_0 = arith.constant 0 : i32
    %c0_i32_1 = arith.constant 0 : i32
    return %c0_i32, %c0_i32_0 : i32, i32
  }
  func.func @transform_4(%arg0: i32) -> (i32, i32) {
    %c0_i32 = arith.constant 0 : i32
    %c0_i32_0 = arith.constant 0 : i32
    return %arg0, %c0_i32 : i32, i32
  }
  func.func @transform_5(%arg0: i32) -> (i32, i32) {
    %c0_i32 = arith.constant 0 : i32
    %c0_i32_0 = arith.constant 0 : i32
    return %arg0, %c0_i32 : i32, i32
  }
}

module attributes {stable_mosaic.version = 14 : i64} {
  func.func @_meta_body(%arg0: i32, %arg1: memref<4096x2xi32, #tpu.memory_space<vmem>>, %arg2: memref<4096x2xi32, #tpu.memory_space<vmem>>, %arg3: memref<64x1xi32, #tpu.memory_space<vmem>>) attributes {dimension_semantics = [#tpu.dimension_semantics<arbitrary>], iteration_bounds = array<i64: 1>, scalar_prefetch = 0 : i64, scratch_operands = 0 : i64, tpu.core_type = #tpu.core_type<tc>, window_params = [{pipeline_mode = #tpu.pipeline_mode<synchronous>, transform_indices = @transform_0, window_bounds = array<i64: 4096, 2>}, {pipeline_mode = #tpu.pipeline_mode<synchronous>, transform_indices = @transform_1, window_bounds = array<i64: 4096, 2>}, {pipeline_mode = #tpu.pipeline_mode<synchronous>, transform_indices = @transform_2, window_bounds = array<i64: 64, 1>}]} {
    %iota3A = tpu.iota {dimensions = array<i32: 0>} : vector<512x512xi32>
    %iota3A_0 = tpu.iota {dimensions = array<i32: 1>} : vector<512x512xi32>
    %ge3A = arith.cmpi sge, %iota3A, %iota3A_0 : vector<512x512xi32>
    %jit3A = arith.constant 1.000000e+00 : f32
    %jit3A_1 = arith.constant 0.000000e+00 : f32
    %broadcast_in_dim3A = vector.broadcast %jit3A : f32 to vector<512x512xf32>
    %broadcast_in_dim3A_2 = vector.broadcast %jit3A_1 : f32 to vector<512x512xf32>
    %select_n3A = arith.select %ge3A, %broadcast_in_dim3A, %broadcast_in_dim3A_2 : vector<512x512xi1>, vector<512x512xf32>
    %iota3A_3 = tpu.iota {dimensions = array<i32: 1>} : vector<512x128xi32>
    %broadcast_in_dim3A_4 = arith.constant 0.000000e+00 : f32
    %broadcast_in_dim3A_5 = vector.broadcast %broadcast_in_dim3A_4 : f32 to vector<1x128xf32>
    %get3A = arith.constant 0 : index
    %get3A_6 = arith.constant 0 : index
    %get3A_7 = vector.load %arg1[%get3A, %get3A_6] : memref<4096x2xi32, #tpu.memory_space<vmem>>, vector<512x1xi32>
    %eq3A = vector.broadcast %get3A_7 : vector<512x1xi32> to vector<512x128xi32>
    %eq3A_8 = arith.cmpi eq, %eq3A, %iota3A_3 : vector<512x128xi32>
    %convert_element_type3A = arith.extui %eq3A_8 : vector<512x128xi1> to vector<512x128xi32>
    %convert_element_type3A_9 = arith.sitofp %convert_element_type3A : vector<512x128xi32> to vector<512x128xf32>
    %reduce_sum3A = arith.constant dense<0.000000e+00> : vector<128xf32>
    %reduce_sum3A_10 = vector.multi_reduction <add>, %convert_element_type3A_9, %reduce_sum3A [0] : vector<512x128xf32> to vector<128xf32>
    %broadcast_in_dim3A_11 = vector.shape_cast %reduce_sum3A_10 : vector<128xf32> to vector<1x128xf32>
    %add3A = arith.addf %broadcast_in_dim3A_5, %broadcast_in_dim3A_11 : vector<1x128xf32>
    %get3A_12 = arith.constant 512 : index
    %get3A_13 = arith.constant 0 : index
    %get3A_14 = vector.load %arg1[%get3A_12, %get3A_13] : memref<4096x2xi32, #tpu.memory_space<vmem>>, vector<512x1xi32>
    %eq3A_15 = vector.broadcast %get3A_14 : vector<512x1xi32> to vector<512x128xi32>
    %eq3A_16 = arith.cmpi eq, %eq3A_15, %iota3A_3 : vector<512x128xi32>
    %convert_element_type3A_17 = arith.extui %eq3A_16 : vector<512x128xi1> to vector<512x128xi32>
    %convert_element_type3A_18 = arith.sitofp %convert_element_type3A_17 : vector<512x128xi32> to vector<512x128xf32>
    %reduce_sum3A_19 = arith.constant dense<0.000000e+00> : vector<128xf32>
    %reduce_sum3A_20 = vector.multi_reduction <add>, %convert_element_type3A_18, %reduce_sum3A_19 [0] : vector<512x128xf32> to vector<128xf32>
    %broadcast_in_dim3A_21 = vector.shape_cast %reduce_sum3A_20 : vector<128xf32> to vector<1x128xf32>
    %add3A_22 = arith.addf %add3A, %broadcast_in_dim3A_21 : vector<1x128xf32>
    %get3A_23 = arith.constant 1024 : index
    %get3A_24 = arith.constant 0 : index
    %get3A_25 = vector.load %arg1[%get3A_23, %get3A_24] : memref<4096x2xi32, #tpu.memory_space<vmem>>, vector<512x1xi32>
    %eq3A_26 = vector.broadcast %get3A_25 : vector<512x1xi32> to vector<512x128xi32>
    %eq3A_27 = arith.cmpi eq, %eq3A_26, %iota3A_3 : vector<512x128xi32>
    %convert_element_type3A_28 = arith.extui %eq3A_27 : vector<512x128xi1> to vector<512x128xi32>
    %convert_element_type3A_29 = arith.sitofp %convert_element_type3A_28 : vector<512x128xi32> to vector<512x128xf32>
    %reduce_sum3A_30 = arith.constant dense<0.000000e+00> : vector<128xf32>
    %reduce_sum3A_31 = vector.multi_reduction <add>, %convert_element_type3A_29, %reduce_sum3A_30 [0] : vector<512x128xf32> to vector<128xf32>
    %broadcast_in_dim3A_32 = vector.shape_cast %reduce_sum3A_31 : vector<128xf32> to vector<1x128xf32>
    %add3A_33 = arith.addf %add3A_22, %broadcast_in_dim3A_32 : vector<1x128xf32>
    %get3A_34 = arith.constant 1536 : index
    %get3A_35 = arith.constant 0 : index
    %get3A_36 = vector.load %arg1[%get3A_34, %get3A_35] : memref<4096x2xi32, #tpu.memory_space<vmem>>, vector<512x1xi32>
    %eq3A_37 = vector.broadcast %get3A_36 : vector<512x1xi32> to vector<512x128xi32>
    %eq3A_38 = arith.cmpi eq, %eq3A_37, %iota3A_3 : vector<512x128xi32>
    %convert_element_type3A_39 = arith.extui %eq3A_38 : vector<512x128xi1> to vector<512x128xi32>
    %convert_element_type3A_40 = arith.sitofp %convert_element_type3A_39 : vector<512x128xi32> to vector<512x128xf32>
    %reduce_sum3A_41 = arith.constant dense<0.000000e+00> : vector<128xf32>
    %reduce_sum3A_42 = vector.multi_reduction <add>, %convert_element_type3A_40, %reduce_sum3A_41 [0] : vector<512x128xf32> to vector<128xf32>
    %broadcast_in_dim3A_43 = vector.shape_cast %reduce_sum3A_42 : vector<128xf32> to vector<1x128xf32>
    %add3A_44 = arith.addf %add3A_33, %broadcast_in_dim3A_43 : vector<1x128xf32>
    %get3A_45 = arith.constant 2048 : index
    %get3A_46 = arith.constant 0 : index
    %get3A_47 = vector.load %arg1[%get3A_45, %get3A_46] : memref<4096x2xi32, #tpu.memory_space<vmem>>, vector<512x1xi32>
    %eq3A_48 = vector.broadcast %get3A_47 : vector<512x1xi32> to vector<512x128xi32>
    %eq3A_49 = arith.cmpi eq, %eq3A_48, %iota3A_3 : vector<512x128xi32>
    %convert_element_type3A_50 = arith.extui %eq3A_49 : vector<512x128xi1> to vector<512x128xi32>
    %convert_element_type3A_51 = arith.sitofp %convert_element_type3A_50 : vector<512x128xi32> to vector<512x128xf32>
    %reduce_sum3A_52 = arith.constant dense<0.000000e+00> : vector<128xf32>
    %reduce_sum3A_53 = vector.multi_reduction <add>, %convert_element_type3A_51, %reduce_sum3A_52 [0] : vector<512x128xf32> to vector<128xf32>
    %broadcast_in_dim3A_54 = vector.shape_cast %reduce_sum3A_53 : vector<128xf32> to vector<1x128xf32>
    %add3A_55 = arith.addf %add3A_44, %broadcast_in_dim3A_54 : vector<1x128xf32>
    %get3A_56 = arith.constant 2560 : index
    %get3A_57 = arith.constant 0 : index
    %get3A_58 = vector.load %arg1[%get3A_56, %get3A_57] : memref<4096x2xi32, #tpu.memory_space<vmem>>, vector<512x1xi32>
    %eq3A_59 = vector.broadcast %get3A_58 : vector<512x1xi32> to vector<512x128xi32>
    %eq3A_60 = arith.cmpi eq, %eq3A_59, %iota3A_3 : vector<512x128xi32>
    %convert_element_type3A_61 = arith.extui %eq3A_60 : vector<512x128xi1> to vector<512x128xi32>
    %convert_element_type3A_62 = arith.sitofp %convert_element_type3A_61 : vector<512x128xi32> to vector<512x128xf32>
    %reduce_sum3A_63 = arith.constant dense<0.000000e+00> : vector<128xf32>
    %reduce_sum3A_64 = vector.multi_reduction <add>, %convert_element_type3A_62, %reduce_sum3A_63 [0] : vector<512x128xf32> to vector<128xf32>
    %broadcast_in_dim3A_65 = vector.shape_cast %reduce_sum3A_64 : vector<128xf32> to vector<1x128xf32>
    %add3A_66 = arith.addf %add3A_55, %broadcast_in_dim3A_65 : vector<1x128xf32>
    %get3A_67 = arith.constant 3072 : index
    %get3A_68 = arith.constant 0 : index
    %get3A_69 = vector.load %arg1[%get3A_67, %get3A_68] : memref<4096x2xi32, #tpu.memory_space<vmem>>, vector<512x1xi32>
    %eq3A_70 = vector.broadcast %get3A_69 : vector<512x1xi32> to vector<512x128xi32>
    %eq3A_71 = arith.cmpi eq, %eq3A_70, %iota3A_3 : vector<512x128xi32>
    %convert_element_type3A_72 = arith.extui %eq3A_71 : vector<512x128xi1> to vector<512x128xi32>
    %convert_element_type3A_73 = arith.sitofp %convert_element_type3A_72 : vector<512x128xi32> to vector<512x128xf32>
    %reduce_sum3A_74 = arith.constant dense<0.000000e+00> : vector<128xf32>
    %reduce_sum3A_75 = vector.multi_reduction <add>, %convert_element_type3A_73, %reduce_sum3A_74 [0] : vector<512x128xf32> to vector<128xf32>
    %broadcast_in_dim3A_76 = vector.shape_cast %reduce_sum3A_75 : vector<128xf32> to vector<1x128xf32>
    %add3A_77 = arith.addf %add3A_66, %broadcast_in_dim3A_76 : vector<1x128xf32>
    %get3A_78 = arith.constant 3584 : index
    %get3A_79 = arith.constant 0 : index
    %get3A_80 = vector.load %arg1[%get3A_78, %get3A_79] : memref<4096x2xi32, #tpu.memory_space<vmem>>, vector<512x1xi32>
    %eq3A_81 = vector.broadcast %get3A_80 : vector<512x1xi32> to vector<512x128xi32>
    %eq3A_82 = arith.cmpi eq, %eq3A_81, %iota3A_3 : vector<512x128xi32>
    %convert_element_type3A_83 = arith.extui %eq3A_82 : vector<512x128xi1> to vector<512x128xi32>
    %convert_element_type3A_84 = arith.sitofp %convert_element_type3A_83 : vector<512x128xi32> to vector<512x128xf32>
    %reduce_sum3A_85 = arith.constant dense<0.000000e+00> : vector<128xf32>
    %reduce_sum3A_86 = vector.multi_reduction <add>, %convert_element_type3A_84, %reduce_sum3A_85 [0] : vector<512x128xf32> to vector<128xf32>
    %broadcast_in_dim3A_87 = vector.shape_cast %reduce_sum3A_86 : vector<128xf32> to vector<1x128xf32>
    %add3A_88 = arith.addf %add3A_77, %broadcast_in_dim3A_87 : vector<1x128xf32>
    %get3A_89 = arith.constant 0 : index
    %get3A_90 = arith.constant 1 : index
    %get3A_91 = vector.load %arg1[%get3A_89, %get3A_90] : memref<4096x2xi32, #tpu.memory_space<vmem>>, vector<512x1xi32>
    %eq3A_92 = vector.broadcast %get3A_91 : vector<512x1xi32> to vector<512x128xi32>
    %eq3A_93 = arith.cmpi eq, %eq3A_92, %iota3A_3 : vector<512x128xi32>
    %convert_element_type3A_94 = arith.extui %eq3A_93 : vector<512x128xi1> to vector<512x128xi32>
    %convert_element_type3A_95 = arith.sitofp %convert_element_type3A_94 : vector<512x128xi32> to vector<512x128xf32>
    %reduce_sum3A_96 = arith.constant dense<0.000000e+00> : vector<128xf32>
    %reduce_sum3A_97 = vector.multi_reduction <add>, %convert_element_type3A_95, %reduce_sum3A_96 [0] : vector<512x128xf32> to vector<128xf32>
    %broadcast_in_dim3A_98 = vector.shape_cast %reduce_sum3A_97 : vector<128xf32> to vector<1x128xf32>
    %add3A_99 = arith.addf %add3A_88, %broadcast_in_dim3A_98 : vector<1x128xf32>
    %get3A_100 = arith.constant 512 : index
    %get3A_101 = arith.constant 1 : index
    %get3A_102 = vector.load %arg1[%get3A_100, %get3A_101] : memref<4096x2xi32, #tpu.memory_space<vmem>>, vector<512x1xi32>
    %eq3A_103 = vector.broadcast %get3A_102 : vector<512x1xi32> to vector<512x128xi32>
    %eq3A_104 = arith.cmpi eq, %eq3A_103, %iota3A_3 : vector<512x128xi32>
    %convert_element_type3A_105 = arith.extui %eq3A_104 : vector<512x128xi1> to vector<512x128xi32>
    %convert_element_type3A_106 = arith.sitofp %convert_element_type3A_105 : vector<512x128xi32> to vector<512x128xf32>
    %reduce_sum3A_107 = arith.constant dense<0.000000e+00> : vector<128xf32>
    %reduce_sum3A_108 = vector.multi_reduction <add>, %convert_element_type3A_106, %reduce_sum3A_107 [0] : vector<512x128xf32> to vector<128xf32>
    %broadcast_in_dim3A_109 = vector.shape_cast %reduce_sum3A_108 : vector<128xf32> to vector<1x128xf32>
    %add3A_110 = arith.addf %add3A_99, %broadcast_in_dim3A_109 : vector<1x128xf32>
    %get3A_111 = arith.constant 1024 : index
    %get3A_112 = arith.constant 1 : index
    %get3A_113 = vector.load %arg1[%get3A_111, %get3A_112] : memref<4096x2xi32, #tpu.memory_space<vmem>>, vector<512x1xi32>
    %eq3A_114 = vector.broadcast %get3A_113 : vector<512x1xi32> to vector<512x128xi32>
    %eq3A_115 = arith.cmpi eq, %eq3A_114, %iota3A_3 : vector<512x128xi32>
    %convert_element_type3A_116 = arith.extui %eq3A_115 : vector<512x128xi1> to vector<512x128xi32>
    %convert_element_type3A_117 = arith.sitofp %convert_element_type3A_116 : vector<512x128xi32> to vector<512x128xf32>
    %reduce_sum3A_118 = arith.constant dense<0.000000e+00> : vector<128xf32>
    %reduce_sum3A_119 = vector.multi_reduction <add>, %convert_element_type3A_117, %reduce_sum3A_118 [0] : vector<512x128xf32> to vector<128xf32>
    %broadcast_in_dim3A_120 = vector.shape_cast %reduce_sum3A_119 : vector<128xf32> to vector<1x128xf32>
    %add3A_121 = arith.addf %add3A_110, %broadcast_in_dim3A_120 : vector<1x128xf32>
    %get3A_122 = arith.constant 1536 : index
    %get3A_123 = arith.constant 1 : index
    %get3A_124 = vector.load %arg1[%get3A_122, %get3A_123] : memref<4096x2xi32, #tpu.memory_space<vmem>>, vector<512x1xi32>
    %eq3A_125 = vector.broadcast %get3A_124 : vector<512x1xi32> to vector<512x128xi32>
    %eq3A_126 = arith.cmpi eq, %eq3A_125, %iota3A_3 : vector<512x128xi32>
    %convert_element_type3A_127 = arith.extui %eq3A_126 : vector<512x128xi1> to vector<512x128xi32>
    %convert_element_type3A_128 = arith.sitofp %convert_element_type3A_127 : vector<512x128xi32> to vector<512x128xf32>
    %reduce_sum3A_129 = arith.constant dense<0.000000e+00> : vector<128xf32>
    %reduce_sum3A_130 = vector.multi_reduction <add>, %convert_element_type3A_128, %reduce_sum3A_129 [0] : vector<512x128xf32> to vector<128xf32>
    %broadcast_in_dim3A_131 = vector.shape_cast %reduce_sum3A_130 : vector<128xf32> to vector<1x128xf32>
    %add3A_132 = arith.addf %add3A_121, %broadcast_in_dim3A_131 : vector<1x128xf32>
    %get3A_133 = arith.constant 2048 : index
    %get3A_134 = arith.constant 1 : index
    %get3A_135 = vector.load %arg1[%get3A_133, %get3A_134] : memref<4096x2xi32, #tpu.memory_space<vmem>>, vector<512x1xi32>
    %eq3A_136 = vector.broadcast %get3A_135 : vector<512x1xi32> to vector<512x128xi32>
    %eq3A_137 = arith.cmpi eq, %eq3A_136, %iota3A_3 : vector<512x128xi32>
    %convert_element_type3A_138 = arith.extui %eq3A_137 : vector<512x128xi1> to vector<512x128xi32>
    %convert_element_type3A_139 = arith.sitofp %convert_element_type3A_138 : vector<512x128xi32> to vector<512x128xf32>
    %reduce_sum3A_140 = arith.constant dense<0.000000e+00> : vector<128xf32>
    %reduce_sum3A_141 = vector.multi_reduction <add>, %convert_element_type3A_139, %reduce_sum3A_140 [0] : vector<512x128xf32> to vector<128xf32>
    %broadcast_in_dim3A_142 = vector.shape_cast %reduce_sum3A_141 : vector<128xf32> to vector<1x128xf32>
    %add3A_143 = arith.addf %add3A_132, %broadcast_in_dim3A_142 : vector<1x128xf32>
    %get3A_144 = arith.constant 2560 : index
    %get3A_145 = arith.constant 1 : index
    %get3A_146 = vector.load %arg1[%get3A_144, %get3A_145] : memref<4096x2xi32, #tpu.memory_space<vmem>>, vector<512x1xi32>
    %eq3A_147 = vector.broadcast %get3A_146 : vector<512x1xi32> to vector<512x128xi32>
    %eq3A_148 = arith.cmpi eq, %eq3A_147, %iota3A_3 : vector<512x128xi32>
    %convert_element_type3A_149 = arith.extui %eq3A_148 : vector<512x128xi1> to vector<512x128xi32>
    %convert_element_type3A_150 = arith.sitofp %convert_element_type3A_149 : vector<512x128xi32> to vector<512x128xf32>
    %reduce_sum3A_151 = arith.constant dense<0.000000e+00> : vector<128xf32>
    %reduce_sum3A_152 = vector.multi_reduction <add>, %convert_element_type3A_150, %reduce_sum3A_151 [0] : vector<512x128xf32> to vector<128xf32>
    %broadcast_in_dim3A_153 = vector.shape_cast %reduce_sum3A_152 : vector<128xf32> to vector<1x128xf32>
    %add3A_154 = arith.addf %add3A_143, %broadcast_in_dim3A_153 : vector<1x128xf32>
    %get3A_155 = arith.constant 3072 : index
    %get3A_156 = arith.constant 1 : index
    %get3A_157 = vector.load %arg1[%get3A_155, %get3A_156] : memref<4096x2xi32, #tpu.memory_space<vmem>>, vector<512x1xi32>
    %eq3A_158 = vector.broadcast %get3A_157 : vector<512x1xi32> to vector<512x128xi32>
    %eq3A_159 = arith.cmpi eq, %eq3A_158, %iota3A_3 : vector<512x128xi32>
    %convert_element_type3A_160 = arith.extui %eq3A_159 : vector<512x128xi1> to vector<512x128xi32>
    %convert_element_type3A_161 = arith.sitofp %convert_element_type3A_160 : vector<512x128xi32> to vector<512x128xf32>
    %reduce_sum3A_162 = arith.constant dense<0.000000e+00> : vector<128xf32>
    %reduce_sum3A_163 = vector.multi_reduction <add>, %convert_element_type3A_161, %reduce_sum3A_162 [0] : vector<512x128xf32> to vector<128xf32>
    %broadcast_in_dim3A_164 = vector.shape_cast %reduce_sum3A_163 : vector<128xf32> to vector<1x128xf32>
    %add3A_165 = arith.addf %add3A_154, %broadcast_in_dim3A_164 : vector<1x128xf32>
    %get3A_166 = arith.constant 3584 : index
    %get3A_167 = arith.constant 1 : index
    %get3A_168 = vector.load %arg1[%get3A_166, %get3A_167] : memref<4096x2xi32, #tpu.memory_space<vmem>>, vector<512x1xi32>
    %eq3A_169 = vector.broadcast %get3A_168 : vector<512x1xi32> to vector<512x128xi32>
    %eq3A_170 = arith.cmpi eq, %eq3A_169, %iota3A_3 : vector<512x128xi32>
    %convert_element_type3A_171 = arith.extui %eq3A_170 : vector<512x128xi1> to vector<512x128xi32>
    %convert_element_type3A_172 = arith.sitofp %convert_element_type3A_171 : vector<512x128xi32> to vector<512x128xf32>
    %reduce_sum3A_173 = arith.constant dense<0.000000e+00> : vector<128xf32>
    %reduce_sum3A_174 = vector.multi_reduction <add>, %convert_element_type3A_172, %reduce_sum3A_173 [0] : vector<512x128xf32> to vector<128xf32>
    %broadcast_in_dim3A_175 = vector.shape_cast %reduce_sum3A_174 : vector<128xf32> to vector<1x128xf32>
    %add3A_176 = arith.addf %add3A_165, %broadcast_in_dim3A_175 : vector<1x128xf32>
    %convert_element_type3A_177 = arith.fptosi %add3A_176 : vector<1x128xf32> to vector<1x128xi32>
    %add3A_178 = arith.constant 256 : i32
    %add3A_179 = vector.broadcast %add3A_178 : i32 to vector<1x128xi32>
    %add3A_180 = arith.addi %convert_element_type3A_177, %add3A_179 : vector<1x128xi32>
    %sub3A = arith.constant 1 : i32
    %sub3A_181 = vector.broadcast %sub3A : i32 to vector<1x128xi32>
    %sub3A_182 = arith.subi %add3A_180, %sub3A_181 : vector<1x128xi32>
    %jit3A_183 = arith.constant 256 : i32
    %div3A = vector.broadcast %jit3A_183 : i32 to vector<1x128xi32>
    %div3A_184 = arith.divsi %sub3A_182, %div3A : vector<1x128xi32>
    %sign3A = arith.constant 0 : i32
    %sign3A_185 = vector.broadcast %sign3A : i32 to vector<1x128xi32>
    %sign3A_186 = arith.cmpi sgt, %sub3A_182, %sign3A_185 : vector<1x128xi32>
    %sign3A_187 = arith.extui %sign3A_186 : vector<1x128xi1> to vector<1x128xi32>
    %sign3A_188 = arith.constant 0 : i32
    %sign3A_189 = vector.broadcast %sign3A_188 : i32 to vector<1x128xi32>
    %sign3A_190 = arith.cmpi slt, %sub3A_182, %sign3A_189 : vector<1x128xi32>
    %sign3A_191 = arith.extui %sign3A_190 : vector<1x128xi1> to vector<1x128xi32>
    %sign3A_192 = arith.subi %sign3A_187, %sign3A_191 : vector<1x128xi32>
    %sign3A_193 = arith.constant 0 : i32
    %sign3A_194 = arith.cmpi sgt, %jit3A_183, %sign3A_193 : i32
    %sign3A_195 = arith.extui %sign3A_194 : i1 to i32
    %sign3A_196 = arith.constant 0 : i32
    %sign3A_197 = arith.cmpi slt, %jit3A_183, %sign3A_196 : i32
    %sign3A_198 = arith.extui %sign3A_197 : i1 to i32
    %sign3A_199 = arith.subi %sign3A_195, %sign3A_198 : i32
    %ne3A = vector.broadcast %sign3A_199 : i32 to vector<1x128xi32>
    %ne3A_200 = arith.cmpi ne, %sign3A_192, %ne3A : vector<1x128xi32>
    %rem3A = vector.broadcast %jit3A_183 : i32 to vector<1x128xi32>
    %rem3A_201 = arith.remsi %sub3A_182, %rem3A : vector<1x128xi32>
    %ne3A_202 = arith.constant 0 : i32
    %ne3A_203 = vector.broadcast %ne3A_202 : i32 to vector<1x128xi32>
    %ne3A_204 = arith.cmpi ne, %rem3A_201, %ne3A_203 : vector<1x128xi32>
    %and3A = arith.andi %ne3A_200, %ne3A_204 : vector<1x128xi1>
    %sub3A_205 = arith.constant 1 : i32
    %sub3A_206 = vector.broadcast %sub3A_205 : i32 to vector<1x128xi32>
    %sub3A_207 = arith.subi %div3A_184, %sub3A_206 : vector<1x128xi32>
    %select_n3A_208 = arith.select %and3A, %sub3A_207, %div3A_184 : vector<1x128xi1>, vector<1x128xi32>
    %mul3A = arith.constant 256 : i32
    %mul3A_209 = vector.broadcast %mul3A : i32 to vector<1x128xi32>
    %mul3A_210 = arith.muli %select_n3A_208, %mul3A_209 : vector<1x128xi32>
    %iota3A_211 = tpu.iota {dimensions = array<i32: 0>} : vector<128x128xi32>
    %iota3A_212 = tpu.iota {dimensions = array<i32: 1>} : vector<128x128xi32>
    %lt3A = arith.cmpi slt, %iota3A_211, %iota3A_212 : vector<128x128xi32>
    %jit3A_213 = arith.constant 1.000000e+00 : f32
    %jit3A_214 = arith.constant 0.000000e+00 : f32
    %broadcast_in_dim3A_215 = vector.broadcast %jit3A_213 : f32 to vector<128x128xf32>
    %broadcast_in_dim3A_216 = vector.broadcast %jit3A_214 : f32 to vector<128x128xf32>
    %select_n3A_217 = arith.select %lt3A, %broadcast_in_dim3A_215, %broadcast_in_dim3A_216 : vector<128x128xi1>, vector<128x128xf32>
    %convert_element_type3A_218 = arith.sitofp %mul3A_210 : vector<1x128xi32> to vector<1x128xf32>
    %dot_general3A = arith.constant dense<0.000000e+00> : vector<1x128xf32>
    %dot_general3A_219 = tpu.matmul %convert_element_type3A_218, %select_n3A_217, %dot_general3A {dimension_numbers = #tpu.dot_dimension_numbers<[1], [0], [0], [1], [0, 0, 1, 1], [], []>, transpose_lhs_hint = false} : vector<1x128xf32>, vector<128x128xf32>, vector<1x128xf32> -> vector<1x128xf32>
    %broadcast_in_dim3A_220 = arith.constant 0.000000e+00 : f32
    %broadcast_in_dim3A_221 = vector.broadcast %broadcast_in_dim3A_220 : f32 to vector<1x128xf32>
    %get3A_222 = arith.constant 0 : index
    %get3A_223 = arith.constant 0 : index
    %get3A_224 = vector.load %arg1[%get3A_222, %get3A_223] : memref<4096x2xi32, #tpu.memory_space<vmem>>, vector<512x1xi32>
    %eq3A_225 = vector.broadcast %get3A_224 : vector<512x1xi32> to vector<512x128xi32>
    %eq3A_226 = arith.cmpi eq, %eq3A_225, %iota3A_3 : vector<512x128xi32>
    %convert_element_type3A_227 = arith.extui %eq3A_226 : vector<512x128xi1> to vector<512x128xi32>
    %convert_element_type3A_228 = arith.sitofp %convert_element_type3A_227 : vector<512x128xi32> to vector<512x128xf32>
    %dot_general3A_229 = arith.constant dense<0.000000e+00> : vector<512x128xf32>
    %dot_general3A_230 = tpu.matmul %select_n3A, %convert_element_type3A_228, %dot_general3A_229 {dimension_numbers = #tpu.dot_dimension_numbers<[1], [0], [0], [1], [0, 0, 1, 1], [], []>, transpose_lhs_hint = false} : vector<512x512xf32>, vector<512x128xf32>, vector<512x128xf32> -> vector<512x128xf32>
    %add3A_231 = vector.broadcast %broadcast_in_dim3A_221 : vector<1x128xf32> to vector<512x128xf32>
    %add3A_232 = arith.addf %dot_general3A_230, %add3A_231 : vector<512x128xf32>
    %mul3A_233 = arith.mulf %add3A_232, %convert_element_type3A_228 : vector<512x128xf32>
    %reduce_sum3A_234 = arith.constant dense<0.000000e+00> : vector<512xf32>
    %reduce_sum3A_235 = vector.multi_reduction <add>, %mul3A_233, %reduce_sum3A_234 [1] : vector<512x128xf32> to vector<512xf32>
    %broadcast_in_dim3A_236 = vector.shape_cast %reduce_sum3A_235 : vector<512xf32> to vector<512x1xf32>
    %sub3A_237 = arith.constant 1.000000e+00 : f32
    %sub3A_238 = vector.broadcast %sub3A_237 : f32 to vector<512x1xf32>
    %sub3A_239 = arith.subf %broadcast_in_dim3A_236, %sub3A_238 : vector<512x1xf32>
    %mul3A_240 = vector.broadcast %dot_general3A_219 : vector<1x128xf32> to vector<512x128xf32>
    %mul3A_241 = arith.mulf %convert_element_type3A_228, %mul3A_240 : vector<512x128xf32>
    %reduce_sum3A_242 = arith.constant dense<0.000000e+00> : vector<512xf32>
    %reduce_sum3A_243 = vector.multi_reduction <add>, %mul3A_241, %reduce_sum3A_242 [1] : vector<512x128xf32> to vector<512xf32>
    %broadcast_in_dim3A_244 = vector.shape_cast %reduce_sum3A_243 : vector<512xf32> to vector<512x1xf32>
    %add3A_245 = arith.addf %sub3A_239, %broadcast_in_dim3A_244 : vector<512x1xf32>
    %convert_element_type3A_246 = arith.fptosi %add3A_245 : vector<512x1xf32> to vector<512x1xi32>
    %swap3A = arith.constant 0 : index
    %swap3A_247 = arith.constant 0 : index
    %swap3A_248 = vector.load %arg2[%swap3A, %swap3A_247] : memref<4096x2xi32, #tpu.memory_space<vmem>>, vector<512x1xi32>
    tpu.vector_store %arg2[%swap3A, %swap3A_247], %convert_element_type3A_246 {strides = array<i32>} : memref<4096x2xi32, #tpu.memory_space<vmem>>, vector<512x1xi32>,
    %slice3A = vector.extract_strided_slice %add3A_232 {offsets = [511, 0], sizes = [1, 128], strides = [1, 1]} : vector<512x128xf32> to vector<1x128xf32>
    %get3A_249 = arith.constant 512 : index
    %get3A_250 = arith.constant 0 : index
    %get3A_251 = vector.load %arg1[%get3A_249, %get3A_250] : memref<4096x2xi32, #tpu.memory_space<vmem>>, vector<512x1xi32>
    %eq3A_252 = vector.broadcast %get3A_251 : vector<512x1xi32> to vector<512x128xi32>
    %eq3A_253 = arith.cmpi eq, %eq3A_252, %iota3A_3 : vector<512x128xi32>
    %convert_element_type3A_254 = arith.extui %eq3A_253 : vector<512x128xi1> to vector<512x128xi32>
    %convert_element_type3A_255 = arith.sitofp %convert_element_type3A_254 : vector<512x128xi32> to vector<512x128xf32>
    %dot_general3A_256 = arith.constant dense<0.000000e+00> : vector<512x128xf32>
    %dot_general3A_257 = tpu.matmul %select_n3A, %convert_element_type3A_255, %dot_general3A_256 {dimension_numbers = #tpu.dot_dimension_numbers<[1], [0], [0], [1], [0, 0, 1, 1], [], []>, transpose_lhs_hint = false} : vector<512x512xf32>, vector<512x128xf32>, vector<512x128xf32> -> vector<512x128xf32>
    %add3A_258 = vector.broadcast %slice3A : vector<1x128xf32> to vector<512x128xf32>
    %add3A_259 = arith.addf %dot_general3A_257, %add3A_258 : vector<512x128xf32>
    %mul3A_260 = arith.mulf %add3A_259, %convert_element_type3A_255 : vector<512x128xf32>
    %reduce_sum3A_261 = arith.constant dense<0.000000e+00> : vector<512xf32>
    %reduce_sum3A_262 = vector.multi_reduction <add>, %mul3A_260, %reduce_sum3A_261 [1] : vector<512x128xf32> to vector<512xf32>
    %broadcast_in_dim3A_263 = vector.shape_cast %reduce_sum3A_262 : vector<512xf32> to vector<512x1xf32>
    %sub3A_264 = arith.constant 1.000000e+00 : f32
    %sub3A_265 = vector.broadcast %sub3A_264 : f32 to vector<512x1xf32>
    %sub3A_266 = arith.subf %broadcast_in_dim3A_263, %sub3A_265 : vector<512x1xf32>
    %mul3A_267 = vector.broadcast %dot_general3A_219 : vector<1x128xf32> to vector<512x128xf32>
    %mul3A_268 = arith.mulf %convert_element_type3A_255, %mul3A_267 : vector<512x128xf32>
    %reduce_sum3A_269 = arith.constant dense<0.000000e+00> : vector<512xf32>
    %reduce_sum3A_270 = vector.multi_reduction <add>, %mul3A_268, %reduce_sum3A_269 [1] : vector<512x128xf32> to vector<512xf32>
    %broadcast_in_dim3A_271 = vector.shape_cast %reduce_sum3A_270 : vector<512xf32> to vector<512x1xf32>
    %add3A_272 = arith.addf %sub3A_266, %broadcast_in_dim3A_271 : vector<512x1xf32>
    %convert_element_type3A_273 = arith.fptosi %add3A_272 : vector<512x1xf32> to vector<512x1xi32>
    %swap3A_274 = arith.constant 512 : index
    %swap3A_275 = arith.constant 0 : index
    %swap3A_276 = vector.load %arg2[%swap3A_274, %swap3A_275] : memref<4096x2xi32, #tpu.memory_space<vmem>>, vector<512x1xi32>
    tpu.vector_store %arg2[%swap3A_274, %swap3A_275], %convert_element_type3A_273 {strides = array<i32>} : memref<4096x2xi32, #tpu.memory_space<vmem>>, vector<512x1xi32>,
    %slice3A_277 = vector.extract_strided_slice %add3A_259 {offsets = [511, 0], sizes = [1, 128], strides = [1, 1]} : vector<512x128xf32> to vector<1x128xf32>
    %get3A_278 = arith.constant 1024 : index
    %get3A_279 = arith.constant 0 : index
    %get3A_280 = vector.load %arg1[%get3A_278, %get3A_279] : memref<4096x2xi32, #tpu.memory_space<vmem>>, vector<512x1xi32>
    %eq3A_281 = vector.broadcast %get3A_280 : vector<512x1xi32> to vector<512x128xi32>
    %eq3A_282 = arith.cmpi eq, %eq3A_281, %iota3A_3 : vector<512x128xi32>
    %convert_element_type3A_283 = arith.extui %eq3A_282 : vector<512x128xi1> to vector<512x128xi32>
    %convert_element_type3A_284 = arith.sitofp %convert_element_type3A_283 : vector<512x128xi32> to vector<512x128xf32>
    %dot_general3A_285 = arith.constant dense<0.000000e+00> : vector<512x128xf32>
    %dot_general3A_286 = tpu.matmul %select_n3A, %convert_element_type3A_284, %dot_general3A_285 {dimension_numbers = #tpu.dot_dimension_numbers<[1], [0], [0], [1], [0, 0, 1, 1], [], []>, transpose_lhs_hint = false} : vector<512x512xf32>, vector<512x128xf32>, vector<512x128xf32> -> vector<512x128xf32>
    %add3A_287 = vector.broadcast %slice3A_277 : vector<1x128xf32> to vector<512x128xf32>
    %add3A_288 = arith.addf %dot_general3A_286, %add3A_287 : vector<512x128xf32>
    %mul3A_289 = arith.mulf %add3A_288, %convert_element_type3A_284 : vector<512x128xf32>
    %reduce_sum3A_290 = arith.constant dense<0.000000e+00> : vector<512xf32>
    %reduce_sum3A_291 = vector.multi_reduction <add>, %mul3A_289, %reduce_sum3A_290 [1] : vector<512x128xf32> to vector<512xf32>
    %broadcast_in_dim3A_292 = vector.shape_cast %reduce_sum3A_291 : vector<512xf32> to vector<512x1xf32>
    %sub3A_293 = arith.constant 1.000000e+00 : f32
    %sub3A_294 = vector.broadcast %sub3A_293 : f32 to vector<512x1xf32>
    %sub3A_295 = arith.subf %broadcast_in_dim3A_292, %sub3A_294 : vector<512x1xf32>
    %mul3A_296 = vector.broadcast %dot_general3A_219 : vector<1x128xf32> to vector<512x128xf32>
    %mul3A_297 = arith.mulf %convert_element_type3A_284, %mul3A_296 : vector<512x128xf32>
    %reduce_sum3A_298 = arith.constant dense<0.000000e+00> : vector<512xf32>
    %reduce_sum3A_299 = vector.multi_reduction <add>, %mul3A_297, %reduce_sum3A_298 [1] : vector<512x128xf32> to vector<512xf32>
    %broadcast_in_dim3A_300 = vector.shape_cast %reduce_sum3A_299 : vector<512xf32> to vector<512x1xf32>
    %add3A_301 = arith.addf %sub3A_295, %broadcast_in_dim3A_300 : vector<512x1xf32>
    %convert_element_type3A_302 = arith.fptosi %add3A_301 : vector<512x1xf32> to vector<512x1xi32>
    %swap3A_303 = arith.constant 1024 : index
    %swap3A_304 = arith.constant 0 : index
    %swap3A_305 = vector.load %arg2[%swap3A_303, %swap3A_304] : memref<4096x2xi32, #tpu.memory_space<vmem>>, vector<512x1xi32>
    tpu.vector_store %arg2[%swap3A_303, %swap3A_304], %convert_element_type3A_302 {strides = array<i32>} : memref<4096x2xi32, #tpu.memory_space<vmem>>, vector<512x1xi32>,
    %slice3A_306 = vector.extract_strided_slice %add3A_288 {offsets = [511, 0], sizes = [1, 128], strides = [1, 1]} : vector<512x128xf32> to vector<1x128xf32>
    %get3A_307 = arith.constant 1536 : index
    %get3A_308 = arith.constant 0 : index
    %get3A_309 = vector.load %arg1[%get3A_307, %get3A_308] : memref<4096x2xi32, #tpu.memory_space<vmem>>, vector<512x1xi32>
    %eq3A_310 = vector.broadcast %get3A_309 : vector<512x1xi32> to vector<512x128xi32>
    %eq3A_311 = arith.cmpi eq, %eq3A_310, %iota3A_3 : vector<512x128xi32>
    %convert_element_type3A_312 = arith.extui %eq3A_311 : vector<512x128xi1> to vector<512x128xi32>
    %convert_element_type3A_313 = arith.sitofp %convert_element_type3A_312 : vector<512x128xi32> to vector<512x128xf32>
    %dot_general3A_314 = arith.constant dense<0.000000e+00> : vector<512x128xf32>
    %dot_general3A_315 = tpu.matmul %select_n3A, %convert_element_type3A_313, %dot_general3A_314 {dimension_numbers = #tpu.dot_dimension_numbers<[1], [0], [0], [1], [0, 0, 1, 1], [], []>, transpose_lhs_hint = false} : vector<512x512xf32>, vector<512x128xf32>, vector<512x128xf32> -> vector<512x128xf32>
    %add3A_316 = vector.broadcast %slice3A_306 : vector<1x128xf32> to vector<512x128xf32>
    %add3A_317 = arith.addf %dot_general3A_315, %add3A_316 : vector<512x128xf32>
    %mul3A_318 = arith.mulf %add3A_317, %convert_element_type3A_313 : vector<512x128xf32>
    %reduce_sum3A_319 = arith.constant dense<0.000000e+00> : vector<512xf32>
    %reduce_sum3A_320 = vector.multi_reduction <add>, %mul3A_318, %reduce_sum3A_319 [1] : vector<512x128xf32> to vector<512xf32>
    %broadcast_in_dim3A_321 = vector.shape_cast %reduce_sum3A_320 : vector<512xf32> to vector<512x1xf32>
    %sub3A_322 = arith.constant 1.000000e+00 : f32
    %sub3A_323 = vector.broadcast %sub3A_322 : f32 to vector<512x1xf32>
    %sub3A_324 = arith.subf %broadcast_in_dim3A_321, %sub3A_323 : vector<512x1xf32>
    %mul3A_325 = vector.broadcast %dot_general3A_219 : vector<1x128xf32> to vector<512x128xf32>
    %mul3A_326 = arith.mulf %convert_element_type3A_313, %mul3A_325 : vector<512x128xf32>
    %reduce_sum3A_327 = arith.constant dense<0.000000e+00> : vector<512xf32>
    %reduce_sum3A_328 = vector.multi_reduction <add>, %mul3A_326, %reduce_sum3A_327 [1] : vector<512x128xf32> to vector<512xf32>
    %broadcast_in_dim3A_329 = vector.shape_cast %reduce_sum3A_328 : vector<512xf32> to vector<512x1xf32>
    %add3A_330 = arith.addf %sub3A_324, %broadcast_in_dim3A_329 : vector<512x1xf32>
    %convert_element_type3A_331 = arith.fptosi %add3A_330 : vector<512x1xf32> to vector<512x1xi32>
    %swap3A_332 = arith.constant 1536 : index
    %swap3A_333 = arith.constant 0 : index
    %swap3A_334 = vector.load %arg2[%swap3A_332, %swap3A_333] : memref<4096x2xi32, #tpu.memory_space<vmem>>, vector<512x1xi32>
    tpu.vector_store %arg2[%swap3A_332, %swap3A_333], %convert_element_type3A_331 {strides = array<i32>} : memref<4096x2xi32, #tpu.memory_space<vmem>>, vector<512x1xi32>,
    %slice3A_335 = vector.extract_strided_slice %add3A_317 {offsets = [511, 0], sizes = [1, 128], strides = [1, 1]} : vector<512x128xf32> to vector<1x128xf32>
    %get3A_336 = arith.constant 2048 : index
    %get3A_337 = arith.constant 0 : index
    %get3A_338 = vector.load %arg1[%get3A_336, %get3A_337] : memref<4096x2xi32, #tpu.memory_space<vmem>>, vector<512x1xi32>
    %eq3A_339 = vector.broadcast %get3A_338 : vector<512x1xi32> to vector<512x128xi32>
    %eq3A_340 = arith.cmpi eq, %eq3A_339, %iota3A_3 : vector<512x128xi32>
    %convert_element_type3A_341 = arith.extui %eq3A_340 : vector<512x128xi1> to vector<512x128xi32>
    %convert_element_type3A_342 = arith.sitofp %convert_element_type3A_341 : vector<512x128xi32> to vector<512x128xf32>
    %dot_general3A_343 = arith.constant dense<0.000000e+00> : vector<512x128xf32>
    %dot_general3A_344 = tpu.matmul %select_n3A, %convert_element_type3A_342, %dot_general3A_343 {dimension_numbers = #tpu.dot_dimension_numbers<[1], [0], [0], [1], [0, 0, 1, 1], [], []>, transpose_lhs_hint = false} : vector<512x512xf32>, vector<512x128xf32>, vector<512x128xf32> -> vector<512x128xf32>
    %add3A_345 = vector.broadcast %slice3A_335 : vector<1x128xf32> to vector<512x128xf32>
    %add3A_346 = arith.addf %dot_general3A_344, %add3A_345 : vector<512x128xf32>
    %mul3A_347 = arith.mulf %add3A_346, %convert_element_type3A_342 : vector<512x128xf32>
    %reduce_sum3A_348 = arith.constant dense<0.000000e+00> : vector<512xf32>
    %reduce_sum3A_349 = vector.multi_reduction <add>, %mul3A_347, %reduce_sum3A_348 [1] : vector<512x128xf32> to vector<512xf32>
    %broadcast_in_dim3A_350 = vector.shape_cast %reduce_sum3A_349 : vector<512xf32> to vector<512x1xf32>
    %sub3A_351 = arith.constant 1.000000e+00 : f32
    %sub3A_352 = vector.broadcast %sub3A_351 : f32 to vector<512x1xf32>
    %sub3A_353 = arith.subf %broadcast_in_dim3A_350, %sub3A_352 : vector<512x1xf32>
    %mul3A_354 = vector.broadcast %dot_general3A_219 : vector<1x128xf32> to vector<512x128xf32>
    %mul3A_355 = arith.mulf %convert_element_type3A_342, %mul3A_354 : vector<512x128xf32>
    %reduce_sum3A_356 = arith.constant dense<0.000000e+00> : vector<512xf32>
    %reduce_sum3A_357 = vector.multi_reduction <add>, %mul3A_355, %reduce_sum3A_356 [1] : vector<512x128xf32> to vector<512xf32>
    %broadcast_in_dim3A_358 = vector.shape_cast %reduce_sum3A_357 : vector<512xf32> to vector<512x1xf32>
    %add3A_359 = arith.addf %sub3A_353, %broadcast_in_dim3A_358 : vector<512x1xf32>
    %convert_element_type3A_360 = arith.fptosi %add3A_359 : vector<512x1xf32> to vector<512x1xi32>
    %swap3A_361 = arith.constant 2048 : index
    %swap3A_362 = arith.constant 0 : index
    %swap3A_363 = vector.load %arg2[%swap3A_361, %swap3A_362] : memref<4096x2xi32, #tpu.memory_space<vmem>>, vector<512x1xi32>
    tpu.vector_store %arg2[%swap3A_361, %swap3A_362], %convert_element_type3A_360 {strides = array<i32>} : memref<4096x2xi32, #tpu.memory_space<vmem>>, vector<512x1xi32>,
    %slice3A_364 = vector.extract_strided_slice %add3A_346 {offsets = [511, 0], sizes = [1, 128], strides = [1, 1]} : vector<512x128xf32> to vector<1x128xf32>
    %get3A_365 = arith.constant 2560 : index
    %get3A_366 = arith.constant 0 : index
    %get3A_367 = vector.load %arg1[%get3A_365, %get3A_366] : memref<4096x2xi32, #tpu.memory_space<vmem>>, vector<512x1xi32>
    %eq3A_368 = vector.broadcast %get3A_367 : vector<512x1xi32> to vector<512x128xi32>
    %eq3A_369 = arith.cmpi eq, %eq3A_368, %iota3A_3 : vector<512x128xi32>
    %convert_element_type3A_370 = arith.extui %eq3A_369 : vector<512x128xi1> to vector<512x128xi32>
    %convert_element_type3A_371 = arith.sitofp %convert_element_type3A_370 : vector<512x128xi32> to vector<512x128xf32>
    %dot_general3A_372 = arith.constant dense<0.000000e+00> : vector<512x128xf32>
    %dot_general3A_373 = tpu.matmul %select_n3A, %convert_element_type3A_371, %dot_general3A_372 {dimension_numbers = #tpu.dot_dimension_numbers<[1], [0], [0], [1], [0, 0, 1, 1], [], []>, transpose_lhs_hint = false} : vector<512x512xf32>, vector<512x128xf32>, vector<512x128xf32> -> vector<512x128xf32>
    %add3A_374 = vector.broadcast %slice3A_364 : vector<1x128xf32> to vector<512x128xf32>
    %add3A_375 = arith.addf %dot_general3A_373, %add3A_374 : vector<512x128xf32>
    %mul3A_376 = arith.mulf %add3A_375, %convert_element_type3A_371 : vector<512x128xf32>
    %reduce_sum3A_377 = arith.constant dense<0.000000e+00> : vector<512xf32>
    %reduce_sum3A_378 = vector.multi_reduction <add>, %mul3A_376, %reduce_sum3A_377 [1] : vector<512x128xf32> to vector<512xf32>
    %broadcast_in_dim3A_379 = vector.shape_cast %reduce_sum3A_378 : vector<512xf32> to vector<512x1xf32>
    %sub3A_380 = arith.constant 1.000000e+00 : f32
    %sub3A_381 = vector.broadcast %sub3A_380 : f32 to vector<512x1xf32>
    %sub3A_382 = arith.subf %broadcast_in_dim3A_379, %sub3A_381 : vector<512x1xf32>
    %mul3A_383 = vector.broadcast %dot_general3A_219 : vector<1x128xf32> to vector<512x128xf32>
    %mul3A_384 = arith.mulf %convert_element_type3A_371, %mul3A_383 : vector<512x128xf32>
    %reduce_sum3A_385 = arith.constant dense<0.000000e+00> : vector<512xf32>
    %reduce_sum3A_386 = vector.multi_reduction <add>, %mul3A_384, %reduce_sum3A_385 [1] : vector<512x128xf32> to vector<512xf32>
    %broadcast_in_dim3A_387 = vector.shape_cast %reduce_sum3A_386 : vector<512xf32> to vector<512x1xf32>
    %add3A_388 = arith.addf %sub3A_382, %broadcast_in_dim3A_387 : vector<512x1xf32>
    %convert_element_type3A_389 = arith.fptosi %add3A_388 : vector<512x1xf32> to vector<512x1xi32>
    %swap3A_390 = arith.constant 2560 : index
    %swap3A_391 = arith.constant 0 : index
    %swap3A_392 = vector.load %arg2[%swap3A_390, %swap3A_391] : memref<4096x2xi32, #tpu.memory_space<vmem>>, vector<512x1xi32>
    tpu.vector_store %arg2[%swap3A_390, %swap3A_391], %convert_element_type3A_389 {strides = array<i32>} : memref<4096x2xi32, #tpu.memory_space<vmem>>, vector<512x1xi32>,
    %slice3A_393 = vector.extract_strided_slice %add3A_375 {offsets = [511, 0], sizes = [1, 128], strides = [1, 1]} : vector<512x128xf32> to vector<1x128xf32>
    %get3A_394 = arith.constant 3072 : index
    %get3A_395 = arith.constant 0 : index
    %get3A_396 = vector.load %arg1[%get3A_394, %get3A_395] : memref<4096x2xi32, #tpu.memory_space<vmem>>, vector<512x1xi32>
    %eq3A_397 = vector.broadcast %get3A_396 : vector<512x1xi32> to vector<512x128xi32>
    %eq3A_398 = arith.cmpi eq, %eq3A_397, %iota3A_3 : vector<512x128xi32>
    %convert_element_type3A_399 = arith.extui %eq3A_398 : vector<512x128xi1> to vector<512x128xi32>
    %convert_element_type3A_400 = arith.sitofp %convert_element_type3A_399 : vector<512x128xi32> to vector<512x128xf32>
    %dot_general3A_401 = arith.constant dense<0.000000e+00> : vector<512x128xf32>
    %dot_general3A_402 = tpu.matmul %select_n3A, %convert_element_type3A_400, %dot_general3A_401 {dimension_numbers = #tpu.dot_dimension_numbers<[1], [0], [0], [1], [0, 0, 1, 1], [], []>, transpose_lhs_hint = false} : vector<512x512xf32>, vector<512x128xf32>, vector<512x128xf32> -> vector<512x128xf32>
    %add3A_403 = vector.broadcast %slice3A_393 : vector<1x128xf32> to vector<512x128xf32>
    %add3A_404 = arith.addf %dot_general3A_402, %add3A_403 : vector<512x128xf32>
    %mul3A_405 = arith.mulf %add3A_404, %convert_element_type3A_400 : vector<512x128xf32>
    %reduce_sum3A_406 = arith.constant dense<0.000000e+00> : vector<512xf32>
    %reduce_sum3A_407 = vector.multi_reduction <add>, %mul3A_405, %reduce_sum3A_406 [1] : vector<512x128xf32> to vector<512xf32>
    %broadcast_in_dim3A_408 = vector.shape_cast %reduce_sum3A_407 : vector<512xf32> to vector<512x1xf32>
    %sub3A_409 = arith.constant 1.000000e+00 : f32
    %sub3A_410 = vector.broadcast %sub3A_409 : f32 to vector<512x1xf32>
    %sub3A_411 = arith.subf %broadcast_in_dim3A_408, %sub3A_410 : vector<512x1xf32>
    %mul3A_412 = vector.broadcast %dot_general3A_219 : vector<1x128xf32> to vector<512x128xf32>
    %mul3A_413 = arith.mulf %convert_element_type3A_400, %mul3A_412 : vector<512x128xf32>
    %reduce_sum3A_414 = arith.constant dense<0.000000e+00> : vector<512xf32>
    %reduce_sum3A_415 = vector.multi_reduction <add>, %mul3A_413, %reduce_sum3A_414 [1] : vector<512x128xf32> to vector<512xf32>
    %broadcast_in_dim3A_416 = vector.shape_cast %reduce_sum3A_415 : vector<512xf32> to vector<512x1xf32>
    %add3A_417 = arith.addf %sub3A_411, %broadcast_in_dim3A_416 : vector<512x1xf32>
    %convert_element_type3A_418 = arith.fptosi %add3A_417 : vector<512x1xf32> to vector<512x1xi32>
    %swap3A_419 = arith.constant 3072 : index
    %swap3A_420 = arith.constant 0 : index
    %swap3A_421 = vector.load %arg2[%swap3A_419, %swap3A_420] : memref<4096x2xi32, #tpu.memory_space<vmem>>, vector<512x1xi32>
    tpu.vector_store %arg2[%swap3A_419, %swap3A_420], %convert_element_type3A_418 {strides = array<i32>} : memref<4096x2xi32, #tpu.memory_space<vmem>>, vector<512x1xi32>,
    %slice3A_422 = vector.extract_strided_slice %add3A_404 {offsets = [511, 0], sizes = [1, 128], strides = [1, 1]} : vector<512x128xf32> to vector<1x128xf32>
    %get3A_423 = arith.constant 3584 : index
    %get3A_424 = arith.constant 0 : index
    %get3A_425 = vector.load %arg1[%get3A_423, %get3A_424] : memref<4096x2xi32, #tpu.memory_space<vmem>>, vector<512x1xi32>
    %eq3A_426 = vector.broadcast %get3A_425 : vector<512x1xi32> to vector<512x128xi32>
    %eq3A_427 = arith.cmpi eq, %eq3A_426, %iota3A_3 : vector<512x128xi32>
    %convert_element_type3A_428 = arith.extui %eq3A_427 : vector<512x128xi1> to vector<512x128xi32>
    %convert_element_type3A_429 = arith.sitofp %convert_element_type3A_428 : vector<512x128xi32> to vector<512x128xf32>
    %dot_general3A_430 = arith.constant dense<0.000000e+00> : vector<512x128xf32>
    %dot_general3A_431 = tpu.matmul %select_n3A, %convert_element_type3A_429, %dot_general3A_430 {dimension_numbers = #tpu.dot_dimension_numbers<[1], [0], [0], [1], [0, 0, 1, 1], [], []>, transpose_lhs_hint = false} : vector<512x512xf32>, vector<512x128xf32>, vector<512x128xf32> -> vector<512x128xf32>
    %add3A_432 = vector.broadcast %slice3A_422 : vector<1x128xf32> to vector<512x128xf32>
    %add3A_433 = arith.addf %dot_general3A_431, %add3A_432 : vector<512x128xf32>
    %mul3A_434 = arith.mulf %add3A_433, %convert_element_type3A_429 : vector<512x128xf32>
    %reduce_sum3A_435 = arith.constant dense<0.000000e+00> : vector<512xf32>
    %reduce_sum3A_436 = vector.multi_reduction <add>, %mul3A_434, %reduce_sum3A_435 [1] : vector<512x128xf32> to vector<512xf32>
    %broadcast_in_dim3A_437 = vector.shape_cast %reduce_sum3A_436 : vector<512xf32> to vector<512x1xf32>
    %sub3A_438 = arith.constant 1.000000e+00 : f32
    %sub3A_439 = vector.broadcast %sub3A_438 : f32 to vector<512x1xf32>
    %sub3A_440 = arith.subf %broadcast_in_dim3A_437, %sub3A_439 : vector<512x1xf32>
    %mul3A_441 = vector.broadcast %dot_general3A_219 : vector<1x128xf32> to vector<512x128xf32>
    %mul3A_442 = arith.mulf %convert_element_type3A_429, %mul3A_441 : vector<512x128xf32>
    %reduce_sum3A_443 = arith.constant dense<0.000000e+00> : vector<512xf32>
    %reduce_sum3A_444 = vector.multi_reduction <add>, %mul3A_442, %reduce_sum3A_443 [1] : vector<512x128xf32> to vector<512xf32>
    %broadcast_in_dim3A_445 = vector.shape_cast %reduce_sum3A_444 : vector<512xf32> to vector<512x1xf32>
    %add3A_446 = arith.addf %sub3A_440, %broadcast_in_dim3A_445 : vector<512x1xf32>
    %convert_element_type3A_447 = arith.fptosi %add3A_446 : vector<512x1xf32> to vector<512x1xi32>
    %swap3A_448 = arith.constant 3584 : index
    %swap3A_449 = arith.constant 0 : index
    %swap3A_450 = vector.load %arg2[%swap3A_448, %swap3A_449] : memref<4096x2xi32, #tpu.memory_space<vmem>>, vector<512x1xi32>
    tpu.vector_store %arg2[%swap3A_448, %swap3A_449], %convert_element_type3A_447 {strides = array<i32>} : memref<4096x2xi32, #tpu.memory_space<vmem>>, vector<512x1xi32>,
    %slice3A_451 = vector.extract_strided_slice %add3A_433 {offsets = [511, 0], sizes = [1, 128], strides = [1, 1]} : vector<512x128xf32> to vector<1x128xf32>
    %get3A_452 = arith.constant 0 : index
    %get3A_453 = arith.constant 1 : index
    %get3A_454 = vector.load %arg1[%get3A_452, %get3A_453] : memref<4096x2xi32, #tpu.memory_space<vmem>>, vector<512x1xi32>
    %eq3A_455 = vector.broadcast %get3A_454 : vector<512x1xi32> to vector<512x128xi32>
    %eq3A_456 = arith.cmpi eq, %eq3A_455, %iota3A_3 : vector<512x128xi32>
    %convert_element_type3A_457 = arith.extui %eq3A_456 : vector<512x128xi1> to vector<512x128xi32>
    %convert_element_type3A_458 = arith.sitofp %convert_element_type3A_457 : vector<512x128xi32> to vector<512x128xf32>
    %dot_general3A_459 = arith.constant dense<0.000000e+00> : vector<512x128xf32>
    %dot_general3A_460 = tpu.matmul %select_n3A, %convert_element_type3A_458, %dot_general3A_459 {dimension_numbers = #tpu.dot_dimension_numbers<[1], [0], [0], [1], [0, 0, 1, 1], [], []>, transpose_lhs_hint = false} : vector<512x512xf32>, vector<512x128xf32>, vector<512x128xf32> -> vector<512x128xf32>
    %add3A_461 = vector.broadcast %slice3A_451 : vector<1x128xf32> to vector<512x128xf32>
    %add3A_462 = arith.addf %dot_general3A_460, %add3A_461 : vector<512x128xf32>
    %mul3A_463 = arith.mulf %add3A_462, %convert_element_type3A_458 : vector<512x128xf32>
    %reduce_sum3A_464 = arith.constant dense<0.000000e+00> : vector<512xf32>
    %reduce_sum3A_465 = vector.multi_reduction <add>, %mul3A_463, %reduce_sum3A_464 [1] : vector<512x128xf32> to vector<512xf32>
    %broadcast_in_dim3A_466 = vector.shape_cast %reduce_sum3A_465 : vector<512xf32> to vector<512x1xf32>
    %sub3A_467 = arith.constant 1.000000e+00 : f32
    %sub3A_468 = vector.broadcast %sub3A_467 : f32 to vector<512x1xf32>
    %sub3A_469 = arith.subf %broadcast_in_dim3A_466, %sub3A_468 : vector<512x1xf32>
    %mul3A_470 = vector.broadcast %dot_general3A_219 : vector<1x128xf32> to vector<512x128xf32>
    %mul3A_471 = arith.mulf %convert_element_type3A_458, %mul3A_470 : vector<512x128xf32>
    %reduce_sum3A_472 = arith.constant dense<0.000000e+00> : vector<512xf32>
    %reduce_sum3A_473 = vector.multi_reduction <add>, %mul3A_471, %reduce_sum3A_472 [1] : vector<512x128xf32> to vector<512xf32>
    %broadcast_in_dim3A_474 = vector.shape_cast %reduce_sum3A_473 : vector<512xf32> to vector<512x1xf32>
    %add3A_475 = arith.addf %sub3A_469, %broadcast_in_dim3A_474 : vector<512x1xf32>
    %convert_element_type3A_476 = arith.fptosi %add3A_475 : vector<512x1xf32> to vector<512x1xi32>
    %swap3A_477 = arith.constant 0 : index
    %swap3A_478 = arith.constant 1 : index
    %swap3A_479 = vector.load %arg2[%swap3A_477, %swap3A_478] : memref<4096x2xi32, #tpu.memory_space<vmem>>, vector<512x1xi32>
    tpu.vector_store %arg2[%swap3A_477, %swap3A_478], %convert_element_type3A_476 {strides = array<i32>} : memref<4096x2xi32, #tpu.memory_space<vmem>>, vector<512x1xi32>,
    %slice3A_480 = vector.extract_strided_slice %add3A_462 {offsets = [511, 0], sizes = [1, 128], strides = [1, 1]} : vector<512x128xf32> to vector<1x128xf32>
    %get3A_481 = arith.constant 512 : index
    %get3A_482 = arith.constant 1 : index
    %get3A_483 = vector.load %arg1[%get3A_481, %get3A_482] : memref<4096x2xi32, #tpu.memory_space<vmem>>, vector<512x1xi32>
    %eq3A_484 = vector.broadcast %get3A_483 : vector<512x1xi32> to vector<512x128xi32>
    %eq3A_485 = arith.cmpi eq, %eq3A_484, %iota3A_3 : vector<512x128xi32>
    %convert_element_type3A_486 = arith.extui %eq3A_485 : vector<512x128xi1> to vector<512x128xi32>
    %convert_element_type3A_487 = arith.sitofp %convert_element_type3A_486 : vector<512x128xi32> to vector<512x128xf32>
    %dot_general3A_488 = arith.constant dense<0.000000e+00> : vector<512x128xf32>
    %dot_general3A_489 = tpu.matmul %select_n3A, %convert_element_type3A_487, %dot_general3A_488 {dimension_numbers = #tpu.dot_dimension_numbers<[1], [0], [0], [1], [0, 0, 1, 1], [], []>, transpose_lhs_hint = false} : vector<512x512xf32>, vector<512x128xf32>, vector<512x128xf32> -> vector<512x128xf32>
    %add3A_490 = vector.broadcast %slice3A_480 : vector<1x128xf32> to vector<512x128xf32>
    %add3A_491 = arith.addf %dot_general3A_489, %add3A_490 : vector<512x128xf32>
    %mul3A_492 = arith.mulf %add3A_491, %convert_element_type3A_487 : vector<512x128xf32>
    %reduce_sum3A_493 = arith.constant dense<0.000000e+00> : vector<512xf32>
    %reduce_sum3A_494 = vector.multi_reduction <add>, %mul3A_492, %reduce_sum3A_493 [1] : vector<512x128xf32> to vector<512xf32>
    %broadcast_in_dim3A_495 = vector.shape_cast %reduce_sum3A_494 : vector<512xf32> to vector<512x1xf32>
    %sub3A_496 = arith.constant 1.000000e+00 : f32
    %sub3A_497 = vector.broadcast %sub3A_496 : f32 to vector<512x1xf32>
    %sub3A_498 = arith.subf %broadcast_in_dim3A_495, %sub3A_497 : vector<512x1xf32>
    %mul3A_499 = vector.broadcast %dot_general3A_219 : vector<1x128xf32> to vector<512x128xf32>
    %mul3A_500 = arith.mulf %convert_element_type3A_487, %mul3A_499 : vector<512x128xf32>
    %reduce_sum3A_501 = arith.constant dense<0.000000e+00> : vector<512xf32>
    %reduce_sum3A_502 = vector.multi_reduction <add>, %mul3A_500, %reduce_sum3A_501 [1] : vector<512x128xf32> to vector<512xf32>
    %broadcast_in_dim3A_503 = vector.shape_cast %reduce_sum3A_502 : vector<512xf32> to vector<512x1xf32>
    %add3A_504 = arith.addf %sub3A_498, %broadcast_in_dim3A_503 : vector<512x1xf32>
    %convert_element_type3A_505 = arith.fptosi %add3A_504 : vector<512x1xf32> to vector<512x1xi32>
    %swap3A_506 = arith.constant 512 : index
    %swap3A_507 = arith.constant 1 : index
    %swap3A_508 = vector.load %arg2[%swap3A_506, %swap3A_507] : memref<4096x2xi32, #tpu.memory_space<vmem>>, vector<512x1xi32>
    tpu.vector_store %arg2[%swap3A_506, %swap3A_507], %convert_element_type3A_505 {strides = array<i32>} : memref<4096x2xi32, #tpu.memory_space<vmem>>, vector<512x1xi32>,
    %slice3A_509 = vector.extract_strided_slice %add3A_491 {offsets = [511, 0], sizes = [1, 128], strides = [1, 1]} : vector<512x128xf32> to vector<1x128xf32>
    %get3A_510 = arith.constant 1024 : index
    %get3A_511 = arith.constant 1 : index
    %get3A_512 = vector.load %arg1[%get3A_510, %get3A_511] : memref<4096x2xi32, #tpu.memory_space<vmem>>, vector<512x1xi32>
    %eq3A_513 = vector.broadcast %get3A_512 : vector<512x1xi32> to vector<512x128xi32>
    %eq3A_514 = arith.cmpi eq, %eq3A_513, %iota3A_3 : vector<512x128xi32>
    %convert_element_type3A_515 = arith.extui %eq3A_514 : vector<512x128xi1> to vector<512x128xi32>
    %convert_element_type3A_516 = arith.sitofp %convert_element_type3A_515 : vector<512x128xi32> to vector<512x128xf32>
    %dot_general3A_517 = arith.constant dense<0.000000e+00> : vector<512x128xf32>
    %dot_general3A_518 = tpu.matmul %select_n3A, %convert_element_type3A_516, %dot_general3A_517 {dimension_numbers = #tpu.dot_dimension_numbers<[1], [0], [0], [1], [0, 0, 1, 1], [], []>, transpose_lhs_hint = false} : vector<512x512xf32>, vector<512x128xf32>, vector<512x128xf32> -> vector<512x128xf32>
    %add3A_519 = vector.broadcast %slice3A_509 : vector<1x128xf32> to vector<512x128xf32>
    %add3A_520 = arith.addf %dot_general3A_518, %add3A_519 : vector<512x128xf32>
    %mul3A_521 = arith.mulf %add3A_520, %convert_element_type3A_516 : vector<512x128xf32>
    %reduce_sum3A_522 = arith.constant dense<0.000000e+00> : vector<512xf32>
    %reduce_sum3A_523 = vector.multi_reduction <add>, %mul3A_521, %reduce_sum3A_522 [1] : vector<512x128xf32> to vector<512xf32>
    %broadcast_in_dim3A_524 = vector.shape_cast %reduce_sum3A_523 : vector<512xf32> to vector<512x1xf32>
    %sub3A_525 = arith.constant 1.000000e+00 : f32
    %sub3A_526 = vector.broadcast %sub3A_525 : f32 to vector<512x1xf32>
    %sub3A_527 = arith.subf %broadcast_in_dim3A_524, %sub3A_526 : vector<512x1xf32>
    %mul3A_528 = vector.broadcast %dot_general3A_219 : vector<1x128xf32> to vector<512x128xf32>
    %mul3A_529 = arith.mulf %convert_element_type3A_516, %mul3A_528 : vector<512x128xf32>
    %reduce_sum3A_530 = arith.constant dense<0.000000e+00> : vector<512xf32>
    %reduce_sum3A_531 = vector.multi_reduction <add>, %mul3A_529, %reduce_sum3A_530 [1] : vector<512x128xf32> to vector<512xf32>
    %broadcast_in_dim3A_532 = vector.shape_cast %reduce_sum3A_531 : vector<512xf32> to vector<512x1xf32>
    %add3A_533 = arith.addf %sub3A_527, %broadcast_in_dim3A_532 : vector<512x1xf32>
    %convert_element_type3A_534 = arith.fptosi %add3A_533 : vector<512x1xf32> to vector<512x1xi32>
    %swap3A_535 = arith.constant 1024 : index
    %swap3A_536 = arith.constant 1 : index
    %swap3A_537 = vector.load %arg2[%swap3A_535, %swap3A_536] : memref<4096x2xi32, #tpu.memory_space<vmem>>, vector<512x1xi32>
    tpu.vector_store %arg2[%swap3A_535, %swap3A_536], %convert_element_type3A_534 {strides = array<i32>} : memref<4096x2xi32, #tpu.memory_space<vmem>>, vector<512x1xi32>,
    %slice3A_538 = vector.extract_strided_slice %add3A_520 {offsets = [511, 0], sizes = [1, 128], strides = [1, 1]} : vector<512x128xf32> to vector<1x128xf32>
    %get3A_539 = arith.constant 1536 : index
    %get3A_540 = arith.constant 1 : index
    %get3A_541 = vector.load %arg1[%get3A_539, %get3A_540] : memref<4096x2xi32, #tpu.memory_space<vmem>>, vector<512x1xi32>
    %eq3A_542 = vector.broadcast %get3A_541 : vector<512x1xi32> to vector<512x128xi32>
    %eq3A_543 = arith.cmpi eq, %eq3A_542, %iota3A_3 : vector<512x128xi32>
    %convert_element_type3A_544 = arith.extui %eq3A_543 : vector<512x128xi1> to vector<512x128xi32>
    %convert_element_type3A_545 = arith.sitofp %convert_element_type3A_544 : vector<512x128xi32> to vector<512x128xf32>
    %dot_general3A_546 = arith.constant dense<0.000000e+00> : vector<512x128xf32>
    %dot_general3A_547 = tpu.matmul %select_n3A, %convert_element_type3A_545, %dot_general3A_546 {dimension_numbers = #tpu.dot_dimension_numbers<[1], [0], [0], [1], [0, 0, 1, 1], [], []>, transpose_lhs_hint = false} : vector<512x512xf32>, vector<512x128xf32>, vector<512x128xf32> -> vector<512x128xf32>
    %add3A_548 = vector.broadcast %slice3A_538 : vector<1x128xf32> to vector<512x128xf32>
    %add3A_549 = arith.addf %dot_general3A_547, %add3A_548 : vector<512x128xf32>
    %mul3A_550 = arith.mulf %add3A_549, %convert_element_type3A_545 : vector<512x128xf32>
    %reduce_sum3A_551 = arith.constant dense<0.000000e+00> : vector<512xf32>
    %reduce_sum3A_552 = vector.multi_reduction <add>, %mul3A_550, %reduce_sum3A_551 [1] : vector<512x128xf32> to vector<512xf32>
    %broadcast_in_dim3A_553 = vector.shape_cast %reduce_sum3A_552 : vector<512xf32> to vector<512x1xf32>
    %sub3A_554 = arith.constant 1.000000e+00 : f32
    %sub3A_555 = vector.broadcast %sub3A_554 : f32 to vector<512x1xf32>
    %sub3A_556 = arith.subf %broadcast_in_dim3A_553, %sub3A_555 : vector<512x1xf32>
    %mul3A_557 = vector.broadcast %dot_general3A_219 : vector<1x128xf32> to vector<512x128xf32>
    %mul3A_558 = arith.mulf %convert_element_type3A_545, %mul3A_557 : vector<512x128xf32>
    %reduce_sum3A_559 = arith.constant dense<0.000000e+00> : vector<512xf32>
    %reduce_sum3A_560 = vector.multi_reduction <add>, %mul3A_558, %reduce_sum3A_559 [1] : vector<512x128xf32> to vector<512xf32>
    %broadcast_in_dim3A_561 = vector.shape_cast %reduce_sum3A_560 : vector<512xf32> to vector<512x1xf32>
    %add3A_562 = arith.addf %sub3A_556, %broadcast_in_dim3A_561 : vector<512x1xf32>
    %convert_element_type3A_563 = arith.fptosi %add3A_562 : vector<512x1xf32> to vector<512x1xi32>
    %swap3A_564 = arith.constant 1536 : index
    %swap3A_565 = arith.constant 1 : index
    %swap3A_566 = vector.load %arg2[%swap3A_564, %swap3A_565] : memref<4096x2xi32, #tpu.memory_space<vmem>>, vector<512x1xi32>
    tpu.vector_store %arg2[%swap3A_564, %swap3A_565], %convert_element_type3A_563 {strides = array<i32>} : memref<4096x2xi32, #tpu.memory_space<vmem>>, vector<512x1xi32>,
    %slice3A_567 = vector.extract_strided_slice %add3A_549 {offsets = [511, 0], sizes = [1, 128], strides = [1, 1]} : vector<512x128xf32> to vector<1x128xf32>
    %get3A_568 = arith.constant 2048 : index
    %get3A_569 = arith.constant 1 : index
    %get3A_570 = vector.load %arg1[%get3A_568, %get3A_569] : memref<4096x2xi32, #tpu.memory_space<vmem>>, vector<512x1xi32>
    %eq3A_571 = vector.broadcast %get3A_570 : vector<512x1xi32> to vector<512x128xi32>
    %eq3A_572 = arith.cmpi eq, %eq3A_571, %iota3A_3 : vector<512x128xi32>
    %convert_element_type3A_573 = arith.extui %eq3A_572 : vector<512x128xi1> to vector<512x128xi32>
    %convert_element_type3A_574 = arith.sitofp %convert_element_type3A_573 : vector<512x128xi32> to vector<512x128xf32>
    %dot_general3A_575 = arith.constant dense<0.000000e+00> : vector<512x128xf32>
    %dot_general3A_576 = tpu.matmul %select_n3A, %convert_element_type3A_574, %dot_general3A_575 {dimension_numbers = #tpu.dot_dimension_numbers<[1], [0], [0], [1], [0, 0, 1, 1], [], []>, transpose_lhs_hint = false} : vector<512x512xf32>, vector<512x128xf32>, vector<512x128xf32> -> vector<512x128xf32>
    %add3A_577 = vector.broadcast %slice3A_567 : vector<1x128xf32> to vector<512x128xf32>
    %add3A_578 = arith.addf %dot_general3A_576, %add3A_577 : vector<512x128xf32>
    %mul3A_579 = arith.mulf %add3A_578, %convert_element_type3A_574 : vector<512x128xf32>
    %reduce_sum3A_580 = arith.constant dense<0.000000e+00> : vector<512xf32>
    %reduce_sum3A_581 = vector.multi_reduction <add>, %mul3A_579, %reduce_sum3A_580 [1] : vector<512x128xf32> to vector<512xf32>
    %broadcast_in_dim3A_582 = vector.shape_cast %reduce_sum3A_581 : vector<512xf32> to vector<512x1xf32>
    %sub3A_583 = arith.constant 1.000000e+00 : f32
    %sub3A_584 = vector.broadcast %sub3A_583 : f32 to vector<512x1xf32>
    %sub3A_585 = arith.subf %broadcast_in_dim3A_582, %sub3A_584 : vector<512x1xf32>
    %mul3A_586 = vector.broadcast %dot_general3A_219 : vector<1x128xf32> to vector<512x128xf32>
    %mul3A_587 = arith.mulf %convert_element_type3A_574, %mul3A_586 : vector<512x128xf32>
    %reduce_sum3A_588 = arith.constant dense<0.000000e+00> : vector<512xf32>
    %reduce_sum3A_589 = vector.multi_reduction <add>, %mul3A_587, %reduce_sum3A_588 [1] : vector<512x128xf32> to vector<512xf32>
    %broadcast_in_dim3A_590 = vector.shape_cast %reduce_sum3A_589 : vector<512xf32> to vector<512x1xf32>
    %add3A_591 = arith.addf %sub3A_585, %broadcast_in_dim3A_590 : vector<512x1xf32>
    %convert_element_type3A_592 = arith.fptosi %add3A_591 : vector<512x1xf32> to vector<512x1xi32>
    %swap3A_593 = arith.constant 2048 : index
    %swap3A_594 = arith.constant 1 : index
    %swap3A_595 = vector.load %arg2[%swap3A_593, %swap3A_594] : memref<4096x2xi32, #tpu.memory_space<vmem>>, vector<512x1xi32>
    tpu.vector_store %arg2[%swap3A_593, %swap3A_594], %convert_element_type3A_592 {strides = array<i32>} : memref<4096x2xi32, #tpu.memory_space<vmem>>, vector<512x1xi32>,
    %slice3A_596 = vector.extract_strided_slice %add3A_578 {offsets = [511, 0], sizes = [1, 128], strides = [1, 1]} : vector<512x128xf32> to vector<1x128xf32>
    %get3A_597 = arith.constant 2560 : index
    %get3A_598 = arith.constant 1 : index
    %get3A_599 = vector.load %arg1[%get3A_597, %get3A_598] : memref<4096x2xi32, #tpu.memory_space<vmem>>, vector<512x1xi32>
    %eq3A_600 = vector.broadcast %get3A_599 : vector<512x1xi32> to vector<512x128xi32>
    %eq3A_601 = arith.cmpi eq, %eq3A_600, %iota3A_3 : vector<512x128xi32>
    %convert_element_type3A_602 = arith.extui %eq3A_601 : vector<512x128xi1> to vector<512x128xi32>
    %convert_element_type3A_603 = arith.sitofp %convert_element_type3A_602 : vector<512x128xi32> to vector<512x128xf32>
    %dot_general3A_604 = arith.constant dense<0.000000e+00> : vector<512x128xf32>
    %dot_general3A_605 = tpu.matmul %select_n3A, %convert_element_type3A_603, %dot_general3A_604 {dimension_numbers = #tpu.dot_dimension_numbers<[1], [0], [0], [1], [0, 0, 1, 1], [], []>, transpose_lhs_hint = false} : vector<512x512xf32>, vector<512x128xf32>, vector<512x128xf32> -> vector<512x128xf32>
    %add3A_606 = vector.broadcast %slice3A_596 : vector<1x128xf32> to vector<512x128xf32>
    %add3A_607 = arith.addf %dot_general3A_605, %add3A_606 : vector<512x128xf32>
    %mul3A_608 = arith.mulf %add3A_607, %convert_element_type3A_603 : vector<512x128xf32>
    %reduce_sum3A_609 = arith.constant dense<0.000000e+00> : vector<512xf32>
    %reduce_sum3A_610 = vector.multi_reduction <add>, %mul3A_608, %reduce_sum3A_609 [1] : vector<512x128xf32> to vector<512xf32>
    %broadcast_in_dim3A_611 = vector.shape_cast %reduce_sum3A_610 : vector<512xf32> to vector<512x1xf32>
    %sub3A_612 = arith.constant 1.000000e+00 : f32
    %sub3A_613 = vector.broadcast %sub3A_612 : f32 to vector<512x1xf32>
    %sub3A_614 = arith.subf %broadcast_in_dim3A_611, %sub3A_613 : vector<512x1xf32>
    %mul3A_615 = vector.broadcast %dot_general3A_219 : vector<1x128xf32> to vector<512x128xf32>
    %mul3A_616 = arith.mulf %convert_element_type3A_603, %mul3A_615 : vector<512x128xf32>
    %reduce_sum3A_617 = arith.constant dense<0.000000e+00> : vector<512xf32>
    %reduce_sum3A_618 = vector.multi_reduction <add>, %mul3A_616, %reduce_sum3A_617 [1] : vector<512x128xf32> to vector<512xf32>
    %broadcast_in_dim3A_619 = vector.shape_cast %reduce_sum3A_618 : vector<512xf32> to vector<512x1xf32>
    %add3A_620 = arith.addf %sub3A_614, %broadcast_in_dim3A_619 : vector<512x1xf32>
    %convert_element_type3A_621 = arith.fptosi %add3A_620 : vector<512x1xf32> to vector<512x1xi32>
    %swap3A_622 = arith.constant 2560 : index
    %swap3A_623 = arith.constant 1 : index
    %swap3A_624 = vector.load %arg2[%swap3A_622, %swap3A_623] : memref<4096x2xi32, #tpu.memory_space<vmem>>, vector<512x1xi32>
    tpu.vector_store %arg2[%swap3A_622, %swap3A_623], %convert_element_type3A_621 {strides = array<i32>} : memref<4096x2xi32, #tpu.memory_space<vmem>>, vector<512x1xi32>,
    %slice3A_625 = vector.extract_strided_slice %add3A_607 {offsets = [511, 0], sizes = [1, 128], strides = [1, 1]} : vector<512x128xf32> to vector<1x128xf32>
    %get3A_626 = arith.constant 3072 : index
    %get3A_627 = arith.constant 1 : index
    %get3A_628 = vector.load %arg1[%get3A_626, %get3A_627] : memref<4096x2xi32, #tpu.memory_space<vmem>>, vector<512x1xi32>
    %eq3A_629 = vector.broadcast %get3A_628 : vector<512x1xi32> to vector<512x128xi32>
    %eq3A_630 = arith.cmpi eq, %eq3A_629, %iota3A_3 : vector<512x128xi32>
    %convert_element_type3A_631 = arith.extui %eq3A_630 : vector<512x128xi1> to vector<512x128xi32>
    %convert_element_type3A_632 = arith.sitofp %convert_element_type3A_631 : vector<512x128xi32> to vector<512x128xf32>
    %dot_general3A_633 = arith.constant dense<0.000000e+00> : vector<512x128xf32>
    %dot_general3A_634 = tpu.matmul %select_n3A, %convert_element_type3A_632, %dot_general3A_633 {dimension_numbers = #tpu.dot_dimension_numbers<[1], [0], [0], [1], [0, 0, 1, 1], [], []>, transpose_lhs_hint = false} : vector<512x512xf32>, vector<512x128xf32>, vector<512x128xf32> -> vector<512x128xf32>
    %add3A_635 = vector.broadcast %slice3A_625 : vector<1x128xf32> to vector<512x128xf32>
    %add3A_636 = arith.addf %dot_general3A_634, %add3A_635 : vector<512x128xf32>
    %mul3A_637 = arith.mulf %add3A_636, %convert_element_type3A_632 : vector<512x128xf32>
    %reduce_sum3A_638 = arith.constant dense<0.000000e+00> : vector<512xf32>
    %reduce_sum3A_639 = vector.multi_reduction <add>, %mul3A_637, %reduce_sum3A_638 [1] : vector<512x128xf32> to vector<512xf32>
    %broadcast_in_dim3A_640 = vector.shape_cast %reduce_sum3A_639 : vector<512xf32> to vector<512x1xf32>
    %sub3A_641 = arith.constant 1.000000e+00 : f32
    %sub3A_642 = vector.broadcast %sub3A_641 : f32 to vector<512x1xf32>
    %sub3A_643 = arith.subf %broadcast_in_dim3A_640, %sub3A_642 : vector<512x1xf32>
    %mul3A_644 = vector.broadcast %dot_general3A_219 : vector<1x128xf32> to vector<512x128xf32>
    %mul3A_645 = arith.mulf %convert_element_type3A_632, %mul3A_644 : vector<512x128xf32>
    %reduce_sum3A_646 = arith.constant dense<0.000000e+00> : vector<512xf32>
    %reduce_sum3A_647 = vector.multi_reduction <add>, %mul3A_645, %reduce_sum3A_646 [1] : vector<512x128xf32> to vector<512xf32>
    %broadcast_in_dim3A_648 = vector.shape_cast %reduce_sum3A_647 : vector<512xf32> to vector<512x1xf32>
    %add3A_649 = arith.addf %sub3A_643, %broadcast_in_dim3A_648 : vector<512x1xf32>
    %convert_element_type3A_650 = arith.fptosi %add3A_649 : vector<512x1xf32> to vector<512x1xi32>
    %swap3A_651 = arith.constant 3072 : index
    %swap3A_652 = arith.constant 1 : index
    %swap3A_653 = vector.load %arg2[%swap3A_651, %swap3A_652] : memref<4096x2xi32, #tpu.memory_space<vmem>>, vector<512x1xi32>
    tpu.vector_store %arg2[%swap3A_651, %swap3A_652], %convert_element_type3A_650 {strides = array<i32>} : memref<4096x2xi32, #tpu.memory_space<vmem>>, vector<512x1xi32>,
    %slice3A_654 = vector.extract_strided_slice %add3A_636 {offsets = [511, 0], sizes = [1, 128], strides = [1, 1]} : vector<512x128xf32> to vector<1x128xf32>
    %get3A_655 = arith.constant 3584 : index
    %get3A_656 = arith.constant 1 : index
    %get3A_657 = vector.load %arg1[%get3A_655, %get3A_656] : memref<4096x2xi32, #tpu.memory_space<vmem>>, vector<512x1xi32>
    %eq3A_658 = vector.broadcast %get3A_657 : vector<512x1xi32> to vector<512x128xi32>
    %eq3A_659 = arith.cmpi eq, %eq3A_658, %iota3A_3 : vector<512x128xi32>
    %convert_element_type3A_660 = arith.extui %eq3A_659 : vector<512x128xi1> to vector<512x128xi32>
    %convert_element_type3A_661 = arith.sitofp %convert_element_type3A_660 : vector<512x128xi32> to vector<512x128xf32>
    %dot_general3A_662 = arith.constant dense<0.000000e+00> : vector<512x128xf32>
    %dot_general3A_663 = tpu.matmul %select_n3A, %convert_element_type3A_661, %dot_general3A_662 {dimension_numbers = #tpu.dot_dimension_numbers<[1], [0], [0], [1], [0, 0, 1, 1], [], []>, transpose_lhs_hint = false} : vector<512x512xf32>, vector<512x128xf32>, vector<512x128xf32> -> vector<512x128xf32>
    %add3A_664 = vector.broadcast %slice3A_654 : vector<1x128xf32> to vector<512x128xf32>
    %add3A_665 = arith.addf %dot_general3A_663, %add3A_664 : vector<512x128xf32>
    %mul3A_666 = arith.mulf %add3A_665, %convert_element_type3A_661 : vector<512x128xf32>
    %reduce_sum3A_667 = arith.constant dense<0.000000e+00> : vector<512xf32>
    %reduce_sum3A_668 = vector.multi_reduction <add>, %mul3A_666, %reduce_sum3A_667 [1] : vector<512x128xf32> to vector<512xf32>
    %broadcast_in_dim3A_669 = vector.shape_cast %reduce_sum3A_668 : vector<512xf32> to vector<512x1xf32>
    %sub3A_670 = arith.constant 1.000000e+00 : f32
    %sub3A_671 = vector.broadcast %sub3A_670 : f32 to vector<512x1xf32>
    %sub3A_672 = arith.subf %broadcast_in_dim3A_669, %sub3A_671 : vector<512x1xf32>
    %mul3A_673 = vector.broadcast %dot_general3A_219 : vector<1x128xf32> to vector<512x128xf32>
    %mul3A_674 = arith.mulf %convert_element_type3A_661, %mul3A_673 : vector<512x128xf32>
    %reduce_sum3A_675 = arith.constant dense<0.000000e+00> : vector<512xf32>
    %reduce_sum3A_676 = vector.multi_reduction <add>, %mul3A_674, %reduce_sum3A_675 [1] : vector<512x128xf32> to vector<512xf32>
    %broadcast_in_dim3A_677 = vector.shape_cast %reduce_sum3A_676 : vector<512xf32> to vector<512x1xf32>
    %add3A_678 = arith.addf %sub3A_672, %broadcast_in_dim3A_677 : vector<512x1xf32>
    %convert_element_type3A_679 = arith.fptosi %add3A_678 : vector<512x1xf32> to vector<512x1xi32>
    %swap3A_680 = arith.constant 3584 : index
    %swap3A_681 = arith.constant 1 : index
    %swap3A_682 = vector.load %arg2[%swap3A_680, %swap3A_681] : memref<4096x2xi32, #tpu.memory_space<vmem>>, vector<512x1xi32>
    tpu.vector_store %arg2[%swap3A_680, %swap3A_681], %convert_element_type3A_679 {strides = array<i32>} : memref<4096x2xi32, #tpu.memory_space<vmem>>, vector<512x1xi32>,
    %convert_element_type3A_683 = arith.fptosi %dot_general3A_219 : vector<1x128xf32> to vector<1x128xi32>
    %iota3A_684 = tpu.iota {dimensions = array<i32: 0>} : vector<64x1xi32>
    %mul3A_685 = arith.constant 256 : i32
    %mul3A_686 = vector.broadcast %mul3A_685 : i32 to vector<64x1xi32>
    %mul3A_687 = arith.muli %iota3A_684, %mul3A_686 : vector<64x1xi32>
    %iota3A_688 = tpu.iota {dimensions = array<i32: 1>} : vector<64x128xi32>
    %ge3A_689 = arith.constant 1 : i32
    %ge3A_690 = vector.broadcast %ge3A_689 : i32 to vector<64x128xi32>
    %ge3A_691 = arith.cmpi sge, %iota3A_688, %ge3A_690 : vector<64x128xi32>
    %lt3A_692 = arith.constant 7 : i32
    %lt3A_693 = vector.broadcast %lt3A_692 : i32 to vector<64x128xi32>
    %lt3A_694 = arith.cmpi slt, %iota3A_688, %lt3A_693 : vector<64x128xi32>
    %and3A_695 = arith.andi %ge3A_691, %lt3A_694 : vector<64x128xi1>
    %ge3A_696 = vector.broadcast %mul3A_687 : vector<64x1xi32> to vector<64x128xi32>
    %ge3A_697 = vector.broadcast %convert_element_type3A_683 : vector<1x128xi32> to vector<64x128xi32>
    %ge3A_698 = arith.cmpi sge, %ge3A_696, %ge3A_697 : vector<64x128xi32>
    %and3A_699 = arith.andi %ge3A_698, %and3A_695 : vector<64x128xi1>
    %convert_element_type3A_700 = arith.extui %and3A_699 : vector<64x128xi1> to vector<64x128xi32>
    %reduce_sum3A_701 = arith.constant dense<0> : vector<64xi32>
    %reduce_sum3A_702 = vector.multi_reduction <add>, %convert_element_type3A_700, %reduce_sum3A_701 [1] : vector<64x128xi32> to vector<64xi32>
    %broadcast_in_dim3A_703 = vector.shape_cast %reduce_sum3A_702 : vector<64xi32> to vector<64x1xi32>
    %ge3A_704 = arith.constant 10240 : i32
    %ge3A_705 = vector.broadcast %ge3A_704 : i32 to vector<64x1xi32>
    %ge3A_706 = arith.cmpi sge, %mul3A_687, %ge3A_705 : vector<64x1xi32>
    %convert_element_type3A_707 = arith.extui %ge3A_706 : vector<64x1xi1> to vector<64x1xi32>
    %add3A_708 = arith.addi %broadcast_in_dim3A_703, %convert_element_type3A_707 : vector<64x1xi32>
    %swap3A_709 = arith.constant 0 : index
    %swap3A_710 = arith.constant 0 : index
    %swap3A_711 = vector.load %arg3[%swap3A_709, %swap3A_710] : memref<64x1xi32, #tpu.memory_space<vmem>>, vector<64x1xi32>
    tpu.vector_store %arg3[%swap3A_709, %swap3A_710], %add3A_708 {strides = array<i32>} : memref<64x1xi32, #tpu.memory_space<vmem>>, vector<64x1xi32>,
    return
  }
  func.func @transform_0(%arg0: i32) -> (i32, i32) {
    %c0_i32 = arith.constant 0 : i32
    %c0_i32_0 = arith.constant 0 : i32
    %c0_i32_1 = arith.constant 0 : i32
    return %c0_i32, %c0_i32_0 : i32, i32
  }
  func.func @transform_1(%arg0: i32) -> (i32, i32) {
    %c0_i32 = arith.constant 0 : i32
    %c0_i32_0 = arith.constant 0 : i32
    %c0_i32_1 = arith.constant 0 : i32
    return %c0_i32, %c0_i32_0 : i32, i32
  }
  func.func @transform_2(%arg0: i32) -> (i32, i32) {
    %c0_i32 = arith.constant 0 : i32
    %c0_i32_0 = arith.constant 0 : i32
    %c0_i32_1 = arith.constant 0 : i32
    return %c0_i32, %c0_i32_0 : i32, i32
  }
}

module attributes {stable_mosaic.version = 14 : i64} {
  func.func @_stack_cast_body(%arg0: i32, %arg1: i32, %arg2: memref<1x1024x1408xf32, #tpu.memory_space<vmem>>, %arg3: memref<1x1024x1408xf32, #tpu.memory_space<vmem>>, %arg4: memref<1x1024x1408xbf16, #tpu.memory_space<vmem>>) attributes {dimension_semantics = [#tpu.dimension_semantics<arbitrary>, #tpu.dimension_semantics<arbitrary>], iteration_bounds = array<i64: 8, 2>, scalar_prefetch = 0 : i64, scratch_operands = 0 : i64, tpu.core_type = #tpu.core_type<tc>, window_params = [{transform_indices = @transform_0, window_bounds = array<i64: 1, 1024, 1408>}, {transform_indices = @transform_1, window_bounds = array<i64: 1, 1024, 1408>}, {transform_indices = @transform_2, window_bounds = array<i64: 1, 1024, 1408>}]} {
    %lt3A = arith.constant 7 : i32
    %lt3A_0 = arith.cmpi slt, %arg0, %lt3A : i32
    %convert_element_type3A = arith.extui %lt3A_0 : i1 to i32
    %cond3A = arith.constant 0 : i32
    %cond3A_1 = arith.cmpi ne, %convert_element_type3A, %cond3A : i32
    scf.if %cond3A_1 {
      %get3A = arith.constant 0 : index
      %get3A_6 = arith.constant 0 : index
      %get3A_7 = arith.constant 0 : index
      %get3A_8 = vector.load %arg2[%get3A, %get3A_6, %get3A_7] : memref<1x1024x1408xf32, #tpu.memory_space<vmem>>, vector<1x1024x1408xf32>
      %convert_element_type3A_9 = arith.truncf %get3A_8 : vector<1x1024x1408xf32> to vector<1x1024x1408xbf16>
      %swap3A = arith.constant 0 : index
      %swap3A_10 = arith.constant 0 : index
      %swap3A_11 = arith.constant 0 : index
      %swap3A_12 = vector.load %arg4[%swap3A, %swap3A_10, %swap3A_11] : memref<1x1024x1408xbf16, #tpu.memory_space<vmem>>, vector<1x1024x1408xbf16>
      tpu.vector_store %arg4[%swap3A, %swap3A_10, %swap3A_11], %convert_element_type3A_9 {strides = array<i32>} : memref<1x1024x1408xbf16, #tpu.memory_space<vmem>>, vector<1x1024x1408xbf16>,
    } else {
    }
    %eq3A = arith.constant 7 : i32
    %eq3A_2 = arith.cmpi eq, %arg0, %eq3A : i32
    %convert_element_type3A_3 = arith.extui %eq3A_2 : i1 to i32
    %cond3A_4 = arith.constant 0 : i32
    %cond3A_5 = arith.cmpi ne, %convert_element_type3A_3, %cond3A_4 : i32
    scf.if %cond3A_5 {
      %get3A = arith.constant 0 : index
      %get3A_6 = arith.constant 0 : index
      %get3A_7 = arith.constant 0 : index
      %get3A_8 = vector.load %arg3[%get3A, %get3A_6, %get3A_7] : memref<1x1024x1408xf32, #tpu.memory_space<vmem>>, vector<1x1024x1408xf32>
      %convert_element_type3A_9 = arith.truncf %get3A_8 : vector<1x1024x1408xf32> to vector<1x1024x1408xbf16>
      %swap3A = arith.constant 0 : index
      %swap3A_10 = arith.constant 0 : index
      %swap3A_11 = arith.constant 0 : index
      %swap3A_12 = vector.load %arg4[%swap3A, %swap3A_10, %swap3A_11] : memref<1x1024x1408xbf16, #tpu.memory_space<vmem>>, vector<1x1024x1408xbf16>
      tpu.vector_store %arg4[%swap3A, %swap3A_10, %swap3A_11], %convert_element_type3A_9 {strides = array<i32>} : memref<1x1024x1408xbf16, #tpu.memory_space<vmem>>, vector<1x1024x1408xbf16>,
    } else {
    }
    return
  }
  func.func @transform_0(%arg0: i32, %arg1: i32) -> (i32, i32, i32) {
    %min3A = arith.constant 6 : i32
    %min3A_0 = arith.minsi %arg0, %min3A : i32
    %c0_i32 = arith.constant 0 : i32
    %c0_i32_1 = arith.constant 0 : i32
    return %min3A_0, %arg1, %c0_i32 : i32, i32, i32
  }
  func.func @transform_1(%arg0: i32, %arg1: i32) -> (i32, i32, i32) {
    %eq3A = arith.constant 7 : i32
    %eq3A_0 = arith.cmpi eq, %arg0, %eq3A : i32
    %jit3A = arith.constant 0 : i32
    %select_n3A = arith.select %eq3A_0, %arg1, %jit3A : i32
    %c0_i32 = arith.constant 0 : i32
    %c0_i32_1 = arith.constant 0 : i32
    %c0_i32_2 = arith.constant 0 : i32
    return %c0_i32, %select_n3A, %c0_i32_1 : i32, i32, i32
  }
  func.func @transform_2(%arg0: i32, %arg1: i32) -> (i32, i32, i32) {
    %c0_i32 = arith.constant 0 : i32
    %c0_i32_0 = arith.constant 0 : i32
    return %arg0, %arg1, %c0_i32 : i32, i32, i32
  }
}

module attributes {stable_mosaic.version = 14 : i64} {
  func.func @_stack_cast_body(%arg0: i32, %arg1: i32, %arg2: memref<1x704x2048xf32, #tpu.memory_space<vmem>>, %arg3: memref<1x704x2048xf32, #tpu.memory_space<vmem>>, %arg4: memref<1x704x2048xbf16, #tpu.memory_space<vmem>>) attributes {dimension_semantics = [#tpu.dimension_semantics<arbitrary>, #tpu.dimension_semantics<arbitrary>], iteration_bounds = array<i64: 8, 2>, scalar_prefetch = 0 : i64, scratch_operands = 0 : i64, tpu.core_type = #tpu.core_type<tc>, window_params = [{transform_indices = @transform_0, window_bounds = array<i64: 1, 704, 2048>}, {transform_indices = @transform_1, window_bounds = array<i64: 1, 704, 2048>}, {transform_indices = @transform_2, window_bounds = array<i64: 1, 704, 2048>}]} {
    %lt3A = arith.constant 7 : i32
    %lt3A_0 = arith.cmpi slt, %arg0, %lt3A : i32
    %convert_element_type3A = arith.extui %lt3A_0 : i1 to i32
    %cond3A = arith.constant 0 : i32
    %cond3A_1 = arith.cmpi ne, %convert_element_type3A, %cond3A : i32
    scf.if %cond3A_1 {
      %get3A = arith.constant 0 : index
      %get3A_6 = arith.constant 0 : index
      %get3A_7 = arith.constant 0 : index
      %get3A_8 = vector.load %arg2[%get3A, %get3A_6, %get3A_7] : memref<1x704x2048xf32, #tpu.memory_space<vmem>>, vector<1x704x2048xf32>
      %convert_element_type3A_9 = arith.truncf %get3A_8 : vector<1x704x2048xf32> to vector<1x704x2048xbf16>
      %swap3A = arith.constant 0 : index
      %swap3A_10 = arith.constant 0 : index
      %swap3A_11 = arith.constant 0 : index
      %swap3A_12 = vector.load %arg4[%swap3A, %swap3A_10, %swap3A_11] : memref<1x704x2048xbf16, #tpu.memory_space<vmem>>, vector<1x704x2048xbf16>
      tpu.vector_store %arg4[%swap3A, %swap3A_10, %swap3A_11], %convert_element_type3A_9 {strides = array<i32>} : memref<1x704x2048xbf16, #tpu.memory_space<vmem>>, vector<1x704x2048xbf16>,
    } else {
    }
    %eq3A = arith.constant 7 : i32
    %eq3A_2 = arith.cmpi eq, %arg0, %eq3A : i32
    %convert_element_type3A_3 = arith.extui %eq3A_2 : i1 to i32
    %cond3A_4 = arith.constant 0 : i32
    %cond3A_5 = arith.cmpi ne, %convert_element_type3A_3, %cond3A_4 : i32
    scf.if %cond3A_5 {
      %get3A = arith.constant 0 : index
      %get3A_6 = arith.constant 0 : index
      %get3A_7 = arith.constant 0 : index
      %get3A_8 = vector.load %arg3[%get3A, %get3A_6, %get3A_7] : memref<1x704x2048xf32, #tpu.memory_space<vmem>>, vector<1x704x2048xf32>
      %convert_element_type3A_9 = arith.truncf %get3A_8 : vector<1x704x2048xf32> to vector<1x704x2048xbf16>
      %swap3A = arith.constant 0 : index
      %swap3A_10 = arith.constant 0 : index
      %swap3A_11 = arith.constant 0 : index
      %swap3A_12 = vector.load %arg4[%swap3A, %swap3A_10, %swap3A_11] : memref<1x704x2048xbf16, #tpu.memory_space<vmem>>, vector<1x704x2048xbf16>
      tpu.vector_store %arg4[%swap3A, %swap3A_10, %swap3A_11], %convert_element_type3A_9 {strides = array<i32>} : memref<1x704x2048xbf16, #tpu.memory_space<vmem>>, vector<1x704x2048xbf16>,
    } else {
    }
    return
  }
  func.func @transform_0(%arg0: i32, %arg1: i32) -> (i32, i32, i32) {
    %min3A = arith.constant 6 : i32
    %min3A_0 = arith.minsi %arg0, %min3A : i32
    %c0_i32 = arith.constant 0 : i32
    %c0_i32_1 = arith.constant 0 : i32
    return %min3A_0, %arg1, %c0_i32 : i32, i32, i32
  }
  func.func @transform_1(%arg0: i32, %arg1: i32) -> (i32, i32, i32) {
    %eq3A = arith.constant 7 : i32
    %eq3A_0 = arith.cmpi eq, %arg0, %eq3A : i32
    %jit3A = arith.constant 0 : i32
    %select_n3A = arith.select %eq3A_0, %arg1, %jit3A : i32
    %c0_i32 = arith.constant 0 : i32
    %c0_i32_1 = arith.constant 0 : i32
    %c0_i32_2 = arith.constant 0 : i32
    return %c0_i32, %select_n3A, %c0_i32_1 : i32, i32, i32
  }
  func.func @transform_2(%arg0: i32, %arg1: i32) -> (i32, i32, i32) {
    %c0_i32 = arith.constant 0 : i32
    %c0_i32_0 = arith.constant 0 : i32
    return %arg0, %arg1, %c0_i32 : i32, i32, i32
  }
}

module attributes {stable_mosaic.version = 14 : i64} {
  func.func @_gmm_body(%arg0: i32, %arg1: memref<64xi32, #tpu.memory_space<smem>>, %arg2: memref<256x2048xf32, #tpu.memory_space<vmem>>, %arg3: memref<256x2048xf32, #tpu.memory_space<vmem>>, %arg4: memref<1x2048x1408xbf16, #tpu.memory_space<vmem>>, %arg5: memref<1x2048x1408xbf16, #tpu.memory_space<vmem>>, %arg6: memref<1x1408x2048xbf16, #tpu.memory_space<vmem>>, %arg7: memref<256x1xf32, #tpu.memory_space<vmem>>, %arg8: memref<256x2048xf32, #tpu.memory_space<vmem>>) attributes {dimension_semantics = [#tpu.dimension_semantics<arbitrary>], iteration_bounds = array<i64: 56>, scalar_prefetch = 1 : i64, scratch_operands = 0 : i64, tpu.core_type = #tpu.core_type<tc>, window_params = [{transform_indices = @transform_0, window_bounds = array<i64: 256, 2048>}, {transform_indices = @transform_1, window_bounds = array<i64: 256, 2048>}, {transform_indices = @transform_2, window_bounds = array<i64: 1, 2048, 1408>}, {transform_indices = @transform_3, window_bounds = array<i64: 1, 2048, 1408>}, {transform_indices = @transform_4, window_bounds = array<i64: 1, 1408, 2048>}, {transform_indices = @transform_5, window_bounds = array<i64: 256, 1>}, {transform_indices = @transform_6, window_bounds = array<i64: 256, 2048>}]} {
    %get3A = arith.index_cast %arg0 : i32 to index
    %get3A_0 = memref.load %arg1[%get3A] : memref<64xi32, #tpu.memory_space<smem>>
    %eq3A = arith.constant 7 : i32
    %eq3A_1 = arith.cmpi eq, %get3A_0, %eq3A : i32
    %get3A_2 = arith.constant 0 : index
    %get3A_3 = arith.constant 0 : index
    %get3A_4 = vector.load %arg3[%get3A_2, %get3A_3] : memref<256x2048xf32, #tpu.memory_space<vmem>>, vector<256x2048xf32>
    %get3A_5 = arith.constant 0 : index
    %get3A_6 = arith.constant 0 : index
    %get3A_7 = vector.load %arg2[%get3A_5, %get3A_6] : memref<256x2048xf32, #tpu.memory_space<vmem>>, vector<256x2048xf32>
    %select_n3A = arith.select %eq3A_1, %get3A_4, %get3A_7 : vector<256x2048xf32>
    %convert_element_type3A = arith.truncf %select_n3A : vector<256x2048xf32> to vector<256x2048xbf16>
    %get3A_8 = arith.constant 0 : index
    %get3A_9 = arith.constant 0 : index
    %get3A_10 = arith.constant 0 : index
    %get3A_11 = vector.load %arg4[%get3A_8, %get3A_9, %get3A_10] : memref<1x2048x1408xbf16, #tpu.memory_space<vmem>>, vector<1x2048x1408xbf16>
    %get3A_12 = vector.shape_cast %get3A_11 : vector<1x2048x1408xbf16> to vector<2048x1408xbf16>
    %dot_general3A = arith.constant dense<0.000000e+00> : vector<256x1408xf32>
    %dot_general3A_13 = tpu.matmul %convert_element_type3A, %get3A_12, %dot_general3A {dimension_numbers = #tpu.dot_dimension_numbers<[1], [0], [0], [1], [0, 0, 1, 1], [], []>, transpose_lhs_hint = false} : vector<256x2048xbf16>, vector<2048x1408xbf16>, vector<256x1408xf32> -> vector<256x1408xf32>
    %get3A_14 = arith.constant 0 : index
    %get3A_15 = arith.constant 0 : index
    %get3A_16 = arith.constant 0 : index
    %get3A_17 = vector.load %arg5[%get3A_14, %get3A_15, %get3A_16] : memref<1x2048x1408xbf16, #tpu.memory_space<vmem>>, vector<1x2048x1408xbf16>
    %get3A_18 = vector.shape_cast %get3A_17 : vector<1x2048x1408xbf16> to vector<2048x1408xbf16>
    %dot_general3A_19 = arith.constant dense<0.000000e+00> : vector<256x1408xf32>
    %dot_general3A_20 = tpu.matmul %convert_element_type3A, %get3A_18, %dot_general3A_19 {dimension_numbers = #tpu.dot_dimension_numbers<[1], [0], [0], [1], [0, 0, 1, 1], [], []>, transpose_lhs_hint = false} : vector<256x2048xbf16>, vector<2048x1408xbf16>, vector<256x1408xf32> -> vector<256x1408xf32>
    %logistic3A = arith.negf %dot_general3A_13 : vector<256x1408xf32>
    %logistic3A_21 = math.exp %logistic3A : vector<256x1408xf32>
    %logistic3A_22 = arith.constant 1.000000e+00 : f32
    %logistic3A_23 = vector.broadcast %logistic3A_22 : f32 to vector<256x1408xf32>
    %logistic3A_24 = arith.addf %logistic3A_23, %logistic3A_21 : vector<256x1408xf32>
    %logistic3A_25 = arith.divf %logistic3A_23, %logistic3A_24 : vector<256x1408xf32>
    %mul3A = arith.mulf %dot_general3A_13, %logistic3A_25 : vector<256x1408xf32>
    %mul3A_26 = arith.mulf %mul3A, %dot_general3A_20 : vector<256x1408xf32>
    %convert_element_type3A_27 = arith.truncf %mul3A_26 : vector<256x1408xf32> to vector<256x1408xbf16>
    %get3A_28 = arith.constant 0 : index
    %get3A_29 = arith.constant 0 : index
    %get3A_30 = arith.constant 0 : index
    %get3A_31 = vector.load %arg6[%get3A_28, %get3A_29, %get3A_30] : memref<1x1408x2048xbf16, #tpu.memory_space<vmem>>, vector<1x1408x2048xbf16>
    %get3A_32 = vector.shape_cast %get3A_31 : vector<1x1408x2048xbf16> to vector<1408x2048xbf16>
    %dot_general3A_33 = arith.constant dense<0.000000e+00> : vector<256x2048xf32>
    %dot_general3A_34 = tpu.matmul %convert_element_type3A_27, %get3A_32, %dot_general3A_33 {dimension_numbers = #tpu.dot_dimension_numbers<[1], [0], [0], [1], [0, 0, 1, 1], [], []>, transpose_lhs_hint = false} : vector<256x1408xbf16>, vector<1408x2048xbf16>, vector<256x2048xf32> -> vector<256x2048xf32>
    %get3A_35 = arith.constant 0 : index
    %get3A_36 = arith.constant 0 : index
    %get3A_37 = vector.load %arg7[%get3A_35, %get3A_36] : memref<256x1xf32, #tpu.memory_space<vmem>>, vector<256x1xf32>
    %jit3A = arith.constant 1.000000e+00 : f32
    %broadcast_in_dim3A = vector.broadcast %jit3A : f32 to vector<256x1xf32>
    %select_n3A_38 = arith.select %eq3A_1, %broadcast_in_dim3A, %get3A_37 : vector<256x1xf32>
    %mul3A_39 = vector.broadcast %select_n3A_38 : vector<256x1xf32> to vector<256x2048xf32>
    %mul3A_40 = arith.mulf %dot_general3A_34, %mul3A_39 : vector<256x2048xf32>
    %swap3A = arith.constant 0 : index
    %swap3A_41 = arith.constant 0 : index
    %swap3A_42 = vector.load %arg8[%swap3A, %swap3A_41] : memref<256x2048xf32, #tpu.memory_space<vmem>>, vector<256x2048xf32>
    tpu.vector_store %arg8[%swap3A, %swap3A_41], %mul3A_40 {strides = array<i32>} : memref<256x2048xf32, #tpu.memory_space<vmem>>, vector<256x2048xf32>,
    return
  }
  func.func @transform_0(%arg0: i32, %arg1: memref<64xi32, #tpu.memory_space<smem>>) -> (i32, i32) {
    %min3A = arith.constant 39 : i32
    %min3A_0 = arith.minsi %arg0, %min3A : i32
    %c0_i32 = arith.constant 0 : i32
    %c0_i32_1 = arith.constant 0 : i32
    return %min3A_0, %c0_i32 : i32, i32
  }
  func.func @transform_1(%arg0: i32, %arg1: memref<64xi32, #tpu.memory_space<smem>>) -> (i32, i32) {
    %sub3A = arith.constant 40 : i32
    %sub3A_0 = arith.subi %arg0, %sub3A : i32
    %max3A = arith.constant 0 : i32
    %max3A_1 = arith.maxsi %sub3A_0, %max3A : i32
    %c0_i32 = arith.constant 0 : i32
    %c0_i32_2 = arith.constant 0 : i32
    return %max3A_1, %c0_i32 : i32, i32
  }
  func.func @transform_2(%arg0: i32, %arg1: memref<64xi32, #tpu.memory_space<smem>>) -> (i32, i32, i32) {
    %get3A = arith.index_cast %arg0 : i32 to index
    %get3A_0 = memref.load %arg1[%get3A] : memref<64xi32, #tpu.memory_space<smem>>
    %c0_i32 = arith.constant 0 : i32
    %c0_i32_1 = arith.constant 0 : i32
    %c0_i32_2 = arith.constant 0 : i32
    return %get3A_0, %c0_i32, %c0_i32_1 : i32, i32, i32
  }
  func.func @transform_3(%arg0: i32, %arg1: memref<64xi32, #tpu.memory_space<smem>>) -> (i32, i32, i32) {
    %get3A = arith.index_cast %arg0 : i32 to index
    %get3A_0 = memref.load %arg1[%get3A] : memref<64xi32, #tpu.memory_space<smem>>
    %c0_i32 = arith.constant 0 : i32
    %c0_i32_1 = arith.constant 0 : i32
    %c0_i32_2 = arith.constant 0 : i32
    return %get3A_0, %c0_i32, %c0_i32_1 : i32, i32, i32
  }
  func.func @transform_4(%arg0: i32, %arg1: memref<64xi32, #tpu.memory_space<smem>>) -> (i32, i32, i32) {
    %get3A = arith.index_cast %arg0 : i32 to index
    %get3A_0 = memref.load %arg1[%get3A] : memref<64xi32, #tpu.memory_space<smem>>
    %c0_i32 = arith.constant 0 : i32
    %c0_i32_1 = arith.constant 0 : i32
    %c0_i32_2 = arith.constant 0 : i32
    return %get3A_0, %c0_i32, %c0_i32_1 : i32, i32, i32
  }
  func.func @transform_5(%arg0: i32, %arg1: memref<64xi32, #tpu.memory_space<smem>>) -> (i32, i32) {
    %min3A = arith.constant 39 : i32
    %min3A_0 = arith.minsi %arg0, %min3A : i32
    %c0_i32 = arith.constant 0 : i32
    %c0_i32_1 = arith.constant 0 : i32
    return %min3A_0, %c0_i32 : i32, i32
  }
  func.func @transform_6(%arg0: i32, %arg1: memref<64xi32, #tpu.memory_space<smem>>) -> (i32, i32) {
    %c0_i32 = arith.constant 0 : i32
    %c0_i32_0 = arith.constant 0 : i32
    return %arg0, %c0_i32 : i32, i32
  }
}

</mosaic_0001>

<sc_bundles>
// kernel: kernel.10.cloned.1.call-start
scs
__scs_entry_jumppad:
0x0: {  	(pc) =	sbr.rel $0x88, $3  }
0x1: {  	(tag) =	ssettag $0x0;
	lr =	simm.s32 $0x1  }
0x2: {  	[smem:$0x3F96] =	sst lr;
	_ =	strace $0xD0000000  }
0x3: {  	_ = 	snop  }
0x4: {  	_ = 	snop  }
0x5: {  	_ = 	snop  }
0x6: {  	_ = 	snop  }
0x7: {  	_ = 	snop  }
__scs_overlays_trampoline_lowered:
0x8: {  	[smem:$0x3FA5] =	sst s0  }
0x9: {  	[smem:$0x3FA6] =	sst s1  }
0xa: {  	[smem:$0x3FA7] =	sst s2  }
0xb: {  	[smem:$0x3FA8] =	sst s3  }
0xc: {  	[smem:$0x3FA9] =	sst s4  }
0xd: {  	[smem:$0x3FAA] =	sst s5  }
0xe: {  	[smem:$0x3FAB] =	sst s6  }
0xf: {  	[smem:$0x3FAC] =	sst s7  }
0x10: {  	[smem:$0x3FAD] =	sst s8  }
0x11: {  	[smem:$0x3FAE] =	sst s9;
	s0 =	simm.s32 @!p0 $0x0  }
0x12: {  	s1 =	sld [smem:$0x3F94];
	s0 =	simm.s32 @p0 $0x1  }
0x13: {  	[smem:$0x3FAF] =	sst s0;
	s0 =	simm.s32 @!p1 $0x0  }
0x14: {  	s2 =	sld [smem:$0x3F93];
	s0 =	simm.s32 @p1 $0x1  }
0x15: {  	[smem:$0x3FB0] =	sst s0;
	s0 =	simm.s32 @!p2 $0x0  }
0x16: {  	s3 =	sld [smem:$0x3FDB];
	s0 =	simm.s32 @p2 $0x1  }
0x17: {  	s4 =	simm.s32 $0x1BF5;
	[smem:$0x3FB2] =	sst s0  }
0x18: {  	s0 =	sld [smem:$0x3F95];
	_ =	swait.ge [sflag:s4], $0x0  }
0x19: {  	s7 =	sld [smem:$0x3F96]  }
0x1a: {  	s8 =	sadd.s32 $0xFFFFE003, lr  }
0x1b: {  	s9 =	sadd.s32 $0xFFFFFEF7, lr;
	s5 =	simm.s32 $0xFFFFFFFF;
	p2 =	slt.u32 s8, $0xFFFFF086  }
0x1c: {  	p1 =	slt.u32 s9, $0xF7A;
	s5 =	simm.s32 @!p2 $0x0  }
0x1d: {  	s5 =	simm.s32 @p1 $0x1;
	p0 =	seq.s32 s7, s2  }
0x1e: {  	s7 =	smul.u32 @!p0 $0xF7A, s2;
	p2 =	seq.s32 @!p0 s5, $0x0  }
0x1f: {  	s9 =	smul.u32 $0xF7A, s1;
	s8 =	simm.s32 @!p0 $0x1BF5;
	p2 =	por !p2, p0  }
0x20: {  	[sflag:s8] =	ssyncset.s32 @!p0 $0xFFFFF086;
	s6 =	sadd.s32 @!p0 s3, s7;
	s7 =	simm.s32 @!p0 $0x108  }
0x21: {  	s3 =	sadd.s32 s3, s9;
	s6 =	sadd.s32 @!p0 $0x88, s6;
	s7 =	simm.s32 @p2 $0x1082  }
0x22: {  	[simem:s7], [sflag:s8] =	dma.local @!p0 [hbm:s6], $0xF7A  }
0x23: {  	s9 =	sor.u32 $0xD0000000, s2;
	s6 =	simm.s32 $0x108;
	_ =	swait.ge @!p0 [sflag:s8], $0x0  }
0x24: {  	s3 =	sadd.s32 $0x88, s3;
	s6 =	simm.s32 @!p1 $0x1082;
	[sflag:s4] =	ssyncset.s32 $0xFFFFF086  }
0x25: {  	[simem:s6], [sflag:s4] =	dma.local [hbm:s3], $0xF7A  }
0x26: {  	[smem:$0x3F96] =	sst s1;
	(tag) =	ssettag s2;
	_ =	strace s9  }
0x27: {  	s1 =	sld [smem:$0x3FA6]  }
0x28: {  	s2 =	sld [smem:$0x3FA7]  }
0x29: {  	s4 =	sld [smem:$0x3FA9]  }
0x2a: {  	p0 =	seq.s32 s5, $0x0;
	s5 =	sld [smem:$0x3FAA]  }
0x2b: {  	s6 =	sld [smem:$0x3FAB]  }
0x2c: {  	s7 =	sld [smem:$0x3FAC]  }
0x2d: {  	s3 =	simm.s32 $0x108;
	s8 =	sld [smem:$0x3FAD]  }
0x2e: {  	s3 =	simm.s32 @!p0 $0x1082;
	s9 =	sld [smem:$0x3FAE]  }
0x2f: {  	lr =	sadd.s32 s0, s3;
	s0 =	sld [smem:$0x3FA5]  }
0x30: {  	s3 =	sld [smem:$0x3FA8]  }
0x31: {  	[smem:$0x3FB1] =	sst s10  }
0x32: {  	s10 =	sld [smem:$0x3FAF];
	_ =	sdelay $0x3  }
0x33: {  	p0 =	seq.s32 s10, $0x1;
	s10 =	sld [smem:$0x3FB1];
	_ =	sdelay $0x3  }
0x34: {  	[smem:$0x3FB1] =	sst s10  }
0x35: {  	s10 =	sld [smem:$0x3FB0];
	_ =	sdelay $0x3  }
0x36: {  	p1 =	seq.s32 s10, $0x1;
	s10 =	sld [smem:$0x3FB1];
	_ =	sdelay $0x3  }
0x37: {  	[smem:$0x3FB1] =	sst s10  }
0x38: {  	s10 =	sld [smem:$0x3FB2]  }
0x39: {  	_ = 	snop;
	(pc) =	sbr.ind lr, $3  }
0x3a: {  	_ = 	snop  }
0x3b: {  	_ = 	snop  }
0x3c: {  	p2 =	seq.s32 s10, $0x1;
	s10 =	sld [smem:$0x3FB1]  }
0x3d: {  	_ =	shalt  }
0x3e: {  	_ =	shalt  }
0x3f: {  	_ =	shalt  }
0x40: {  	_ =	shalt  }
0x41: {  	_ =	shalt  }
0x42: {  	_ =	shalt  }
0x43: {  	_ =	shalt  }
0x44: {  	_ =	shalt  }
0x45: {  	_ =	shalt  }
0x46: {  	_ =	shalt  }
0x47: {  	_ =	shalt  }
0x48: {  	_ =	shalt  }
0x49: {  	_ =	shalt  }
0x4a: {  	_ =	shalt  }
0x4b: {  	_ =	shalt  }
0x4c: {  	_ =	shalt  }
0x4d: {  	_ =	shalt  }
0x4e: {  	_ =	shalt  }
0x4f: {  	_ =	shalt  }
0x50: {  	_ =	shalt  }
0x51: {  	_ =	shalt  }
0x52: {  	_ =	shalt  }
0x53: {  	_ =	shalt  }
0x54: {  	_ =	shalt  }
0x55: {  	_ =	shalt  }
0x56: {  	_ =	shalt  }
0x57: {  	_ =	shalt  }
0x58: {  	_ =	shalt  }
0x59: {  	_ =	shalt  }
0x5a: {  	_ =	shalt  }
0x5b: {  	_ =	shalt  }
0x5c: {  	_ =	shalt  }
0x5d: {  	_ =	shalt  }
0x5e: {  	_ =	shalt  }
0x5f: {  	_ =	shalt  }
0x60: {  	_ =	shalt  }
0x61: {  	_ =	shalt  }
0x62: {  	_ =	shalt  }
0x63: {  	_ =	shalt  }
0x64: {  	_ =	shalt  }
0x65: {  	_ =	shalt  }
0x66: {  	_ =	shalt  }
0x67: {  	_ =	shalt  }
0x68: {  	_ =	shalt  }
0x69: {  	_ =	shalt  }
0x6a: {  	_ =	shalt  }
0x6b: {  	_ =	shalt  }
0x6c: {  	_ =	shalt  }
0x6d: {  	_ =	shalt  }
0x6e: {  	_ =	shalt  }
0x6f: {  	_ =	shalt  }
0x70: {  	_ =	shalt  }
0x71: {  	_ =	shalt  }
0x72: {  	_ =	shalt  }
0x73: {  	_ =	shalt  }
0x74: {  	_ =	shalt  }
0x75: {  	_ =	shalt  }
0x76: {  	_ =	shalt  }
0x77: {  	_ =	shalt  }
0x78: {  	_ =	shalt  }
0x79: {  	_ =	shalt  }
0x7a: {  	_ =	shalt  }
0x7b: {  	_ =	shalt  }
0x7c: {  	_ =	shalt  }
0x7d: {  	_ =	shalt  }
0x7e: {  	_ =	shalt  }
0x7f: {  	_ =	shalt  }
0x80: {  	_ =	shalt  }
0x81: {  	_ =	shalt  }
0x82: {  	_ =	shalt  }
0x83: {  	_ =	shalt  }
0x84: {  	_ =	shalt  }
0x85: {  	_ =	shalt  }
0x86: {  	_ =	shalt  }
0x87: {  	_ =	shalt  }
.Lfunc_end0:
.L_simem_size_0:
called_computation_lowered:
.L_overlay_start_0:
0x88: {  	s2 =	sld [smem:$0x3FD9]  }
0x89: {  	s3 =	sld [smem:$0x3FFE];
	_ =	sdelay $0x1  }
0x8a: {  	s1 =	srdreg.scid  }
0x8b: {  	s0 =	sand.u32 $0x1, s1  }
0x8c: {  	s17 =	sshll.u32 s0, $0xA;
	s2 =	sadd.s32 s3, s2  }
0x8d: {  	s2 =	sadd.s32 s2, s17  }
0x8e: {  	[smem:$0x3FBD] =	sst s2  }
0x8f: {  	_ = 	snop  }
0x90: {  	s2 =	sld [smem:$0x3FC9]  }
0x91: {  	s18 =	sld [smem:$0x3FD0];
	(tm) =	ssettm $0x1  }
0x92: {  	s4 =	sld [smem:$0x3FFB];
	_ =	sdelay $0x3  }
0x93: {  	_ =	strace s4  }
0x94: {  	s4 =	sld [smem:$0x3FFC];
	_ =	sdelay $0x3  }
0x95: {  	_ =	strace s4  }
0x96: {  	s4 =	sld [smem:$0x3FFD];
	_ =	sdelay $0x3  }
0x97: {  	_ =	strace s4  }
0x98: {  	_ =	strace $0x8FFFFFFF  }
0x99: {  	s19 =	sld [smem:$0x3FDB];
	_ =	sdelay $0x1  }
0x9a: {  	s5 =	simm.s32 $_scs_section_size  }
0x9b: {  	s6 =	simm.s32 $_size__tile_overlayer_lowered;
	s7 =	simm.s32 $_tile_overlayer_lowered  }
0x9c: {  	s22 =	simm.s32 $0x1BFF;
	s21 =	sshll.u32 s7, $0x1;
	s4 =	sadd.s32 s5, s19  }
0x9d: {  	s8 =	simm.s32 $0x0;
	s20 =	sshll.u32 s6, $0x1;
	s6 =	sadd.s32 s21, s4  }
0x9e: {  	[timem:s8], [sflag:s22] =	dma.local [hbm:s6], s20  }
0x9f: {  	_ =	swait.ge [sflag:s22], s20  }
0xa0: {  	s5 =	ssub.s32 $0x0, s20;
	[sflag:s22] =	ssyncset.done $0x0  }
0xa1: {  	[sflag:s22] =	ssyncadd.s32 s5;
	_ =	sdelay $0x1  }
0xa2: {  	s23 =	simm.s32 $0x1B8B  }
0xa3: {  	_ =	swait.ge [sflag:s23], $0x1  }
0xa4: {  	[sflag:s23] =	ssyncset.done $0x0  }
0xa5: {  	s25 =	simm.s32 $0x1B8E;
	s24 =	sld [smem:$0x3FFE];
	[sflag:s23] =	ssyncadd.s32 $0xFFFFFFFF  }
0xa6: {  	s26 =	simm.s32 $execute0_lowered;
	[smem:$0x3FD2] =	sst s25  }
0xa7: {  	s6 =	sshll.u32 s26, $0x1;
	_ =	strace $0x80000046;
	[dreg:$0x1] =	wrdreg $0xFFFFFFFF  }
0xa8: {  	s28 =	simm.s32 $_size_execute0_lowered;
	s4 =	sadd.s32 s4, s6;
	[dreg:$0x0] =	wrdreg $0x0  }
0xa9: {  	s6 =	sshll.u32 s28, $0x1;
	[dreg:$0x2] =	wrdreg s4  }
0xaa: {  	[dreg:$0x3] =	wrdreg s6  }
0xab: {  	[dreg:$0x4] =	wrdreg $0xC0  }
0xac: {  	_ =	task [dreg:s8], $0x5FFFF  }
0xad: {  	[dreg:$0x1] =	wrdreg $0xFFFFFFFF  }
0xae: {  	[dreg:$0x0] =	wrdreg $0x60  }
0xaf: {  	[dreg:$0x2] =	wrdreg s2  }
0xb0: {  	[dreg:$0x3] =	wrdreg s18  }
0xb1: {  	[dreg:$0x4] =	wrdreg s24  }
0xb2: {  	[dreg:$0x5] =	wrdreg $0x9  }
0xb3: {  	_ =	task.clear_ibuf [dreg:s8], $0x6FFFF;
	_ =	strace $0x90000046  }
0xb4: {  	s29 =	simm.s32 $0x9;
	_ =	strace $0x80000048  }
0xb5: {  	_ =	swait.ge [sflag:s29], $0x1  }
0xb6: {  	[sflag:s29] =	ssyncadd.s32 $0xFFFFFFFF  }
0xb7: {  	_ =	strace $0x90000048  }
0xb8: {  	_ =	sfence  }
0xb9: {  	s30 =	sld [smem:$0x0];
	_ =	sdelay $0x2  }
0xba: {  	s31 =	sshll.u32 s1, $0xD;
	s1 =	sshrl.u32 s1, $0x2  }
0xbb: {  	s3 =	sand.u32 $0x4000, s31;
	s1 =	sadd.s32 s1, s30  }
0xbc: {  	s0 =	sor.u32 s3, s0;
	s1 =	sshll.u32 s1, $0x11  }
0xbd: {  	s0 =	sor.u32 s1, s0  }
0xbe: {  	s0 =	sadd.s32 $0x8F2B, s0  }
0xbf: {  	[sflag:s0] =	ssyncadd.remote.s32 $0x1  }
0xc0: {  	_ =	sfence.sel $0xFFFF  }
0xc1: {  	[dreg:$0x0] =	wrdreg $0xFFFFFFFF;
	(pc) =	sbr.abs _section_cstart, $3  }
0xc2: {  	[dreg:$0x1] =	wrdreg $0xFFFFFFFF  }
0xc3: {  	_ =	task.clear_ibuf [dreg:s8], $0x2FFFF;
	_ =	strace $0x9FFFFFFF  }
0xc4: {  	(tm) =	ssettm $0x7FFFFFFF  }
0xc5: {  	_ =	shalt  }
tec
execute0_lowered:
.L_overlay_start_1:
0x0: {  	(tag) =	ssettag $0x1  }
0x1: {  	s1 =	rddreg [dreg:$0x0]  }
0x2: {  	s0 =	srdreg.scid;
	s17 =	stileid.u32  }
0x3: {  	s2 =	rddreg [dreg:$0x2];
	s4 =	simm.s32 $0x0;
	s23 =	simm.s32 $0x11800  }
0x4: {  	s24 =	simm.s32 $0x12000;
	s26 =	simm.s32 $0x12800;
	s30 =	simm.s32 $0x13000  }
0x5: {  	s18 =	simm.s32 $0x14000;
	s19 =	simm.s32 $0x14800;
	s28 =	simm.s32 $0x2  }
0x6: {  	s29 =	simm.s32 $0x0;
	s0 =	sand.u32 $0x1, s0;
	[smem:$0x7FF] =	sst s4  }
0x7: {  	s3 =	sshll.u32 s17, $0x1;
	_ =	strace $0x80000047;
	[dreg:$0x6] =	wrdreg s23  }
0x8: {  	s6 =	sadd.s32 $0x1C00, s2;
	s20 =	sadd.s32 $0x2600, s2;
	[dreg:$0x7] =	wrdreg s24  }
0x9: {  	s11 =	smul.u32 $0x140000, s17;
	s9 =	sadd.s32 $0x100, s1;
	[dreg:$0x8] =	wrdreg s26  }
0xa: {  	s25 =	smul.u32 $0xA00, s17;
	s17 =	simm.s32 $0x13800;
	[dreg:$0x9] =	wrdreg s30  }
0xb: {  	s10 =	sadd.s32 $0x200, s1;
	s15 =	sadd.s32 $0x700, s1;
	[dreg:$0xa] =	wrdreg s17  }
0xc: {  	s3 =	sor.u32 s0, s3;
	s8 =	ssub.s32 $0x2, s0;
	[dreg:$0xb] =	wrdreg s18  }
0xd: {  	s12 =	smul.u32 $0xA0000, s0;
	[dreg:$0xc] =	wrdreg s19;
	s23 =	simm.s32 $0x16800  }
0xe: {  	s0 =	smul.u32 $0x500, s0;
	s24 =	simm.s32 $0x17000;
	[dreg:$0x10] =	wrdreg s23  }
0xf: {  	s19 =	simm.s32 $0x3;
	s26 =	simm.s32 $0x18000;
	[dreg:$0x11] =	wrdreg s24  }
0x10: {  	s30 =	simm.s32 $0x18800;
	s18 =	simm.s32 $0xF000;
	[dreg:$0x13] =	wrdreg s26  }
0x11: {  	s5 =	smul.u32 $0x140, s3;
	s21 =	sshrl.u32 s8, $0x1;
	[dreg:$0x14] =	wrdreg s30  }
0x12: {  	s23 =	simm.s32 $0x10000;
	s24 =	simm.s32 $0x10800;
	s26 =	simm.s32 $0x11000  }
0x13: {  	s16 =	ssub.s32 s8, s21;
	s22 =	sadd.s32 s12, s11;
	s11 =	sadd.s32 $0x300, s1  }
0x14: {  	s12 =	sadd.s32 $0x400, s1;
	s0 =	sadd.s32 s0, s25;
	s21 =	simm.s32 $0x15800  }
0x15: {  	s25 =	simm.s32 $0x17800;
	s7 =	sshrl.u32 s5, $0x3;
	s8 =	sadd.s32 $0x2800, s5  }
0x16: {  	s13 =	sshrl.u32 s22, $0x3;
	s16 =	smax.u32 s16, $0x1;
	[dreg:$0xe] =	wrdreg s21  }
0x17: {  	s0 =	sor.u32 $0x80, s0;
	s21 =	simm.s32 $0x2800;
	[dreg:$0x12] =	wrdreg s25  }
0x18: {  	s25 =	simm.s32 $0x1;
	s2 =	sadd.s32 s7, s2;
	s14 =	sadd.s32 s13, s20  }
0x19: {  	s13 =	sadd.s32 $0x500, s1;
	s7 =	sadd.s32 $0x2000, s2;
	s2 =	sor.u32 $0x8000, s22  }
0x1a: {  	[dreg:$0x4] =	wrdreg s14;
	s22 =	simm.s32 $0x16000;
	s2 =	sshrl.u32 s2, $0x3  }
0x1b: {  	v0 =	vimm.s32 $0x0;
	v1 =	vlaneseq.u32;
	s31 =	sshrl.u32 s0, $0x2;
	[dreg:$0xf] =	wrdreg s22;
	s2 =	sadd.s32 s2, s20  }
0x1c: {  	v2 =	vimm.f32 $0.0e+00;
	vm0 =	vmmov $0xffff;
	v4 =	vshrl.u32 v1, $0x3;
	s14 =	sadd.s32 $0x600, s1;
	s20 =	simm.s32 $0x15000;
	[dreg:$0x5] =	wrdreg s2  }
0x1d: {  	v3 =	vand.u32 $0x7, v1;
	v5 =	vor.u32 $0x8, v1;
	v4 =	vmul.u32 $0x8, v4;
	s22 =	simm.s32 $0x9000;
	[dreg:$0xd] =	wrdreg s20;
	s20 =	simm.s32 $0xF800  }
.LBB2_1:
0x1e: {  	s0 =	rddreg [dreg:$0x1];
	s2 =	simm.s32 $0x5000  }
0x1f: {  	[tilespmem:s2], [sflag:$0x3] =	stream.linear.gather [hbm4b:s0+s4], $0x2000, $0x38;
	[tilespmem:$0x19000] =	vst v63  }
0x20: {  	_ =	swait.ge [sflag:s19], $0x2000  }
0x21: {  	[sflag:s19] =	ssyncset.done $0x0  }
0x22: {  	s30 =	simm.s32 $0x7000;
	[sflag:s19] =	ssyncadd.s32 $0xFFFFE000  }
0x23: {  	[tilespmem:s30], [sflag:$0x3] =	stream.linear.gather [hbm4b:s6+s4], $0x2000, $0x38;
	[tilespmem:$0x19000] =	vst v63  }
0x24: {  	_ =	swait.ge [sflag:s19], $0x2000  }
0x25: {  	[sflag:s19] =	ssyncset.done $0x0  }
0x26: {  	s17 =	simm.s32 $0x100;
	s2 =	simm.s32 $0x0;
	[sflag:s19] =	ssyncadd.s32 $0xFFFFE000  }
.LBB2_2:
0x27: {  	p0 =	sne.s32 s17, $0x9F00;
	[tilespmem:s2+$0x2830] =	vst v2  }
0x28: {  	[tilespmem:s2+$0x0] =	vst v0  }
0x29: {  	[tilespmem:s2+$0x2800] =	vst v2  }
.Ltmp0:
0x2a: {  	[tilespmem:s2+$0x10] =	vst v0;
	(pc) =	sbr.rel @p0 .LBB2_2-.Ltmp0, $4  }
0x2b: {  	[tilespmem:s2+$0x2810] =	vst v2  }
0x2c: {  	[tilespmem:s2+$0x20] =	vst v0  }
0x2d: {  	[tilespmem:s2+$0x2820] =	vst v2  }
0x2e: {  	[tilespmem:s2+$0x30] =	vst v0;
	s2 =	sshra.s32 s17, $0x2;
	s17 =	sadd.s32 $0x100, s17  }
0x2f: {  	[tilespmem:s2+$0x2830] =	vst v2  }
0x30: {  	[tilespmem:s2+$0x0] =	vst v0  }
0x31: {  	[tilespmem:s2+$0x2800] =	vst v2  }
0x32: {  	[tilespmem:s2+$0x10] =	vst v0  }
0x33: {  	[tilespmem:s2+$0x2810] =	vst v2  }
0x34: {  	[tilespmem:s2+$0x20] =	vst v0  }
0x35: {  	[tilespmem:s2+$0x2820] =	vst v2  }
0x36: {  	[tilespmem:s2+$0x30] =	vst v0;
	s17 =	simm.s32 $0x0;
	s30 =	simm.s32 $0x7020;
	s2 =	simm.s32 $0x5020  }
.LBB2_4:
0x37: {  	v6 =	vld [tilespmem:s2+$0xFFFFFFE0];
	_ =	sdelay $0x3  }
0x38: {  	v7 =	vld [tilespmem:s30+$0xFFFFFFE0];
	_ =	sdelay $0x1  }
0x39: {  	v8 =	vor.u32 s17, v1  }
0x3a: {  	v8 =	vshrl.u32 v8, $0x1  }
0x3b: {  	[tilespmem:v6+s4+$0x0] =	vst.idx.msk $0xffff, v8  }
0x3c: {  	[tilespmem:v6+s21+$0x0] =	vst.idx.msk $0xffff, v7  }
0x3d: {  	v6 =	vld [tilespmem:s2+$0xFFFFFFF0];
	_ =	sdelay $0x3  }
0x3e: {  	v7 =	vld [tilespmem:s30+$0xFFFFFFF0]  }
0x3f: {  	s0 =	sadd.s32 $0x10, s17  }
0x40: {  	v61 =	vor.u32 s0, v1  }
0x41: {  	v8 =	vshrl.u32 v61, $0x1  }
0x42: {  	[tilespmem:v6+s4+$0x0] =	vst.idx.msk $0xffff, v8  }
0x43: {  	[tilespmem:v6+s21+$0x0] =	vst.idx.msk $0xffff, v7  }
0x44: {  	v6 =	vld [tilespmem:s2+$0x0];
	_ =	sdelay $0x3  }
0x45: {  	v7 =	vld [tilespmem:s30+$0x0]  }
0x46: {  	s3 =	sadd.s32 $0x20, s17  }
0x47: {  	v62 =	vor.u32 s3, v1  }
0x48: {  	v8 =	vshrl.u32 v62, $0x1  }
0x49: {  	[tilespmem:v6+s4+$0x0] =	vst.idx.msk $0xffff, v8  }
0x4a: {  	[tilespmem:v6+s21+$0x0] =	vst.idx.msk $0xffff, v7  }
0x4b: {  	v6 =	vld [tilespmem:s2+$0x10];
	_ =	sdelay $0x3  }
0x4c: {  	p0 =	sne.s32 s17, $0x1FC0;
	v7 =	vld [tilespmem:s30+$0x10]  }
.Ltmp1:
0x4d: {  	s3 =	sadd.s32 $0x30, s17;
	(pc) =	sbr.rel @p0 .LBB2_4-.Ltmp1, $4  }
0x4e: {  	v63 =	vor.u32 s3, v1  }
0x4f: {  	v8 =	vshrl.u32 v63, $0x1  }
0x50: {  	[tilespmem:v6+s4+$0x0] =	vst.idx.msk $0xffff, v8  }
0x51: {  	s17 =	sadd.s32 $0x40, s17;
	s30 =	sadd.s32 $0x40, s30;
	s2 =	sadd.s32 $0x40, s2;
	[tilespmem:v6+s21+$0x0] =	vst.idx.msk $0xffff, v7  }
0x52: {  	s30 =	simm.s32 $0x0  }
0x53: {  	[hbm4b:s7+s30] =	stream.linear.scatter [tilespmem:s8], [sflag:$0x3], $0x140, $0x38;
	[tilespmem:$0x19000] =	vst v63  }
0x54: {  	_ =	swait.ge [sflag:s19], $0x140  }
0x55: {  	[sflag:s19] =	ssyncset.done $0x0  }
0x56: {  	[sflag:s19] =	ssyncadd.s32 $0xFFFFFEC0  }
0x57: {  	v6 =	vld [tilespmem:s5+$0x0];
	_ =	sdelay $0x4  }
0x58: {  	v7 =	vshll.u32 v6, $0x4  }
0x59: {  	v6 =	vand.u32 $0x7, v6;
	v7 =	vand.u32 $0xFFFFFF80, v7  }
0x5a: {  	v6 =	vor.u32 v6, v7  }
0x5b: {  	v7 =	vperm.xlane v6, v3;
	_ =	sdelay $0x1  }
0x5c: {  	v7 =	vadd.s32 v4, v7;
	_ =	sdelay $0x4  }
0x5d: {  	[tilespmem:s22], [sflag:$0x1] =	stream.indirect_vreg.gather [hbm4b:s1+s30], $0x80, v7, vm0, $0xb8;
	[tilespmem:$0x19000] =	vst v63  }
0x5e: {  	s0 =	simm.s32 $0x9800  }
0x5f: {  	[tilespmem:s0], [sflag:$0x1] =	stream.indirect_vreg.gather [hbm4b:s9+s30], $0x80, v7, vm0, $0xb8;
	[tilespmem:$0x19000] =	vst v63  }
0x60: {  	s17 =	simm.s32 $0xA000  }
0x61: {  	[tilespmem:s17], [sflag:$0x1] =	stream.indirect_vreg.gather [hbm4b:s10+s30], $0x80, v7, vm0, $0xb8;
	[tilespmem:$0x19000] =	vst v63  }
0x62: {  	s2 =	simm.s32 $0xA800  }
0x63: {  	[tilespmem:s2], [sflag:$0x1] =	stream.indirect_vreg.gather [hbm4b:s11+s30], $0x80, v7, vm0, $0xb8;
	[tilespmem:$0x19000] =	vst v63  }
0x64: {  	s3 =	simm.s32 $0xB000  }
0x65: {  	[tilespmem:s3], [sflag:$0x1] =	stream.indirect_vreg.gather [hbm4b:s12+s30], $0x80, v7, vm0, $0xb8;
	[tilespmem:$0x19000] =	vst v63  }
0x66: {  	v6 =	vperm.xlane v6, v5;
	s17 =	simm.s32 $0xB800  }
0x67: {  	[tilespmem:s17], [sflag:$0x1] =	stream.indirect_vreg.gather [hbm4b:s13+s30], $0x80, v7, vm0, $0xb8;
	[tilespmem:$0x19000] =	vst v63  }
0x68: {  	v6 =	vadd.s32 v4, v6;
	s2 =	simm.s32 $0xC000  }
0x69: {  	[tilespmem:s2], [sflag:$0x1] =	stream.indirect_vreg.gather [hbm4b:s14+s30], $0x80, v7, vm0, $0xb8;
	[tilespmem:$0x19000] =	vst v63  }
0x6a: {  	s3 =	simm.s32 $0xC800  }
0x6b: {  	[tilespmem:s3], [sflag:$0x1] =	stream.indirect_vreg.gather [hbm4b:s15+s30], $0x80, v7, vm0, $0xb8;
	[tilespmem:$0x19000] =	vst v63  }
0x6c: {  	s17 =	simm.s32 $0xD000  }
0x6d: {  	[tilespmem:s17], [sflag:$0x1] =	stream.indirect_vreg.gather [hbm4b:s1+s30], $0x80, v6, vm0, $0xb8;
	[tilespmem:$0x19000] =	vst v63  }
0x6e: {  	s2 =	simm.s32 $0xD800  }
0x6f: {  	[tilespmem:s2], [sflag:$0x1] =	stream.indirect_vreg.gather [hbm4b:s9+s30], $0x80, v6, vm0, $0xb8;
	[tilespmem:$0x19000] =	vst v63  }
0x70: {  	s3 =	simm.s32 $0xE000  }
0x71: {  	[tilespmem:s3], [sflag:$0x1] =	stream.indirect_vreg.gather [hbm4b:s10+s30], $0x80, v6, vm0, $0xb8;
	[tilespmem:$0x19000] =	vst v63  }
0x72: {  	s17 =	simm.s32 $0xE800  }
0x73: {  	[tilespmem:s17], [sflag:$0x1] =	stream.indirect_vreg.gather [hbm4b:s11+s30], $0x80, v6, vm0, $0xb8;
	[tilespmem:$0x19000] =	vst v63  }
0x74: {  	_ = 	snop  }
0x75: {  	[tilespmem:s18], [sflag:$0x1] =	stream.indirect_vreg.gather [hbm4b:s12+s30], $0x80, v6, vm0, $0xb8;
	[tilespmem:$0x19000] =	vst v63  }
0x76: {  	_ = 	snop  }
0x77: {  	[tilespmem:s20], [sflag:$0x1] =	stream.indirect_vreg.gather [hbm4b:s13+s30], $0x80, v6, vm0, $0xb8;
	[tilespmem:$0x19000] =	vst v63  }
0x78: {  	_ = 	snop  }
0x79: {  	[tilespmem:s23], [sflag:$0x1] =	stream.indirect_vreg.gather [hbm4b:s14+s30], $0x80, v6, vm0, $0xb8;
	[tilespmem:$0x19000] =	vst v63  }
0x7a: {  	s17 =	smov.u32 s31  }
0x7b: {  	[tilespmem:s24], [sflag:$0x1] =	stream.indirect_vreg.gather [hbm4b:s15+s30], $0x80, v6, vm0, $0xb8;
	[tilespmem:$0x19000] =	vst v63  }
.LBB2_6:
0x7c: {  	_ =	swait.ge [sflag:s25], $0x8000  }
0x7d: {  	[sflag:s25] =	ssyncset.done $0x0  }
0x7e: {  	[sflag:s25] =	ssyncadd.s32 $0xFFFF8000  }
0x7f: {  	v6 =	vld [tilespmem:s17+$0xFFFFFFF0];
	_ =	sdelay $0x4  }
0x80: {  	v7 =	vshll.u32 v6, $0x4  }
0x81: {  	v6 =	vand.u32 $0x7, v6;
	v7 =	vand.u32 $0xFFFFFF80, v7  }
0x82: {  	v6 =	vor.u32 v6, v7  }
0x83: {  	v7 =	vperm.xlane v6, v3;
	_ =	sdelay $0x1  }
0x84: {  	v7 =	vadd.s32 v4, v7;
	_ =	sdelay $0x3  }
0x85: {  	s0 =	rddreg [dreg:$0x6]  }
0x86: {  	[tilespmem:s26], [sflag:$0x2] =	stream.indirect_vreg.gather [hbm4b:s1+s4], $0x80, v7, vm0, $0xb8;
	[tilespmem:$0x19000] =	vst v63  }
0x87: {  	s2 =	rddreg [dreg:$0x7]  }
0x88: {  	[tilespmem:s0], [sflag:$0x2] =	stream.indirect_vreg.gather [hbm4b:s9+s4], $0x80, v7, vm0, $0xb8;
	[tilespmem:$0x19000] =	vst v63  }
0x89: {  	s3 =	rddreg [dreg:$0x9]  }
0x8a: {  	[tilespmem:s2], [sflag:$0x2] =	stream.indirect_vreg.gather [hbm4b:s10+s4], $0x80, v7, vm0, $0xb8;
	[tilespmem:$0x19000] =	vst v63  }
0x8b: {  	s0 =	rddreg [dreg:$0x8]  }
0x8c: {  	[tilespmem:s0], [sflag:$0x2] =	stream.indirect_vreg.gather [hbm4b:s11+s4], $0x80, v7, vm0, $0xb8;
	[tilespmem:$0x19000] =	vst v63  }
0x8d: {  	s2 =	rddreg [dreg:$0x14]  }
0x8e: {  	[tilespmem:s3], [sflag:$0x2] =	stream.indirect_vreg.gather [hbm4b:s12+s4], $0x80, v7, vm0, $0xb8;
	[tilespmem:$0x19000] =	vst v63  }
0x8f: {  	v6 =	vperm.xlane v6, v5;
	s0 =	rddreg [dreg:$0xa]  }
0x90: {  	[tilespmem:s0], [sflag:$0x2] =	stream.indirect_vreg.gather [hbm4b:s13+s4], $0x80, v7, vm0, $0xb8;
	[tilespmem:$0x19000] =	vst v63  }
0x91: {  	v6 =	vadd.s32 v4, v6;
	s3 =	rddreg [dreg:$0xb]  }
0x92: {  	[tilespmem:s3], [sflag:$0x2] =	stream.indirect_vreg.gather [hbm4b:s14+s4], $0x80, v7, vm0, $0xb8;
	[tilespmem:$0x19000] =	vst v63  }
0x93: {  	s0 =	rddreg [dreg:$0xc]  }
0x94: {  	[tilespmem:s0], [sflag:$0x2] =	stream.indirect_vreg.gather [hbm4b:s15+s4], $0x80, v7, vm0, $0xb8;
	[tilespmem:$0x19000] =	vst v63  }
0x95: {  	s3 =	rddreg [dreg:$0xd]  }
0x96: {  	[tilespmem:s3], [sflag:$0x2] =	stream.indirect_vreg.gather [hbm4b:s1+s4], $0x80, v6, vm0, $0xb8;
	[tilespmem:$0x19000] =	vst v63  }
0x97: {  	s0 =	rddreg [dreg:$0xe]  }
0x98: {  	[tilespmem:s0], [sflag:$0x2] =	stream.indirect_vreg.gather [hbm4b:s9+s4], $0x80, v6, vm0, $0xb8;
	[tilespmem:$0x19000] =	vst v63  }
0x99: {  	s3 =	rddreg [dreg:$0xf]  }
0x9a: {  	[tilespmem:s3], [sflag:$0x2] =	stream.indirect_vreg.gather [hbm4b:s10+s4], $0x80, v6, vm0, $0xb8;
	[tilespmem:$0x19000] =	vst v63  }
0x9b: {  	s0 =	rddreg [dreg:$0x10]  }
0x9c: {  	[tilespmem:s0], [sflag:$0x2] =	stream.indirect_vreg.gather [hbm4b:s11+s4], $0x80, v6, vm0, $0xb8;
	[tilespmem:$0x19000] =	vst v63  }
0x9d: {  	s3 =	rddreg [dreg:$0x11]  }
0x9e: {  	[tilespmem:s3], [sflag:$0x2] =	stream.indirect_vreg.gather [hbm4b:s12+s4], $0x80, v6, vm0, $0xb8;
	[tilespmem:$0x19000] =	vst v63  }
0x9f: {  	s0 =	rddreg [dreg:$0x12]  }
0xa0: {  	[tilespmem:s0], [sflag:$0x2] =	stream.indirect_vreg.gather [hbm4b:s13+s4], $0x80, v6, vm0, $0xb8;
	[tilespmem:$0x19000] =	vst v63  }
0xa1: {  	s3 =	rddreg [dreg:$0x13]  }
0xa2: {  	[tilespmem:s3], [sflag:$0x2] =	stream.indirect_vreg.gather [hbm4b:s14+s4], $0x80, v6, vm0, $0xb8;
	[tilespmem:$0x19000] =	vst v63  }
0xa3: {  	s3 =	rddreg [dreg:$0x4]  }
0xa4: {  	[tilespmem:s2], [sflag:$0x2] =	stream.indirect_vreg.gather [hbm4b:s15+s4], $0x80, v6, vm0, $0xb8;
	[tilespmem:$0x19000] =	vst v63  }
0xa5: {  	s2 =	sadd.s32 s30, s3  }
0xa6: {  	[hbm4b:s2+s4] =	stream.linear.scatter [tilespmem:s22], [sflag:$0x3], $0x8000, $0x38;
	[tilespmem:$0x19000] =	vst v63  }
0xa7: {  	_ =	swait.ge [sflag:s19], $0x8000  }
0xa8: {  	[sflag:s19] =	ssyncset.done $0x0  }
0xa9: {  	[sflag:s19] =	ssyncadd.s32 $0xFFFF8000  }
0xaa: {  	_ =	swait.ge [sflag:s28], $0x8000  }
0xab: {  	[sflag:s28] =	ssyncset.done $0x0  }
0xac: {  	p0 =	seq.s32 s30, $0x12000;
	[sflag:s28] =	ssyncadd.s32 $0xFFFF8000  }
0xad: {  	v6 =	vld @!p0 [tilespmem:s17+$0x0];
	_ =	sdelay $0x4  }
0xae: {  	v7 =	vshll.u32 @!p0 v6, $0x4  }
0xaf: {  	v8 =	vlaneseq.u32 @!p0;
	v6 =	vand.u32 @!p0 $0x7, v6;
	v7 =	vand.u32 @!p0 $0xFFFFFF80, v7  }
0xb0: {  	v9 =	vshrl.u32 @!p0 v8, $0x3;
	v6 =	vor.u32 @!p0 v6, v7;
	v7 =	vand.u32 @!p0 $0x7, v8  }
0xb1: {  	v9 =	vmul.u32 @!p0 $0x8, v9;
	v7 =	vperm.xlane @!p0 v6, v7;
	_ =	sdelay $0x1  }
0xb2: {  	v7 =	vadd.s32 @!p0 v9, v7;
	_ =	sdelay $0x3  }
0xb3: {  	vm1 =	vmmov @!p0 $0xffff;
	s0 =	simm.s32 @!p0 $0x0;
	s2 =	simm.s32 @!p0 $0x9000  }
0xb4: {  	[tilespmem:s2], [sflag:$0x1] =	stream.indirect_vreg.gather @!p0 [hbm4b:s1+s0], $0x80, v7, vm1, $0xb8;
	[tilespmem:$0x19000] =	vst v63  }
0xb5: {  	s2 =	simm.s32 @!p0 $0x9800  }
0xb6: {  	[tilespmem:s2], [sflag:$0x1] =	stream.indirect_vreg.gather @!p0 [hbm4b:s9+s0], $0x80, v7, vm1, $0xb8;
	[tilespmem:$0x19000] =	vst v63  }
0xb7: {  	s2 =	simm.s32 @!p0 $0xA000  }
0xb8: {  	[tilespmem:s2], [sflag:$0x1] =	stream.indirect_vreg.gather @!p0 [hbm4b:s10+s0], $0x80, v7, vm1, $0xb8;
	[tilespmem:$0x19000] =	vst v63  }
0xb9: {  	s2 =	simm.s32 @!p0 $0xA800  }
0xba: {  	[tilespmem:s2], [sflag:$0x1] =	stream.indirect_vreg.gather @!p0 [hbm4b:s11+s0], $0x80, v7, vm1, $0xb8;
	[tilespmem:$0x19000] =	vst v63  }
0xbb: {  	s2 =	simm.s32 @!p0 $0xB000  }
0xbc: {  	v8 =	vor.u32 @!p0 $0x8, v8;
	[tilespmem:s2], [sflag:$0x1] =	stream.indirect_vreg.gather @!p0 [hbm4b:s12+s0], $0x80, v7, vm1, $0xb8;
	[tilespmem:$0x19000] =	vst v63  }
0xbd: {  	v6 =	vperm.xlane @!p0 v6, v8;
	s2 =	simm.s32 @!p0 $0xB800  }
0xbe: {  	[tilespmem:s2], [sflag:$0x1] =	stream.indirect_vreg.gather @!p0 [hbm4b:s13+s0], $0x80, v7, vm1, $0xb8;
	[tilespmem:$0x19000] =	vst v63  }
0xbf: {  	v6 =	vadd.s32 @!p0 v9, v6;
	s2 =	simm.s32 @!p0 $0xC000  }
0xc0: {  	[tilespmem:s2], [sflag:$0x1] =	stream.indirect_vreg.gather @!p0 [hbm4b:s14+s0], $0x80, v7, vm1, $0xb8;
	[tilespmem:$0x19000] =	vst v63  }
0xc1: {  	s2 =	simm.s32 @!p0 $0xC800  }
0xc2: {  	[tilespmem:s2], [sflag:$0x1] =	stream.indirect_vreg.gather @!p0 [hbm4b:s15+s0], $0x80, v7, vm1, $0xb8;
	[tilespmem:$0x19000] =	vst v63  }
0xc3: {  	s2 =	simm.s32 @!p0 $0xD000  }
0xc4: {  	[tilespmem:s2], [sflag:$0x1] =	stream.indirect_vreg.gather @!p0 [hbm4b:s1+s0], $0x80, v6, vm1, $0xb8;
	[tilespmem:$0x19000] =	vst v63  }
0xc5: {  	s2 =	simm.s32 @!p0 $0xD800  }
0xc6: {  	[tilespmem:s2], [sflag:$0x1] =	stream.indirect_vreg.gather @!p0 [hbm4b:s9+s0], $0x80, v6, vm1, $0xb8;
	[tilespmem:$0x19000] =	vst v63  }
0xc7: {  	s2 =	simm.s32 @!p0 $0xE000  }
0xc8: {  	[tilespmem:s2], [sflag:$0x1] =	stream.indirect_vreg.gather @!p0 [hbm4b:s10+s0], $0x80, v6, vm1, $0xb8;
	[tilespmem:$0x19000] =	vst v63  }
0xc9: {  	s2 =	simm.s32 @!p0 $0xE800  }
0xca: {  	[tilespmem:s2], [sflag:$0x1] =	stream.indirect_vreg.gather @!p0 [hbm4b:s11+s0], $0x80, v6, vm1, $0xb8;
	[tilespmem:$0x19000] =	vst v63  }
0xcb: {  	s2 =	simm.s32 @!p0 $0xF000  }
0xcc: {  	[tilespmem:s2], [sflag:$0x1] =	stream.indirect_vreg.gather @!p0 [hbm4b:s12+s0], $0x80, v6, vm1, $0xb8;
	[tilespmem:$0x19000] =	vst v63  }
0xcd: {  	s2 =	simm.s32 @!p0 $0xF800  }
0xce: {  	[tilespmem:s2], [sflag:$0x1] =	stream.indirect_vreg.gather @!p0 [hbm4b:s13+s0], $0x80, v6, vm1, $0xb8;
	[tilespmem:$0x19000] =	vst v63  }
0xcf: {  	s2 =	simm.s32 @!p0 $0x10000  }
0xd0: {  	[tilespmem:s2], [sflag:$0x1] =	stream.indirect_vreg.gather @!p0 [hbm4b:s14+s0], $0x80, v6, vm1, $0xb8;
	[tilespmem:$0x19000] =	vst v63  }
0xd1: {  	s3 =	simm.s32 @!p0 $0x10800;
	s2 =	rddreg [dreg:$0x5]  }
0xd2: {  	[tilespmem:s3], [sflag:$0x1] =	stream.indirect_vreg.gather @!p0 [hbm4b:s15+s0], $0x80, v6, vm1, $0xb8;
	[tilespmem:$0x19000] =	vst v63  }
0xd3: {  	s3 =	sadd.s32 s30, s2;
	s30 =	sadd.s32 $0x2000, s30  }
0xd4: {  	p0 =	sne.s32 s30, $0x14000  }
.Ltmp2:
0xd5: {  	_ = 	snop;
	(pc) =	sbr.rel @p0 .LBB2_6-.Ltmp2, $4  }
0xd6: {  	[hbm4b:s3+s4] =	stream.linear.scatter [tilespmem:s26], [sflag:$0x3], $0x8000, $0x38;
	[tilespmem:$0x19000] =	vst v63  }
0xd7: {  	_ =	swait.ge [sflag:s19], $0x8000  }
0xd8: {  	[sflag:s19] =	ssyncset.done $0x0  }
0xd9: {  	s17 =	sadd.s32 $0x20, s17;
	[sflag:s19] =	ssyncadd.s32 $0xFFFF8000  }
0xda: {  	s29 =	sadd.s32 $0x1, s29  }
0xdb: {  	p0 =	sne.s32 s29, s16  }
.Ltmp3:
0xdc: {  	_ = 	snop;
	(pc) =	sbr.rel @p0 .LBB2_1-.Ltmp3, $1  }
0xdd: {  	_ =	sdelay $0x3  }
0xde: {  	_ =	sfence.sel $0x180000  }
0xdf: {  	[bflag:$0x0] =	sbarrier.arrive $0xFFFF  }
0xe0: {  	_ =	strace $0x90000047  }
0xe1: {  	s0 =	stileid.u32;
	[bflag:$0x2] =	sbarrier.arrive $0xFFFF  }
0xe2: {  	p0 =	sne.s32 s0, $0x0;
	s0 =	rddreg [dreg:$0x3]  }
0xe3: {  	s0 =	sadd.s32 @!p0 $0x100000, s0  }
0xe4: {  	[sflag:s0] =	ssyncadd.tile.s32 @!p0 $0x1;
	_ =	shalt  }
.Lfunc_end2:
_tile_overlayer_lowered:
.L_overlay_start_2:
0xe5: {  	(tag) =	ssettag $0x2  }
0xe6: {  	s0 =	rddreg [dreg:$0x0];
	s2 =	stileid.u32  }
0xe7: {  	s1 =	rddreg [dreg:$0x1];
	p0 =	sne.s32 s2, $0x0  }
0xe8: {  	s3 =	rddreg [dreg:$0x2];
	[bflag:$0x3] =	sbarrier.arrive $0xFFFF;
	s2 =	simm.s32 @!p0 $0x1C03  }
0xe9: {  	[timem:s3], [sflag:s2] =	dma.local @!p0 [hbm:s0], s1  }
0xea: {  	s0 =	simm.s32 @!p0 $0x3  }
0xeb: {  	_ =	swait.ge @!p0 [sflag:s0], s1  }
0xec: {  	s1 =	ssub.s32 @!p0 $0x0, s1;
	[sflag:s0] =	ssyncset.done @!p0 $0x0  }
0xed: {  	[sflag:s0] =	ssyncadd.s32 @!p0 s1  }
0xee: {  	[bflag:$0x3] =	sbarrier.arrive $0xFFFF  }
0xef: {  	_ =	shalt  }

// kernel: kernel.13.cloned.1.call-start
scs
__scs_entry_jumppad:
0x0: {  	(pc) =	sbr.rel $0x88, $3  }
0x1: {  	(tag) =	ssettag $0x0;
	lr =	simm.s32 $0x1  }
0x2: {  	[smem:$0x3F96] =	sst lr;
	_ =	strace $0xD0000000  }
0x3: {  	_ = 	snop  }
0x4: {  	_ = 	snop  }
0x5: {  	_ = 	snop  }
0x6: {  	_ = 	snop  }
0x7: {  	_ = 	snop  }
__scs_overlays_trampoline_lowered:
0x8: {  	[smem:$0x3FA5] =	sst s0  }
0x9: {  	[smem:$0x3FA6] =	sst s1  }
0xa: {  	[smem:$0x3FA7] =	sst s2  }
0xb: {  	[smem:$0x3FA8] =	sst s3  }
0xc: {  	[smem:$0x3FA9] =	sst s4  }
0xd: {  	[smem:$0x3FAA] =	sst s5  }
0xe: {  	[smem:$0x3FAB] =	sst s6  }
0xf: {  	[smem:$0x3FAC] =	sst s7  }
0x10: {  	[smem:$0x3FAD] =	sst s8  }
0x11: {  	[smem:$0x3FAE] =	sst s9;
	s0 =	simm.s32 @!p0 $0x0  }
0x12: {  	s1 =	sld [smem:$0x3F94];
	s0 =	simm.s32 @p0 $0x1  }
0x13: {  	[smem:$0x3FAF] =	sst s0;
	s0 =	simm.s32 @!p1 $0x0  }
0x14: {  	s2 =	sld [smem:$0x3F93];
	s0 =	simm.s32 @p1 $0x1  }
0x15: {  	[smem:$0x3FB0] =	sst s0;
	s0 =	simm.s32 @!p2 $0x0  }
0x16: {  	s3 =	sld [smem:$0x3FDB];
	s0 =	simm.s32 @p2 $0x1  }
0x17: {  	s4 =	simm.s32 $0x1BF5;
	[smem:$0x3FB2] =	sst s0  }
0x18: {  	s0 =	sld [smem:$0x3F95];
	_ =	swait.ge [sflag:s4], $0x0  }
0x19: {  	s7 =	sld [smem:$0x3F96]  }
0x1a: {  	s8 =	sadd.s32 $0xFFFFE003, lr  }
0x1b: {  	s9 =	sadd.s32 $0xFFFFFEF7, lr;
	s5 =	simm.s32 $0xFFFFFFFF;
	p2 =	slt.u32 s8, $0xFFFFF086  }
0x1c: {  	p1 =	slt.u32 s9, $0xF7A;
	s5 =	simm.s32 @!p2 $0x0  }
0x1d: {  	s5 =	simm.s32 @p1 $0x1;
	p0 =	seq.s32 s7, s2  }
0x1e: {  	s7 =	smul.u32 @!p0 $0xF7A, s2;
	p2 =	seq.s32 @!p0 s5, $0x0  }
0x1f: {  	s9 =	smul.u32 $0xF7A, s1;
	s8 =	simm.s32 @!p0 $0x1BF5;
	p2 =	por !p2, p0  }
0x20: {  	[sflag:s8] =	ssyncset.s32 @!p0 $0xFFFFF086;
	s6 =	sadd.s32 @!p0 s3, s7;
	s7 =	simm.s32 @!p0 $0x108  }
0x21: {  	s3 =	sadd.s32 s3, s9;
	s6 =	sadd.s32 @!p0 $0x88, s6;
	s7 =	simm.s32 @p2 $0x1082  }
0x22: {  	[simem:s7], [sflag:s8] =	dma.local @!p0 [hbm:s6], $0xF7A  }
0x23: {  	s9 =	sor.u32 $0xD0000000, s2;
	s6 =	simm.s32 $0x108;
	_ =	swait.ge @!p0 [sflag:s8], $0x0  }
0x24: {  	s3 =	sadd.s32 $0x88, s3;
	s6 =	simm.s32 @!p1 $0x1082;
	[sflag:s4] =	ssyncset.s32 $0xFFFFF086  }
0x25: {  	[simem:s6], [sflag:s4] =	dma.local [hbm:s3], $0xF7A  }
0x26: {  	[smem:$0x3F96] =	sst s1;
	(tag) =	ssettag s2;
	_ =	strace s9  }
0x27: {  	s1 =	sld [smem:$0x3FA6]  }
0x28: {  	s2 =	sld [smem:$0x3FA7]  }
0x29: {  	s4 =	sld [smem:$0x3FA9]  }
0x2a: {  	p0 =	seq.s32 s5, $0x0;
	s5 =	sld [smem:$0x3FAA]  }
0x2b: {  	s6 =	sld [smem:$0x3FAB]  }
0x2c: {  	s7 =	sld [smem:$0x3FAC]  }
0x2d: {  	s3 =	simm.s32 $0x108;
	s8 =	sld [smem:$0x3FAD]  }
0x2e: {  	s3 =	simm.s32 @!p0 $0x1082;
	s9 =	sld [smem:$0x3FAE]  }
0x2f: {  	lr =	sadd.s32 s0, s3;
	s0 =	sld [smem:$0x3FA5]  }
0x30: {  	s3 =	sld [smem:$0x3FA8]  }
0x31: {  	[smem:$0x3FB1] =	sst s10  }
0x32: {  	s10 =	sld [smem:$0x3FAF];
	_ =	sdelay $0x3  }
0x33: {  	p0 =	seq.s32 s10, $0x1;
	s10 =	sld [smem:$0x3FB1];
	_ =	sdelay $0x3  }
0x34: {  	[smem:$0x3FB1] =	sst s10  }
0x35: {  	s10 =	sld [smem:$0x3FB0];
	_ =	sdelay $0x3  }
0x36: {  	p1 =	seq.s32 s10, $0x1;
	s10 =	sld [smem:$0x3FB1];
	_ =	sdelay $0x3  }
0x37: {  	[smem:$0x3FB1] =	sst s10  }
0x38: {  	s10 =	sld [smem:$0x3FB2]  }
0x39: {  	_ = 	snop;
	(pc) =	sbr.ind lr, $3  }
0x3a: {  	_ = 	snop  }
0x3b: {  	_ = 	snop  }
0x3c: {  	p2 =	seq.s32 s10, $0x1;
	s10 =	sld [smem:$0x3FB1]  }
0x3d: {  	_ =	shalt  }
0x3e: {  	_ =	shalt  }
0x3f: {  	_ =	shalt  }
0x40: {  	_ =	shalt  }
0x41: {  	_ =	shalt  }
0x42: {  	_ =	shalt  }
0x43: {  	_ =	shalt  }
0x44: {  	_ =	shalt  }
0x45: {  	_ =	shalt  }
0x46: {  	_ =	shalt  }
0x47: {  	_ =	shalt  }
0x48: {  	_ =	shalt  }
0x49: {  	_ =	shalt  }
0x4a: {  	_ =	shalt  }
0x4b: {  	_ =	shalt  }
0x4c: {  	_ =	shalt  }
0x4d: {  	_ =	shalt  }
0x4e: {  	_ =	shalt  }
0x4f: {  	_ =	shalt  }
0x50: {  	_ =	shalt  }
0x51: {  	_ =	shalt  }
0x52: {  	_ =	shalt  }
0x53: {  	_ =	shalt  }
0x54: {  	_ =	shalt  }
0x55: {  	_ =	shalt  }
0x56: {  	_ =	shalt  }
0x57: {  	_ =	shalt  }
0x58: {  	_ =	shalt  }
0x59: {  	_ =	shalt  }
0x5a: {  	_ =	shalt  }
0x5b: {  	_ =	shalt  }
0x5c: {  	_ =	shalt  }
0x5d: {  	_ =	shalt  }
0x5e: {  	_ =	shalt  }
0x5f: {  	_ =	shalt  }
0x60: {  	_ =	shalt  }
0x61: {  	_ =	shalt  }
0x62: {  	_ =	shalt  }
0x63: {  	_ =	shalt  }
0x64: {  	_ =	shalt  }
0x65: {  	_ =	shalt  }
0x66: {  	_ =	shalt  }
0x67: {  	_ =	shalt  }
0x68: {  	_ =	shalt  }
0x69: {  	_ =	shalt  }
0x6a: {  	_ =	shalt  }
0x6b: {  	_ =	shalt  }
0x6c: {  	_ =	shalt  }
0x6d: {  	_ =	shalt  }
0x6e: {  	_ =	shalt  }
0x6f: {  	_ =	shalt  }
0x70: {  	_ =	shalt  }
0x71: {  	_ =	shalt  }
0x72: {  	_ =	shalt  }
0x73: {  	_ =	shalt  }
0x74: {  	_ =	shalt  }
0x75: {  	_ =	shalt  }
0x76: {  	_ =	shalt  }
0x77: {  	_ =	shalt  }
0x78: {  	_ =	shalt  }
0x79: {  	_ =	shalt  }
0x7a: {  	_ =	shalt  }
0x7b: {  	_ =	shalt  }
0x7c: {  	_ =	shalt  }
0x7d: {  	_ =	shalt  }
0x7e: {  	_ =	shalt  }
0x7f: {  	_ =	shalt  }
0x80: {  	_ =	shalt  }
0x81: {  	_ =	shalt  }
0x82: {  	_ =	shalt  }
0x83: {  	_ =	shalt  }
0x84: {  	_ =	shalt  }
0x85: {  	_ =	shalt  }
0x86: {  	_ =	shalt  }
0x87: {  	_ =	shalt  }
.Lfunc_end0:
.L_simem_size_0:
called_computation.1_lowered:
.L_overlay_start_0:
0x88: {  	s2 =	sld [smem:$0x3FD9]  }
0x89: {  	s3 =	sld [smem:$0x3FFE];
	_ =	sdelay $0x1  }
0x8a: {  	s1 =	srdreg.scid  }
0x8b: {  	s0 =	sand.u32 $0x1, s1  }
0x8c: {  	s17 =	sshll.u32 s0, $0xA;
	s2 =	sadd.s32 s3, s2  }
0x8d: {  	s2 =	sadd.s32 s2, s17  }
0x8e: {  	[smem:$0x3FBD] =	sst s2  }
0x8f: {  	_ = 	snop  }
0x90: {  	s2 =	sld [smem:$0x3FD0];
	(tm) =	ssettm $0x1  }
0x91: {  	s18 =	sld [smem:$0x3FFB];
	_ =	sdelay $0x3  }
0x92: {  	_ =	strace s18  }
0x93: {  	s3 =	sld [smem:$0x3FFC];
	_ =	sdelay $0x3  }
0x94: {  	_ =	strace s3  }
0x95: {  	s3 =	sld [smem:$0x3FFD];
	_ =	sdelay $0x3  }
0x96: {  	_ =	strace s3  }
0x97: {  	_ =	strace $0x8FFFFFFF  }
0x98: {  	s19 =	sld [smem:$0x3FDB];
	_ =	sdelay $0x1  }
0x99: {  	s4 =	simm.s32 $_scs_section_size  }
0x9a: {  	s5 =	simm.s32 $_size__tile_overlayer_lowered;
	s6 =	simm.s32 $_tile_overlayer_lowered  }
0x9b: {  	s22 =	simm.s32 $0x1BFF;
	s21 =	sshll.u32 s6, $0x1;
	s3 =	sadd.s32 s4, s19  }
0x9c: {  	s7 =	simm.s32 $0x0;
	s20 =	sshll.u32 s5, $0x1;
	s5 =	sadd.s32 s21, s3  }
0x9d: {  	[timem:s7], [sflag:s22] =	dma.local [hbm:s5], s20  }
0x9e: {  	_ =	swait.ge [sflag:s22], s20  }
0x9f: {  	s4 =	ssub.s32 $0x0, s20;
	[sflag:s22] =	ssyncset.done $0x0  }
0xa0: {  	[sflag:s22] =	ssyncadd.s32 s4;
	_ =	sdelay $0x1  }
0xa1: {  	s23 =	simm.s32 $0x1B8B  }
0xa2: {  	_ =	swait.ge [sflag:s23], $0x1  }
0xa3: {  	[sflag:s23] =	ssyncset.done $0x0  }
0xa4: {  	s25 =	simm.s32 $0x1B8E;
	s24 =	sld [smem:$0x3FFE];
	[sflag:s23] =	ssyncadd.s32 $0xFFFFFFFF  }
0xa5: {  	s26 =	simm.s32 $execute0_lowered;
	[smem:$0x3FD2] =	sst s25  }
0xa6: {  	s5 =	sshll.u32 s26, $0x1;
	_ =	strace $0x80000049;
	[dreg:$0x1] =	wrdreg $0xFFFFFFFF  }
0xa7: {  	s28 =	simm.s32 $_size_execute0_lowered;
	s3 =	sadd.s32 s3, s5;
	[dreg:$0x0] =	wrdreg $0x0  }
0xa8: {  	s5 =	sshll.u32 s28, $0x1;
	[dreg:$0x2] =	wrdreg s3  }
0xa9: {  	[dreg:$0x3] =	wrdreg s5  }
0xaa: {  	[dreg:$0x4] =	wrdreg $0xC0  }
0xab: {  	_ =	task [dreg:s7], $0x5FFFF  }
0xac: {  	[dreg:$0x1] =	wrdreg $0xFFFFFFFF  }
0xad: {  	[dreg:$0x0] =	wrdreg $0x60  }
0xae: {  	[dreg:$0x2] =	wrdreg s24  }
0xaf: {  	[dreg:$0x3] =	wrdreg s2  }
0xb0: {  	[dreg:$0x4] =	wrdreg $0x9  }
0xb1: {  	_ =	task.clear_ibuf [dreg:s7], $0x5FFFF;
	_ =	strace $0x90000049  }
0xb2: {  	s29 =	simm.s32 $0x9;
	_ =	strace $0x8000004B  }
0xb3: {  	_ =	swait.ge [sflag:s29], $0x1  }
0xb4: {  	[sflag:s29] =	ssyncadd.s32 $0xFFFFFFFF  }
0xb5: {  	_ =	strace $0x9000004B  }
0xb6: {  	_ =	sfence  }
0xb7: {  	s30 =	sld [smem:$0x0];
	_ =	sdelay $0x2  }
0xb8: {  	s31 =	sshll.u32 s1, $0xD;
	s1 =	sshrl.u32 s1, $0x2  }
0xb9: {  	s3 =	sand.u32 $0x4000, s31;
	s1 =	sadd.s32 s1, s30  }
0xba: {  	s0 =	sor.u32 s3, s0;
	s1 =	sshll.u32 s1, $0x11  }
0xbb: {  	s0 =	sor.u32 s1, s0  }
0xbc: {  	s0 =	sadd.s32 $0x8F2B, s0  }
0xbd: {  	[sflag:s0] =	ssyncadd.remote.s32 $0x1  }
0xbe: {  	_ =	sfence.sel $0xFFFF  }
0xbf: {  	[dreg:$0x0] =	wrdreg $0xFFFFFFFF;
	(pc) =	sbr.abs _section_cstart, $3  }
0xc0: {  	[dreg:$0x1] =	wrdreg $0xFFFFFFFF  }
0xc1: {  	_ =	task.clear_ibuf [dreg:s7], $0x2FFFF;
	_ =	strace $0x9FFFFFFF  }
0xc2: {  	(tm) =	ssettm $0x7FFFFFFF  }
0xc3: {  	_ =	shalt  }
tec
execute0_lowered:
.L_overlay_start_1:
0x0: {  	(tag) =	ssettag $0x1  }
0x1: {  	s0 =	srdreg.scid  }
0x2: {  	s1 =	rddreg [dreg:$0x0];
	s2 =	stileid.u32  }
0x3: {  	s7 =	rddreg [dreg:$0x1];
	s3 =	simm.s32 $0x0;
	s19 =	simm.s32 $0x3  }
0x4: {  	s28 =	simm.s32 $0xC100;
	s29 =	simm.s32 $0x2;
	s5 =	sadd.s32 $0x6A2C00, s1  }
0x5: {  	s0 =	sand.u32 $0x1, s0;
	s8 =	sadd.s32 $0x6A2D00, s1;
	s9 =	sadd.s32 $0x6A2E00, s1  }
0x6: {  	s2 =	sshll.u32 s2, $0x8;
	s10 =	sadd.s32 $0x6A2F00, s1;
	s11 =	sadd.s32 $0x6A3100, s1  }
0x7: {  	[smem:$0x7FF] =	sst s3;
	s12 =	sadd.s32 $0x6A3000, s1;
	s13 =	sadd.s32 $0x6A3200, s1  }
0x8: {  	s15 =	sadd.s32 $0x6A3300, s1;
	s4 =	sshll.u32 s0, $0x7;
	s0 =	ssub.s32 $0x2, s0  }
0x9: {  	_ =	strace $0x8000004A;
	s2 =	sor.u32 s4, s2;
	s30 =	sshrl.u32 s0, $0x1  }
0xa: {  	s4 =	sshrl.u32 s2, $0x3;
	s0 =	ssub.s32 s0, s30;
	s14 =	sadd.s32 $0x2800, s2  }
0xb: {  	[dreg:$0x3] =	wrdreg s4;
	s6 =	sadd.s32 s4, s1;
	s0 =	smax.u32 s0, $0x1  }
0xc: {  	s2 =	sshll.u32 s2, $0x8;
	s4 =	sadd.s32 $0x6A2A00, s6;
	[dreg:$0x7] =	wrdreg s0  }
0xd: {  	v0 =	vlaneseq.u32;
	s31 =	sshll.u32 s14, $0x8;
	s26 =	sadd.s32 $0x6A2800, s6;
	[dreg:$0x4] =	wrdreg s4  }
0xe: {  	v1 =	vshrl.u32 v0, $0x3;
	s17 =	sadd.s32 s7, s2;
	s1 =	sadd.s32 s5, s31;
	[dreg:$0x5] =	wrdreg s26  }
0xf: {  	vm0 =	vmmov $0xffff;
	v0 =	vand.u32 $0x7, v0;
	v1 =	vmul.u32 $0x8, v1;
	[dreg:$0x6] =	wrdreg s1;
	s26 =	simm.s32 $0x1;
	s1 =	simm.s32 $0x0  }
.LBB2_1:
0x10: {  	[dreg:$0x8] =	wrdreg s1  }
0x11: {  	s0 =	rddreg [dreg:$0x4]  }
0x12: {  	[tilespmem:s3], [sflag:$0x3] =	stream.linear.gather [hbm4b:s0+s3], $0x80, $0x38;
	[tilespmem:$0x18100] =	vst v63  }
0x13: {  	_ =	swait.ge [sflag:s19], $0x80  }
0x14: {  	[sflag:s19] =	ssyncset.done $0x0  }
0x15: {  	s22 =	simm.s32 $0x80;
	s21 =	rddreg [dreg:$0x5];
	[sflag:s19] =	ssyncadd.s32 $0xFFFFFF80  }
0x16: {  	[tilespmem:s22], [sflag:$0x3] =	stream.linear.gather [hbm4b:s21+s3], $0x80, $0x38;
	[tilespmem:$0x18100] =	vst v63  }
0x17: {  	_ =	swait.ge [sflag:s19], $0x80  }
0x18: {  	[sflag:s19] =	ssyncset.done $0x0  }
0x19: {  	[sflag:s19] =	ssyncadd.s32 $0xFFFFFF80  }
0x1a: {  	v2 =	vld.msk [tilespmem:$0x0], $0xff;
	_ =	sdelay $0x4  }
0x1b: {  	v3 =	vshll.u32 v2, $0x4  }
0x1c: {  	v2 =	vand.u32 $0x7, v2;
	v3 =	vand.u32 $0xFFFFFF80, v3  }
0x1d: {  	v2 =	vor.u32 v2, v3  }
0x1e: {  	v2 =	vperm.xlane v2, v0;
	_ =	sdelay $0x1  }
0x1f: {  	v2 =	vadd.s32 v1, v2;
	_ =	sdelay $0x3  }
0x20: {  	s23 =	simm.s32 $0x100  }
0x21: {  	[tilespmem:s23], [sflag:$0x1] =	stream.indirect_vreg.gather [hbm4b:s5+s3], $0x80, v2, vm0, $0xb8;
	[tilespmem:$0x18100] =	vst v63  }
0x22: {  	s24 =	simm.s32 $0x900  }
0x23: {  	[tilespmem:s24], [sflag:$0x1] =	stream.indirect_vreg.gather [hbm4b:s8+s3], $0x80, v2, vm0, $0xb8;
	[tilespmem:$0x18100] =	vst v63  }
0x24: {  	s25 =	simm.s32 $0x1100  }
0x25: {  	[tilespmem:s25], [sflag:$0x1] =	stream.indirect_vreg.gather [hbm4b:s9+s3], $0x80, v2, vm0, $0xb8;
	[tilespmem:$0x18100] =	vst v63  }
0x26: {  	s31 =	simm.s32 $0x1900  }
0x27: {  	[tilespmem:s31], [sflag:$0x1] =	stream.indirect_vreg.gather [hbm4b:s10+s3], $0x80, v2, vm0, $0xb8;
	[tilespmem:$0x18100] =	vst v63  }
0x28: {  	s1 =	simm.s32 $0x2100  }
0x29: {  	[tilespmem:s1], [sflag:$0x1] =	stream.indirect_vreg.gather [hbm4b:s12+s3], $0x80, v2, vm0, $0xb8;
	[tilespmem:$0x18100] =	vst v63  }
0x2a: {  	s2 =	simm.s32 $0x2900  }
0x2b: {  	[tilespmem:s2], [sflag:$0x1] =	stream.indirect_vreg.gather [hbm4b:s11+s3], $0x80, v2, vm0, $0xb8;
	[tilespmem:$0x18100] =	vst v63  }
0x2c: {  	s4 =	simm.s32 $0x3100  }
0x2d: {  	[tilespmem:s4], [sflag:$0x1] =	stream.indirect_vreg.gather [hbm4b:s13+s3], $0x80, v2, vm0, $0xb8;
	[tilespmem:$0x18100] =	vst v63  }
0x2e: {  	s6 =	simm.s32 $0x3900  }
0x2f: {  	[tilespmem:s6], [sflag:$0x1] =	stream.indirect_vreg.gather [hbm4b:s15+s3], $0x80, v2, vm0, $0xb8;
	[tilespmem:$0x18100] =	vst v63  }
0x30: {  	v2 =	vld.msk [tilespmem:$0x80], $0xff;
	_ =	sdelay $0x4  }
0x31: {  	v3 =	vshll.u32 v2, $0x4  }
0x32: {  	v2 =	vand.u32 $0x7, v2;
	v3 =	vand.u32 $0xFFFFFF80, v3  }
0x33: {  	v2 =	vor.u32 v2, v3  }
0x34: {  	v2 =	vperm.xlane v2, v0;
	_ =	sdelay $0x1  }
0x35: {  	v2 =	vadd.s32 v1, v2;
	_ =	sdelay $0x3  }
0x36: {  	s7 =	simm.s32 $0x4100  }
0x37: {  	[tilespmem:s7], [sflag:$0x1] =	stream.indirect_vreg.gather [hbm4b:s5+s3], $0x80, v2, vm0, $0xb8;
	[tilespmem:$0x18100] =	vst v63  }
0x38: {  	s16 =	simm.s32 $0x4900  }
0x39: {  	[tilespmem:s16], [sflag:$0x1] =	stream.indirect_vreg.gather [hbm4b:s8+s3], $0x80, v2, vm0, $0xb8;
	[tilespmem:$0x18100] =	vst v63  }
0x3a: {  	s18 =	simm.s32 $0x5100  }
0x3b: {  	[tilespmem:s18], [sflag:$0x1] =	stream.indirect_vreg.gather [hbm4b:s9+s3], $0x80, v2, vm0, $0xb8;
	[tilespmem:$0x18100] =	vst v63  }
0x3c: {  	s20 =	simm.s32 $0x5900  }
0x3d: {  	[tilespmem:s20], [sflag:$0x1] =	stream.indirect_vreg.gather [hbm4b:s10+s3], $0x80, v2, vm0, $0xb8;
	[tilespmem:$0x18100] =	vst v63  }
0x3e: {  	s21 =	simm.s32 $0x6100  }
0x3f: {  	[tilespmem:s21], [sflag:$0x1] =	stream.indirect_vreg.gather [hbm4b:s12+s3], $0x80, v2, vm0, $0xb8;
	[tilespmem:$0x18100] =	vst v63  }
0x40: {  	s22 =	simm.s32 $0x6900  }
0x41: {  	[tilespmem:s22], [sflag:$0x1] =	stream.indirect_vreg.gather [hbm4b:s11+s3], $0x80, v2, vm0, $0xb8;
	[tilespmem:$0x18100] =	vst v63  }
0x42: {  	s23 =	simm.s32 $0x7100  }
0x43: {  	[tilespmem:s23], [sflag:$0x1] =	stream.indirect_vreg.gather [hbm4b:s13+s3], $0x80, v2, vm0, $0xb8;
	[tilespmem:$0x18100] =	vst v63  }
0x44: {  	s24 =	simm.s32 $0x7900  }
0x45: {  	[tilespmem:s24], [sflag:$0x1] =	stream.indirect_vreg.gather [hbm4b:s15+s3], $0x80, v2, vm0, $0xb8;
	[tilespmem:$0x18100] =	vst v63  }
0x46: {  	s30 =	simm.s32 $0x0;
	s25 =	rddreg [dreg:$0x6];
	s31 =	simm.s32 $0x8100  }
0x47: {  	[tilespmem:s31], [sflag:$0x1] =	stream.linear.gather [hbm4b:s25+s3], $0x4000, $0x38;
	[tilespmem:$0x18100] =	vst v63  }
.LBB2_2:
0x48: {  	_ =	swait.ge [sflag:s26], $0x4000  }
0x49: {  	[sflag:s26] =	ssyncset.done $0x0  }
0x4a: {  	[sflag:s26] =	ssyncadd.s32 $0xFFFFC000  }
0x4b: {  	_ =	swait.ge [sflag:s26], $0x4000  }
0x4c: {  	[sflag:s26] =	ssyncset.done $0x0  }
0x4d: {  	[sflag:s26] =	ssyncadd.s32 $0xFFFFC000  }
0x4e: {  	_ =	swait.ge [sflag:s26], $0x4000  }
0x4f: {  	s31 =	sshllo.u32 s30, $0x1;
	[sflag:s26] =	ssyncset.done $0x0  }
0x50: {  	s0 =	sshll.u32 s31, $0x3;
	[sflag:s26] =	ssyncadd.s32 $0xFFFFC000  }
0x51: {  	v2 =	vld.msk [tilespmem:s0+$0x0], $0xff;
	_ =	sdelay $0x4  }
0x52: {  	v3 =	vshll.u32 v2, $0x4  }
0x53: {  	v2 =	vand.u32 $0x7, v2;
	v3 =	vand.u32 $0xFFFFFF80, v3  }
0x54: {  	v2 =	vor.u32 v2, v3  }
0x55: {  	v2 =	vperm.xlane v2, v0;
	_ =	sdelay $0x1  }
0x56: {  	v2 =	vadd.s32 v1, v2;
	_ =	sdelay $0x3  }
0x57: {  	s1 =	simm.s32 $0x0  }
0x58: {  	[tilespmem:s28], [sflag:$0x2] =	stream.indirect_vreg.gather [hbm4b:s5+s1], $0x80, v2, vm0, $0xb8;
	[tilespmem:$0x18100] =	vst v63  }
0x59: {  	s2 =	simm.s32 $0xC900  }
0x5a: {  	[tilespmem:s2], [sflag:$0x2] =	stream.indirect_vreg.gather [hbm4b:s8+s1], $0x80, v2, vm0, $0xb8;
	[tilespmem:$0x18100] =	vst v63  }
0x5b: {  	s22 =	simm.s32 $0xD100  }
0x5c: {  	[tilespmem:s22], [sflag:$0x2] =	stream.indirect_vreg.gather [hbm4b:s9+s1], $0x80, v2, vm0, $0xb8;
	[tilespmem:$0x18100] =	vst v63  }
0x5d: {  	s23 =	simm.s32 $0xD900  }
0x5e: {  	[tilespmem:s23], [sflag:$0x2] =	stream.indirect_vreg.gather [hbm4b:s10+s1], $0x80, v2, vm0, $0xb8;
	[tilespmem:$0x18100] =	vst v63  }
0x5f: {  	s24 =	simm.s32 $0xE100  }
0x60: {  	[tilespmem:s24], [sflag:$0x2] =	stream.indirect_vreg.gather [hbm4b:s12+s1], $0x80, v2, vm0, $0xb8;
	[tilespmem:$0x18100] =	vst v63  }
0x61: {  	s25 =	simm.s32 $0xE900  }
0x62: {  	[tilespmem:s25], [sflag:$0x2] =	stream.indirect_vreg.gather [hbm4b:s11+s1], $0x80, v2, vm0, $0xb8;
	[tilespmem:$0x18100] =	vst v63  }
0x63: {  	s4 =	simm.s32 $0xF100  }
0x64: {  	[tilespmem:s4], [sflag:$0x2] =	stream.indirect_vreg.gather [hbm4b:s13+s1], $0x80, v2, vm0, $0xb8;
	[tilespmem:$0x18100] =	vst v63  }
0x65: {  	s6 =	simm.s32 $0xF900  }
0x66: {  	[tilespmem:s6], [sflag:$0x2] =	stream.indirect_vreg.gather [hbm4b:s15+s1], $0x80, v2, vm0, $0xb8;
	[tilespmem:$0x18100] =	vst v63  }
0x67: {  	v2 =	vld.msk [tilespmem:s0+$0x80], $0xff;
	_ =	sdelay $0x4  }
0x68: {  	v3 =	vshll.u32 v2, $0x4  }
0x69: {  	v2 =	vand.u32 $0x7, v2;
	v3 =	vand.u32 $0xFFFFFF80, v3  }
0x6a: {  	v2 =	vor.u32 v2, v3  }
0x6b: {  	v2 =	vperm.xlane v2, v0;
	_ =	sdelay $0x1  }
0x6c: {  	v2 =	vadd.s32 v1, v2;
	_ =	sdelay $0x3  }
0x6d: {  	s7 =	simm.s32 $0x10100  }
0x6e: {  	[tilespmem:s7], [sflag:$0x2] =	stream.indirect_vreg.gather [hbm4b:s5+s1], $0x80, v2, vm0, $0xb8;
	[tilespmem:$0x18100] =	vst v63  }
0x6f: {  	s16 =	simm.s32 $0x10900  }
0x70: {  	[tilespmem:s16], [sflag:$0x2] =	stream.indirect_vreg.gather [hbm4b:s8+s1], $0x80, v2, vm0, $0xb8;
	[tilespmem:$0x18100] =	vst v63  }
0x71: {  	s18 =	simm.s32 $0x11100  }
0x72: {  	[tilespmem:s18], [sflag:$0x2] =	stream.indirect_vreg.gather [hbm4b:s9+s1], $0x80, v2, vm0, $0xb8;
	[tilespmem:$0x18100] =	vst v63  }
0x73: {  	s20 =	simm.s32 $0x11900  }
0x74: {  	[tilespmem:s20], [sflag:$0x2] =	stream.indirect_vreg.gather [hbm4b:s10+s1], $0x80, v2, vm0, $0xb8;
	[tilespmem:$0x18100] =	vst v63  }
0x75: {  	s21 =	simm.s32 $0x12100  }
0x76: {  	[tilespmem:s21], [sflag:$0x2] =	stream.indirect_vreg.gather [hbm4b:s12+s1], $0x80, v2, vm0, $0xb8;
	[tilespmem:$0x18100] =	vst v63  }
0x77: {  	s22 =	simm.s32 $0x12900  }
0x78: {  	[tilespmem:s22], [sflag:$0x2] =	stream.indirect_vreg.gather [hbm4b:s11+s1], $0x80, v2, vm0, $0xb8;
	[tilespmem:$0x18100] =	vst v63  }
0x79: {  	s23 =	simm.s32 $0x13100;
	s0 =	sadd.s32 s14, s0  }
0x7a: {  	[tilespmem:s23], [sflag:$0x2] =	stream.indirect_vreg.gather [hbm4b:s13+s1], $0x80, v2, vm0, $0xb8;
	[tilespmem:$0x18100] =	vst v63  }
0x7b: {  	s24 =	simm.s32 $0x13900;
	s0 =	sshll.u32 s0, $0x8  }
0x7c: {  	[tilespmem:s24], [sflag:$0x2] =	stream.indirect_vreg.gather [hbm4b:s15+s1], $0x80, v2, vm0, $0xb8;
	[tilespmem:$0x18100] =	vst v63  }
0x7d: {  	s25 =	simm.s32 $0x14100;
	s0 =	sadd.s32 s5, s0  }
0x7e: {  	[tilespmem:s25], [sflag:$0x2] =	stream.linear.gather [hbm4b:s0+s1], $0x4000, $0x38;
	[tilespmem:$0x18100] =	vst v63  }
0x7f: {  	s0 =	simm.s32 $0x0  }
.LBB2_3:
0x80: {  	s20 =	sshll.u32 s0, $0x7;
	s6 =	sand.u32 $0x40, s1  }
0x81: {  	s7 =	sand.u32 $0x3C00, s1;
	s16 =	sor.u32 s20, s6  }
0x82: {  	s16 =	sor.u32 s7, s16  }
0x83: {  	v2 =	vld [tilespmem:s16+$0x100]  }
0x84: {  	v3 =	vld [tilespmem:s16+$0x4100];
	_ =	sdelay $0x1  }
0x85: {  	v4 =	vld [tilespmem:s16+$0x8100];
	_ =	sdelay $0x2  }
0x86: {  	v2 =	vadd.f32 v3, v2;
	_ =	sdelay $0x1  }
0x87: {  	s22 =	sor.u32 $0x10, s20;
	v2 =	vadd.f32 v4, v2  }
0x88: {  	s23 =	sor.u32 s22, s6  }
0x89: {  	s21 =	sor.u32 s7, s23;
	[tilespmem:s16+$0x100] =	vst v2  }
0x8a: {  	v2 =	vld [tilespmem:s21+$0x100]  }
0x8b: {  	v3 =	vld [tilespmem:s21+$0x4100];
	_ =	sdelay $0x1  }
0x8c: {  	v4 =	vld [tilespmem:s21+$0x8100];
	_ =	sdelay $0x2  }
0x8d: {  	v2 =	vadd.f32 v3, v2;
	_ =	sdelay $0x1  }
0x8e: {  	s23 =	sor.u32 $0x20, s20;
	v2 =	vadd.f32 v4, v2  }
0x8f: {  	s24 =	sor.u32 s23, s6  }
0x90: {  	s25 =	sor.u32 s7, s24;
	[tilespmem:s21+$0x100] =	vst v2  }
0x91: {  	v2 =	vld [tilespmem:s25+$0x100]  }
0x92: {  	v3 =	vld [tilespmem:s25+$0x4100];
	_ =	sdelay $0x1  }
0x93: {  	v4 =	vld [tilespmem:s25+$0x8100];
	_ =	sdelay $0x2  }
0x94: {  	v2 =	vadd.f32 v3, v2;
	_ =	sdelay $0x1  }
0x95: {  	s24 =	sor.u32 $0x30, s20;
	v2 =	vadd.f32 v4, v2  }
0x96: {  	s6 =	sor.u32 s24, s6  }
0x97: {  	s16 =	sor.u32 s7, s6;
	[tilespmem:s25+$0x100] =	vst v2  }
0x98: {  	v3 =	vld [tilespmem:s16+$0x100]  }
0x99: {  	v4 =	vld [tilespmem:s16+$0x4100]  }
0x9a: {  	s6 =	simm.s32 $0x0;
	s25 =	simm.s32 $0x40;
	v2 =	vld [tilespmem:s16+$0x8100]  }
.LBB2_4:
0x9b: {  	_ = 	snop  }
0x9c: {  	p0 =	sne.s32 s25, $0x7C0  }
0x9d: {  	s6 =	sadd.s32 $0x200, s6;
	s7 =	smov.u32 s25;
	s25 =	sadd.s32 $0x40, s25  }
0x9e: {  	v3 =	vadd.f32 v4, v3  }
0x9f: {  	s18 =	sand.u32 $0x40, s7  }
0xa0: {  	s7 =	sand.u32 $0x3C00, s6;
	s2 =	sor.u32 s20, s18;
	s21 =	sor.u32 s22, s18;
	v2 =	vadd.f32 v2, v3  }
0xa1: {  	s4 =	sor.u32 s23, s18;
	s18 =	sor.u32 s24, s18;
	s2 =	sor.u32 s7, s2  }
0xa2: {  	[tilespmem:s16+$0x100] =	vst v2  }
0xa3: {  	v2 =	vld [tilespmem:s2+$0x100]  }
0xa4: {  	v3 =	vld [tilespmem:s2+$0x4100];
	_ =	sdelay $0x1  }
0xa5: {  	v4 =	vld [tilespmem:s2+$0x8100];
	_ =	sdelay $0x2  }
0xa6: {  	v2 =	vadd.f32 v3, v2;
	_ =	sdelay $0x1  }
0xa7: {  	v2 =	vadd.f32 v4, v2;
	_ =	sdelay $0x1  }
0xa8: {  	[tilespmem:s2+$0x100] =	vst v2;
	s2 =	sor.u32 s7, s21  }
0xa9: {  	v2 =	vld [tilespmem:s2+$0x100]  }
0xaa: {  	v3 =	vld [tilespmem:s2+$0x4100];
	_ =	sdelay $0x1  }
0xab: {  	v4 =	vld [tilespmem:s2+$0x8100];
	_ =	sdelay $0x2  }
0xac: {  	v2 =	vadd.f32 v3, v2;
	_ =	sdelay $0x1  }
0xad: {  	v2 =	vadd.f32 v4, v2;
	_ =	sdelay $0x1  }
0xae: {  	[tilespmem:s2+$0x100] =	vst v2;
	s2 =	sor.u32 s7, s4  }
0xaf: {  	v2 =	vld [tilespmem:s2+$0x100]  }
0xb0: {  	v3 =	vld [tilespmem:s2+$0x4100];
	_ =	sdelay $0x1  }
0xb1: {  	v4 =	vld [tilespmem:s2+$0x8100];
	_ =	sdelay $0x2  }
0xb2: {  	v2 =	vadd.f32 v3, v2;
	_ =	sdelay $0x1  }
0xb3: {  	v2 =	vadd.f32 v4, v2  }
.Ltmp0:
0xb4: {  	(pc) =	sbr.rel @p0 .LBB2_4-.Ltmp0, $4  }
0xb5: {  	s16 =	sor.u32 s7, s18;
	[tilespmem:s2+$0x100] =	vst v2  }
0xb6: {  	v3 =	vld [tilespmem:s16+$0x100]  }
0xb7: {  	v4 =	vld [tilespmem:s16+$0x4100]  }
0xb8: {  	v2 =	vld [tilespmem:s16+$0x8100]  }
0xb9: {  	_ = 	snop  }
0xba: {  	s0 =	sadd.s32 $0x1, s0  }
0xbb: {  	p0 =	sne.s32 s0, $0x8  }
.Ltmp1:
0xbc: {  	v3 =	vadd.f32 v4, v3;
	(pc) =	sbr.rel @p0 .LBB2_3-.Ltmp1, $3  }
0xbd: {  	_ = 	snop  }
0xbe: {  	v2 =	vadd.f32 v2, v3;
	_ =	sdelay $0x1  }
0xbf: {  	[tilespmem:s16+$0x100] =	vst v2  }
0xc0: {  	s0 =	sshll.u32 s30, $0xC  }
0xc1: {  	s1 =	simm.s32 $0x100;
	s0 =	sadd.s32 s0, s17  }
0xc2: {  	[hbm4b:s0+s3] =	stream.linear.scatter [tilespmem:s1], [sflag:$0x3], $0x4000, $0x38;
	[tilespmem:$0x18100] =	vst v63  }
0xc3: {  	_ =	swait.ge [sflag:s19], $0x4000  }
0xc4: {  	[sflag:s19] =	ssyncset.done $0x0  }
0xc5: {  	[sflag:s19] =	ssyncadd.s32 $0xFFFFC000  }
0xc6: {  	_ =	swait.ge [sflag:s29], $0x4000  }
0xc7: {  	[sflag:s29] =	ssyncset.done $0x0  }
0xc8: {  	[sflag:s29] =	ssyncadd.s32 $0xFFFFC000  }
0xc9: {  	_ =	swait.ge [sflag:s29], $0x4000  }
0xca: {  	[sflag:s29] =	ssyncset.done $0x0  }
0xcb: {  	[sflag:s29] =	ssyncadd.s32 $0xFFFFC000  }
0xcc: {  	_ =	swait.ge [sflag:s29], $0x4000  }
0xcd: {  	p0 =	seq.s32 s30, $0x7;
	[sflag:s29] =	ssyncset.done $0x0  }
0xce: {  	s0 =	sshll.u32 @!p0 s30, $0x4;
	[sflag:s29] =	ssyncadd.s32 $0xFFFFC000  }
0xcf: {  	v2 =	vld.msk @!p0 [tilespmem:s0+$0x10], $0xff;
	_ =	sdelay $0x4  }
0xd0: {  	v3 =	vshll.u32 @!p0 v2, $0x4  }
0xd1: {  	v4 =	vlaneseq.u32 @!p0;
	v2 =	vand.u32 @!p0 $0x7, v2;
	v3 =	vand.u32 @!p0 $0xFFFFFF80, v3  }
0xd2: {  	v2 =	vor.u32 @!p0 v2, v3;
	v3 =	vand.u32 @!p0 $0x7, v4;
	v4 =	vshrl.u32 @!p0 v4, $0x3  }
0xd3: {  	v2 =	vperm.xlane @!p0 v2, v3;
	v4 =	vmul.u32 @!p0 $0x8, v4;
	_ =	sdelay $0x1  }
0xd4: {  	v2 =	vadd.s32 @!p0 v4, v2;
	_ =	sdelay $0x3  }
0xd5: {  	vm1 =	vmmov @!p0 $0xffff;
	s2 =	simm.s32 @!p0 $0x100;
	s1 =	simm.s32 @!p0 $0x0  }
0xd6: {  	[tilespmem:s2], [sflag:$0x1] =	stream.indirect_vreg.gather @!p0 [hbm4b:s5+s1], $0x80, v2, vm1, $0xb8;
	[tilespmem:$0x18100] =	vst v63  }
0xd7: {  	s2 =	simm.s32 @!p0 $0x900  }
0xd8: {  	[tilespmem:s2], [sflag:$0x1] =	stream.indirect_vreg.gather @!p0 [hbm4b:s8+s1], $0x80, v2, vm1, $0xb8;
	[tilespmem:$0x18100] =	vst v63  }
0xd9: {  	s2 =	simm.s32 @!p0 $0x1100  }
0xda: {  	[tilespmem:s2], [sflag:$0x1] =	stream.indirect_vreg.gather @!p0 [hbm4b:s9+s1], $0x80, v2, vm1, $0xb8;
	[tilespmem:$0x18100] =	vst v63  }
0xdb: {  	s2 =	simm.s32 @!p0 $0x1900  }
0xdc: {  	[tilespmem:s2], [sflag:$0x1] =	stream.indirect_vreg.gather @!p0 [hbm4b:s10+s1], $0x80, v2, vm1, $0xb8;
	[tilespmem:$0x18100] =	vst v63  }
0xdd: {  	s2 =	simm.s32 @!p0 $0x2100  }
0xde: {  	[tilespmem:s2], [sflag:$0x1] =	stream.indirect_vreg.gather @!p0 [hbm4b:s12+s1], $0x80, v2, vm1, $0xb8;
	[tilespmem:$0x18100] =	vst v63  }
0xdf: {  	s2 =	simm.s32 @!p0 $0x2900  }
0xe0: {  	[tilespmem:s2], [sflag:$0x1] =	stream.indirect_vreg.gather @!p0 [hbm4b:s11+s1], $0x80, v2, vm1, $0xb8;
	[tilespmem:$0x18100] =	vst v63  }
0xe1: {  	s2 =	simm.s32 @!p0 $0x3100  }
0xe2: {  	[tilespmem:s2], [sflag:$0x1] =	stream.indirect_vreg.gather @!p0 [hbm4b:s13+s1], $0x80, v2, vm1, $0xb8;
	[tilespmem:$0x18100] =	vst v63  }
0xe3: {  	s2 =	simm.s32 @!p0 $0x3900  }
0xe4: {  	[tilespmem:s2], [sflag:$0x1] =	stream.indirect_vreg.gather @!p0 [hbm4b:s15+s1], $0x80, v2, vm1, $0xb8;
	[tilespmem:$0x18100] =	vst v63  }
0xe5: {  	v2 =	vld.msk @!p0 [tilespmem:s0+$0x90], $0xff;
	_ =	sdelay $0x4  }
0xe6: {  	v5 =	vshll.u32 @!p0 v2, $0x4  }
0xe7: {  	v2 =	vand.u32 @!p0 $0x7, v2;
	v5 =	vand.u32 @!p0 $0xFFFFFF80, v5  }
0xe8: {  	v2 =	vor.u32 @!p0 v2, v5  }
0xe9: {  	v2 =	vperm.xlane @!p0 v2, v3;
	_ =	sdelay $0x1  }
0xea: {  	v2 =	vadd.s32 @!p0 v4, v2;
	_ =	sdelay $0x3  }
0xeb: {  	s2 =	simm.s32 @!p0 $0x4100  }
0xec: {  	[tilespmem:s2], [sflag:$0x1] =	stream.indirect_vreg.gather @!p0 [hbm4b:s5+s1], $0x80, v2, vm1, $0xb8;
	[tilespmem:$0x18100] =	vst v63  }
0xed: {  	s2 =	simm.s32 @!p0 $0x4900  }
0xee: {  	[tilespmem:s2], [sflag:$0x1] =	stream.indirect_vreg.gather @!p0 [hbm4b:s8+s1], $0x80, v2, vm1, $0xb8;
	[tilespmem:$0x18100] =	vst v63  }
0xef: {  	s2 =	simm.s32 @!p0 $0x5100  }
0xf0: {  	[tilespmem:s2], [sflag:$0x1] =	stream.indirect_vreg.gather @!p0 [hbm4b:s9+s1], $0x80, v2, vm1, $0xb8;
	[tilespmem:$0x18100] =	vst v63  }
0xf1: {  	s2 =	simm.s32 @!p0 $0x5900  }
0xf2: {  	[tilespmem:s2], [sflag:$0x1] =	stream.indirect_vreg.gather @!p0 [hbm4b:s10+s1], $0x80, v2, vm1, $0xb8;
	[tilespmem:$0x18100] =	vst v63  }
0xf3: {  	s2 =	simm.s32 @!p0 $0x6100  }
0xf4: {  	[tilespmem:s2], [sflag:$0x1] =	stream.indirect_vreg.gather @!p0 [hbm4b:s12+s1], $0x80, v2, vm1, $0xb8;
	[tilespmem:$0x18100] =	vst v63  }
0xf5: {  	s0 =	sadd.s32 @!p0 $0x10, s0;
	s2 =	simm.s32 @!p0 $0x6900  }
0xf6: {  	[tilespmem:s2], [sflag:$0x1] =	stream.indirect_vreg.gather @!p0 [hbm4b:s11+s1], $0x80, v2, vm1, $0xb8;
	[tilespmem:$0x18100] =	vst v63  }
0xf7: {  	s0 =	sadd.s32 @!p0 s14, s0;
	s2 =	simm.s32 @!p0 $0x7100  }
0xf8: {  	[tilespmem:s2], [sflag:$0x1] =	stream.indirect_vreg.gather @!p0 [hbm4b:s13+s1], $0x80, v2, vm1, $0xb8;
	[tilespmem:$0x18100] =	vst v63  }
0xf9: {  	s0 =	sshll.u32 @!p0 s0, $0x8;
	s2 =	simm.s32 @!p0 $0x7900  }
0xfa: {  	[tilespmem:s2], [sflag:$0x1] =	stream.indirect_vreg.gather @!p0 [hbm4b:s15+s1], $0x80, v2, vm1, $0xb8;
	[tilespmem:$0x18100] =	vst v63  }
0xfb: {  	s0 =	sadd.s32 @!p0 s5, s0;
	s2 =	simm.s32 @!p0 $0x8100  }
0xfc: {  	[tilespmem:s2], [sflag:$0x1] =	stream.linear.gather @!p0 [hbm4b:s0+s1], $0x4000, $0x38;
	[tilespmem:$0x18100] =	vst v63  }
0xfd: {  	s1 =	simm.s32 $0x0;
	s0 =	simm.s32 $0x0  }
.LBB2_7:
0xfe: {  	s20 =	sshll.u32 s0, $0x7;
	s2 =	sand.u32 $0x40, s1  }
0xff: {  	s4 =	sand.u32 $0x3C00, s1;
	s6 =	sor.u32 s20, s2  }
0x100: {  	s6 =	sor.u32 s4, s6  }
0x101: {  	v2 =	vld [tilespmem:s6+$0xC100]  }
0x102: {  	v3 =	vld [tilespmem:s6+$0x10100];
	_ =	sdelay $0x1  }
0x103: {  	v4 =	vld [tilespmem:s6+$0x14100];
	_ =	sdelay $0x2  }
0x104: {  	v2 =	vadd.f32 v3, v2;
	_ =	sdelay $0x1  }
0x105: {  	s22 =	sor.u32 $0x10, s20;
	v2 =	vadd.f32 v4, v2  }
0x106: {  	s7 =	sor.u32 s22, s2  }
0x107: {  	s21 =	sor.u32 s4, s7;
	[tilespmem:s6+$0xC100] =	vst v2  }
0x108: {  	v2 =	vld [tilespmem:s21+$0xC100]  }
0x109: {  	v3 =	vld [tilespmem:s21+$0x10100];
	_ =	sdelay $0x1  }
0x10a: {  	v4 =	vld [tilespmem:s21+$0x14100];
	_ =	sdelay $0x2  }
0x10b: {  	v2 =	vadd.f32 v3, v2;
	_ =	sdelay $0x1  }
0x10c: {  	s23 =	sor.u32 $0x20, s20;
	v2 =	vadd.f32 v4, v2  }
0x10d: {  	s24 =	sor.u32 s23, s2  }
0x10e: {  	s25 =	sor.u32 s4, s24;
	[tilespmem:s21+$0xC100] =	vst v2  }
0x10f: {  	v2 =	vld [tilespmem:s25+$0xC100]  }
0x110: {  	v3 =	vld [tilespmem:s25+$0x10100];
	_ =	sdelay $0x1  }
0x111: {  	v4 =	vld [tilespmem:s25+$0x14100];
	_ =	sdelay $0x2  }
0x112: {  	v2 =	vadd.f32 v3, v2;
	_ =	sdelay $0x1  }
0x113: {  	s24 =	sor.u32 $0x30, s20;
	v2 =	vadd.f32 v4, v2  }
0x114: {  	s2 =	sor.u32 s24, s2  }
0x115: {  	s16 =	sor.u32 s4, s2;
	[tilespmem:s25+$0xC100] =	vst v2  }
0x116: {  	v3 =	vld [tilespmem:s16+$0xC100]  }
0x117: {  	v4 =	vld [tilespmem:s16+$0x10100]  }
0x118: {  	s6 =	simm.s32 $0x0;
	s25 =	simm.s32 $0x40;
	v2 =	vld [tilespmem:s16+$0x14100]  }
.LBB2_8:
0x119: {  	_ = 	snop  }
0x11a: {  	p0 =	sne.s32 s25, $0x7C0  }
0x11b: {  	s6 =	sadd.s32 $0x200, s6;
	s2 =	smov.u32 s25;
	s25 =	sadd.s32 $0x40, s25  }
0x11c: {  	v3 =	vadd.f32 v4, v3  }
0x11d: {  	s2 =	sand.u32 $0x40, s2  }
0x11e: {  	s7 =	sand.u32 $0x3C00, s6;
	s4 =	sor.u32 s20, s2;
	s18 =	sor.u32 s22, s2;
	v2 =	vadd.f32 v2, v3  }
0x11f: {  	s21 =	sor.u32 s23, s2;
	s2 =	sor.u32 s24, s2;
	s4 =	sor.u32 s7, s4  }
0x120: {  	[tilespmem:s16+$0xC100] =	vst v2  }
0x121: {  	v2 =	vld [tilespmem:s4+$0xC100]  }
0x122: {  	v3 =	vld [tilespmem:s4+$0x10100];
	_ =	sdelay $0x1  }
0x123: {  	v4 =	vld [tilespmem:s4+$0x14100];
	_ =	sdelay $0x2  }
0x124: {  	v2 =	vadd.f32 v3, v2;
	_ =	sdelay $0x1  }
0x125: {  	v2 =	vadd.f32 v4, v2;
	_ =	sdelay $0x1  }
0x126: {  	[tilespmem:s4+$0xC100] =	vst v2;
	s4 =	sor.u32 s7, s18  }
0x127: {  	v2 =	vld [tilespmem:s4+$0xC100]  }
0x128: {  	v3 =	vld [tilespmem:s4+$0x10100];
	_ =	sdelay $0x1  }
0x129: {  	v4 =	vld [tilespmem:s4+$0x14100];
	_ =	sdelay $0x2  }
0x12a: {  	v2 =	vadd.f32 v3, v2;
	_ =	sdelay $0x1  }
0x12b: {  	v2 =	vadd.f32 v4, v2;
	_ =	sdelay $0x1  }
0x12c: {  	[tilespmem:s4+$0xC100] =	vst v2;
	s4 =	sor.u32 s7, s21  }
0x12d: {  	v2 =	vld [tilespmem:s4+$0xC100]  }
0x12e: {  	v3 =	vld [tilespmem:s4+$0x10100];
	_ =	sdelay $0x1  }
0x12f: {  	v4 =	vld [tilespmem:s4+$0x14100];
	_ =	sdelay $0x2  }
0x130: {  	v2 =	vadd.f32 v3, v2;
	_ =	sdelay $0x1  }
0x131: {  	v2 =	vadd.f32 v4, v2  }
.Ltmp2:
0x132: {  	(pc) =	sbr.rel @p0 .LBB2_8-.Ltmp2, $4  }
0x133: {  	s16 =	sor.u32 s7, s2;
	[tilespmem:s4+$0xC100] =	vst v2  }
0x134: {  	v3 =	vld [tilespmem:s16+$0xC100]  }
0x135: {  	v4 =	vld [tilespmem:s16+$0x10100]  }
0x136: {  	v2 =	vld [tilespmem:s16+$0x14100]  }
0x137: {  	_ = 	snop  }
0x138: {  	s0 =	sadd.s32 $0x1, s0  }
0x139: {  	p0 =	sne.s32 s0, $0x8  }
.Ltmp3:
0x13a: {  	v3 =	vadd.f32 v4, v3;
	(pc) =	sbr.rel @p0 .LBB2_7-.Ltmp3, $3  }
0x13b: {  	_ = 	snop  }
0x13c: {  	v2 =	vadd.f32 v2, v3;
	_ =	sdelay $0x1  }
0x13d: {  	[tilespmem:s16+$0xC100] =	vst v2  }
0x13e: {  	s0 =	rddreg [dreg:$0x3]  }
0x13f: {  	s30 =	sadd.s32 $0x1, s30;
	s0 =	sadd.s32 s0, s31  }
0x140: {  	s1 =	rddreg [dreg:$0x1];
	p0 =	sne.s32 s30, $0x8;
	s0 =	sshll.u32 s0, $0xB  }
.Ltmp4:
0x141: {  	s0 =	sadd.s32 s1, s0;
	(pc) =	sbr.rel @p0 .LBB2_2-.Ltmp4, $4  }
0x142: {  	[hbm4b:s0+s3] =	stream.linear.scatter [tilespmem:s28], [sflag:$0x3], $0x4000, $0x38;
	[tilespmem:$0x18100] =	vst v63  }
0x143: {  	_ =	swait.ge [sflag:s19], $0x4000  }
0x144: {  	[sflag:s19] =	ssyncset.done $0x0  }
0x145: {  	[sflag:s19] =	ssyncadd.s32 $0xFFFFC000  }
0x146: {  	s1 =	rddreg [dreg:$0x8]  }
0x147: {  	s0 =	rddreg [dreg:$0x7];
	s1 =	sadd.s32 $0x1, s1  }
0x148: {  	p0 =	sne.s32 s1, s0  }
.Ltmp5:
0x149: {  	_ = 	snop;
	(pc) =	sbr.rel @p0 .LBB2_1-.Ltmp5, $1  }
0x14a: {  	_ =	sdelay $0x3  }
0x14b: {  	_ =	sfence.sel $0x180000  }
0x14c: {  	[bflag:$0x0] =	sbarrier.arrive $0xFFFF  }
0x14d: {  	_ =	strace $0x9000004A  }
0x14e: {  	s0 =	stileid.u32;
	[bflag:$0x2] =	sbarrier.arrive $0xFFFF  }
0x14f: {  	p0 =	sne.s32 s0, $0x0;
	s0 =	rddreg [dreg:$0x2]  }
0x150: {  	s0 =	sadd.s32 @!p0 $0x100000, s0  }
0x151: {  	[sflag:s0] =	ssyncadd.tile.s32 @!p0 $0x1;
	_ =	shalt  }
.Lfunc_end2:
_tile_overlayer_lowered:
.L_overlay_start_2:
0x152: {  	(tag) =	ssettag $0x2  }
0x153: {  	s0 =	rddreg [dreg:$0x0];
	s2 =	stileid.u32  }
0x154: {  	s1 =	rddreg [dreg:$0x1];
	p0 =	sne.s32 s2, $0x0  }
0x155: {  	s3 =	rddreg [dreg:$0x2];
	[bflag:$0x3] =	sbarrier.arrive $0xFFFF;
	s2 =	simm.s32 @!p0 $0x1C03  }
0x156: {  	[timem:s3], [sflag:s2] =	dma.local @!p0 [hbm:s0], s1  }
0x157: {  	s0 =	simm.s32 @!p0 $0x3  }
0x158: {  	_ =	swait.ge @!p0 [sflag:s0], s1  }
0x159: {  	s1 =	ssub.s32 @!p0 $0x0, s1;
	[sflag:s0] =	ssyncset.done @!p0 $0x0  }
0x15a: {  	[sflag:s0] =	ssyncadd.s32 @!p0 s1  }
0x15b: {  	[bflag:$0x3] =	sbarrier.arrive $0xFFFF  }
0x15c: {  	_ =	shalt  }

</sc_bundles>
